<compile_context>
chip_gen: v7x
topology: tpu7x:2x2x1
jax: 0.10.2.dev20260603
libtpu: 0.0.44.dev20260713+nightly
codegen_flags: <defaults>
</compile_context>

<pallas_src>
import functools

import jax
import jax.numpy as jnp
from jax import lax
from jax.experimental import pallas as pl
from jax.experimental.pallas import tpu as pltpu
from jax.experimental.pallas import tpu_sc as plsc

_K = 3
_TR = 512
_NW = 32
_NSUB = 16
_CH = 128



def _knn_body(xi_ref, xt_ref, aai_ref, aaj_ref, iout_ref, wout_ref, dout_ref, *, n):
    xi = xi_ref[0]
    xt = xt_ref[0]
    aa_i = aai_ref[0, 0]
    aa_j = aaj_ref[0, 0]
    dotp = jnp.dot(xi, xt, preferred_element_type=jnp.float32)
    d2 = aa_i[:, None] + aa_j[None, :] - 2.0 * dotp
    d2 = jnp.maximum(d2, 0.0)
    dis = jnp.sqrt(d2)
    avg = jnp.mean(dis, axis=1)
    denom = avg * avg + 1e-12
    iota = jax.lax.broadcasted_iota(jnp.int32, (_TR, n), 1).astype(jnp.float32)
    cur = dis
    ws = []
    for k in range(_K):
        m = jnp.min(cur, axis=1)
        eq = cur == m[:, None]
        ikf = jnp.min(jnp.where(eq, iota, jnp.float32(n)), axis=1)
        wk = jnp.exp(-(m * m) / denom)
        iout_ref[0, k, :] = ikf.astype(jnp.int32)
        wout_ref[0, k, :] = wk
        ws.append(wk)
        if k < _K - 1:
            cur = jnp.where(iota == ikf[:, None], jnp.inf, cur)
    dout_ref[0, 0, :] = 1.0 / (ws[0] + ws[1] + ws[2])


def _knn_topk(xl):
    b, n, _ = xl.shape
    xp = jnp.pad(xl, ((0, 0), (0, 0), (0, 5)))
    xpt = xp.transpose(0, 2, 1)
    aa = jnp.sum(xl * xl, axis=2).reshape(b, 1, n)
    grid = (b, n // _TR)
    return pl.pallas_call(
        functools.partial(_knn_body, n=n),
        grid=grid,
        in_specs=[
            pl.BlockSpec((1, _TR, 8), lambda bi, ri: (bi, ri, 0)),
            pl.BlockSpec((1, 8, n), lambda bi, ri: (bi, 0, 0)),
            pl.BlockSpec((1, 1, _TR), lambda bi, ri: (bi, 0, ri)),
            pl.BlockSpec((1, 1, n), lambda bi, ri: (bi, 0, 0)),
        ],
        out_specs=[
            pl.BlockSpec((1, _K, _TR), lambda bi, ri: (bi, 0, ri)),
            pl.BlockSpec((1, _K, _TR), lambda bi, ri: (bi, 0, ri)),
            pl.BlockSpec((1, 1, _TR), lambda bi, ri: (bi, 0, ri)),
        ],
        out_shape=[
            jax.ShapeDtypeStruct((b, _K, n), jnp.int32),
            jax.ShapeDtypeStruct((b, _K, n), jnp.float32),
            jax.ShapeDtypeStruct((b, 1, n), jnp.float32),
        ],
    )(xp, xpt, aa, aa)



def _sc_mesh():
    return plsc.VectorSubcoreMesh(core_axis_name="c", subcore_axis_name="s")


def _sc_gather(table, idx3):
    e, d = table.shape
    nch = idx3.shape[1]
    rw = nch * _CH
    r = _NW * rw

    @functools.partial(
        pl.kernel,
        out_type=jax.ShapeDtypeStruct((r, d), jnp.float32),
        mesh=_sc_mesh(),
        scratch_types=[
            pltpu.VMEM((nch, _CH), jnp.int32),
            pltpu.VMEM((rw, d), jnp.float32),
            pltpu.SemaphoreType.DMA,
        ],
        compiler_params=pltpu.CompilerParams(use_tc_tiling_on_sc=False),
    )
    def k(table_hbm, idx_hbm, out_hbm, idx_v, rows_v, sem):
        wid = lax.axis_index("s") * 2 + lax.axis_index("c")
        pltpu.sync_copy(idx_hbm.at[wid], idx_v)
        descs = []
        for c in range(nch):
            descs.append(pltpu.async_copy(
                table_hbm.at[idx_v.at[c]], rows_v.at[pl.ds(c * _CH, _CH)], sem))
        for de in descs:
            de.wait()
        pltpu.sync_copy(rows_v, out_hbm.at[pl.ds(wid * rw, rw)])

    return k(table, idx3)


def _sc_scatter_add(rows, idx3, e):
    r, d = rows.shape
    nch = idx3.shape[1]
    rw = nch * _CH
    npers = e // _NSUB
    zer = jnp.zeros((e, d), jnp.float32)

    @functools.partial(
        pl.kernel,
        out_type=jax.ShapeDtypeStruct((2, e, d), jnp.float32),
        mesh=_sc_mesh(),
        scratch_types=[
            pltpu.VMEM((nch, _CH), jnp.int32),
            pltpu.VMEM((rw, d), jnp.float32),
            pltpu.VMEM_SHARED((e, d), jnp.float32),
        ],
        compiler_params=pltpu.CompilerParams(use_tc_tiling_on_sc=False),
    )
    def k(rows_hbm, idx_hbm, zer_hbm, out_hbm, idx_v, rows_v, shared):
        cid = lax.axis_index("c")
        sid = lax.axis_index("s")
        wid = sid * 2 + cid
        pltpu.sync_copy(zer_hbm.at[pl.ds(sid * npers, npers)],
                        shared.at[pl.ds(sid * npers, npers)])
        pltpu.sync_copy(idx_hbm.at[wid], idx_v)
        pltpu.sync_copy(rows_hbm.at[pl.ds(wid * rw, rw)], rows_v)
        plsc.subcore_barrier()
        for c in range(nch):
            pltpu.sync_copy(rows_v.at[pl.ds(c * _CH, _CH)],
                            shared.at[idx_v.at[c]], add=True)
        plsc.subcore_barrier()
        pltpu.sync_copy(shared.at[pl.ds(sid * npers, npers)],
                        out_hbm.at[cid, pl.ds(sid * npers, npers)])

    return k(rows, idx3, zer)



def _combine_body(g_ref, w_ref, inv_ref, p_ref):
    t = (g_ref[0] * w_ref[0, 0][:, None]
         + g_ref[1] * w_ref[1, 0][:, None]
         + g_ref[2] * w_ref[2, 0][:, None])
    s = inv_ref[0, 0][:, None] * t
    for k in range(_K):
        p_ref[k] = w_ref[k, 0][:, None] * s


def _tc_combine(g, w3, invde3, e, d):
    te = 2048
    return pl.pallas_call(
        _combine_body,
        grid=(e // te,),
        in_specs=[
            pl.BlockSpec((_K, te, d), lambda i: (0, i, 0)),
            pl.BlockSpec((_K, 1, te), lambda i: (0, 0, i)),
            pl.BlockSpec((1, 1, te), lambda i: (0, 0, i)),
        ],
        out_specs=pl.BlockSpec((_K, te, d), lambda i: (0, i, 0)),
        out_shape=jax.ShapeDtypeStruct((_K, e, d), jnp.float32),
    )(g, w3, invde3)


def _final_body(y_ref, dv2_ref, wc_ref, bc_ref, out_ref):
    y = y_ref[0] + y_ref[1]
    h2 = dv2_ref[0, 0][:, None] * y
    f = jnp.max(h2, axis=0)
    out_ref[0, 0] = jnp.sum(wc_ref[...] * f[None, :], axis=1) + bc_ref[0]


def _tc_final(y, dv2_3, W_cls, b_cls, b, n, d):
    cls = W_cls.shape[0]
    out = pl.pallas_call(
        _final_body,
        grid=(b,),
        in_specs=[
            pl.BlockSpec((2, n, d), lambda bi: (0, bi, 0)),
            pl.BlockSpec((1, 1, n), lambda bi: (0, 0, bi)),
            pl.BlockSpec((cls, d), lambda bi: (0, 0)),
            pl.BlockSpec((1, cls), lambda bi: (0, 0)),
        ],
        out_specs=pl.BlockSpec((1, 1, cls), lambda bi: (bi, 0, 0)),
        out_shape=jax.ShapeDtypeStruct((b, 1, cls), jnp.float32),
    )(y, dv2_3, W_cls, b_cls.reshape(1, cls))
    return out.reshape(b, cls)



def kernel(x, theta, bias, W_cls, b_cls):
    b, _, n, _ = x.shape
    hid = theta.shape[1]
    e = b * n
    r = e * _K
    nch = r // (_NW * _CH)
    xl = x[:, -1]
    idx, w, invde = _knn_topk(xl)

    gidx = (idx + (jnp.arange(b, dtype=jnp.int32) * n)[:, None, None])
    gidx_t = gidx.transpose(1, 0, 2).reshape(_K, e)
    idx3 = gidx_t.reshape(_NW, nch, _CH)
    wt = w.transpose(1, 0, 2).reshape(_K, e)
    w3 = wt.reshape(_K, 1, e)
    invde3 = invde.reshape(1, 1, e)

    p_dv = jnp.broadcast_to(wt.reshape(r)[:, None], (r, 16))
    dv_part = _sc_scatter_add(p_dv, idx3, e)
    dv = dv_part[0, :, 0] + dv_part[1, :, 0]
    dv2 = jnp.where(dv > 0, dv ** -0.5, 0.0)

    theta_t = jnp.broadcast_to(theta[None], (b, n, hid)).reshape(e, hid)

    def apply_op(u):
        g = _sc_gather(u, idx3).reshape(_K, e, hid)
        p = _tc_combine(g, w3, invde3, e, hid).reshape(r, hid)
        return _sc_scatter_add(p, idx3, e)

    y0 = apply_op(dv2[:, None] * theta_t)
    h1 = dv2[:, None] * (y0[0] + y0[1]) + bias
    y1 = apply_op(dv2[:, None] * h1)
    return _tc_final(y1, dv2.reshape(1, 1, e), W_cls, b_cls, b, n, hid)

# --- scband reference (transcript-rebuilt; emitter-appended) ---
"""Pipeline reference for scband-frame-wise-hgnn-21294447854181 (READ-ONLY COPY).

The authoritative reference and input builder live on the scoring server;
editing this copy changes nothing except your own understanding.
"""

import jax, jax.numpy as jnp
import numpy as np

K_NEIGS = 3
M_PROB = 1.0


def eu_dis(x):
    aa = jnp.sum(x * x, axis=1)
    d2 = aa[:, None] + aa[None, :] - 2.0 * (x @ x.T)
    d2 = jnp.maximum(d2, 0.0)
    return jnp.sqrt(d2)


def construct_H_with_KNN(ft, k_neigs=K_NEIGS, m_prob=M_PROB):
    # classic HGNN: each node is the center of one hyperedge (column),
    # containing its k nearest neighbors with prob weights exp(-d^2/(m*avg_d)^2)
    n = ft.shape[0]
    dis = eu_dis(ft)                       # [N, N]
    avg_dis = jnp.mean(dis, axis=1)        # per-center average distance
    neg_vals, idx = jax.lax.top_k(-dis, k_neigs)   # k smallest distances per center row
    knn_dis = -neg_vals                    # [N, k]
    w = jnp.exp(-(knn_dis ** 2) / ((m_prob * avg_dis[:, None]) ** 2 + 1e-12))
    rows = idx.reshape(-1)                                  # member node indices
    cols = jnp.repeat(jnp.arange(n), k_neigs)               # hyperedge (center) indices
    H = jnp.zeros((n, n), ft.dtype).at[rows, cols].set(w.reshape(-1))
    return H


def generate_G_from_H(H):
    W = jnp.ones((H.shape[1],), H.dtype)
    DV = jnp.sum(H * W[None, :], axis=1)
    DE = jnp.sum(H, axis=0)
    invDE = jnp.where(DE > 0, 1.0 / DE, 0.0)
    dv2 = jnp.where(DV > 0, DV ** -0.5, 0.0)
    left = dv2[:, None] * H * (W * invDE)[None, :]   # DV^-1/2 H W DE^-1
    right = H.T * dv2[None, :]                        # H^T DV^-1/2
    return left @ right


def gen_G(x):
    # inner loop of original gen_G overwrites g each frame, so only the LAST
    # frame's hypergraph survives; output-equivalent to using x[:, -1]
    last = x[:, -1]  # [B, N, 3]
    return jax.vmap(lambda ft: generate_G_from_H(construct_H_with_KNN(ft)))(last)


def setup_inputs(seed: int = 0) -> dict:
    key = jax.random.key(seed)
    ks = jax.random.split(key, 5)
    B, F, N, hid, cls = 4, 2, 2048, 64, 8
    x = jax.random.normal(ks[0], (B, F, N, 3), jnp.float32)
    theta = jax.random.normal(ks[1], (N, hid), jnp.float32) * (1.0 / np.sqrt(N))
    bias = jnp.zeros((hid,), jnp.float32)
    W_cls = jax.random.normal(ks[2], (cls, hid), jnp.float32) * (1.0 / np.sqrt(hid))
    b_cls = jnp.zeros((cls,), jnp.float32)
    return {"x": x, "theta": theta, "bias": bias, "W_cls": W_cls, "b_cls": b_cls}


def reference(x, theta, bias, W_cls, b_cls):
    G = gen_G(x)                                      # [B, N, N]
    # single HGNN_conv called as L(f_in, f_in): G @ (G @ theta + bias)
    h = jnp.einsum('bij,jk->bik', G, theta) + bias    # x.matmul(theta) + bias, x == G
    h = jnp.einsum('bij,bjk->bik', G, h)              # G.matmul(x)
    f = jnp.max(h, axis=1)                            # f_in.max(1)[0]
    return f @ W_cls.T + b_cls                        # cls_layer

if __name__ == "__main__":
    import jax
    _d = setup_inputs()
    print(jax.jit(kernel)(*tuple(_d.values())))

</pallas_src>

<mosaic_0001>
#map = affine_map<(d0, d1) -> (0, 0)>
#map1 = affine_map<(d0, d1) -> (0, 0, 0)>
module attributes {stable_mosaic.version = 14 : i64} {
  func.func @k(%arg0: i32, %arg1: i32, %arg2: memref<8192x64xf32, #tpu.memory_space<hbm>>, %arg3: memref<32x6x128xi32, #tpu.memory_space<hbm>>, %arg4: memref<24576x64xf32, #tpu.memory_space<hbm>>, %arg5: memref<6x128xi32, #tpu.memory_space<vmem>>, %arg6: memref<768x64xf32, #tpu.memory_space<vmem>>, %arg7: memref<!tpu.dma_semaphore, #tpu.memory_space<semaphore_mem>>) attributes {dimension_semantics = [#tpu.dimension_semantics<core_parallel>, #tpu.dimension_semantics<subcore_parallel>], iteration_bounds = array<i64: 2, 16>, scalar_prefetch = 0 : i64, scratch_operands = 3 : i64, tpu.core_type = #tpu.core_type<sc_vector_subcore>, window_params = [{transform_indices = #map}, {transform_indices = #map1}, {transform_indices = #map}]} {
    %mul3A = arith.constant 2 : i32
    %mul3A_0 = arith.muli %arg1, %mul3A : i32
    %add3A = arith.addi %mul3A_0, %arg0 : i32
    "tpu.region"() ({
      %run_scoped3A = tpu.sem_alloc : memref<!tpu.dma_semaphore, #tpu.memory_space<semaphore_mem>>
      %dma_start3A_121 = arith.constant 0 : i32
      %dma_start3A_122 = arith.constant 0 : i32
      %dma_start3A_123 = tpu.memref_slice %arg3[%add3A, %dma_start3A_121, %dma_start3A_122] : memref<32x6x128xi32, #tpu.memory_space<hbm>> -> memref<1x6x128xi32, #tpu.memory_space<hbm>>
      %dma_start3A_124 = tpu.memref_squeeze %dma_start3A_123 : memref<1x6x128xi32, #tpu.memory_space<hbm>> -> memref<6x128xi32, #tpu.memory_space<hbm>>
      %dma_start3A_125 = arith.constant 0 : i32
      %dma_start3A_126 = arith.constant 0 : i32
      %dma_start3A_127 = tpu.memref_slice %arg3[%add3A, %dma_start3A_125, %dma_start3A_126] : memref<32x6x128xi32, #tpu.memory_space<hbm>> -> memref<1x6x128xi32, #tpu.memory_space<hbm>>
      %dma_start3A_128 = tpu.memref_squeeze %dma_start3A_127 : memref<1x6x128xi32, #tpu.memory_space<hbm>> -> memref<6x128xi32, #tpu.memory_space<hbm>>
      tpu.enqueue_dma source(%dma_start3A_128 : memref<6x128xi32, #tpu.memory_space<hbm>>) target(%arg5 : memref<6x128xi32, #tpu.memory_space<vmem>>) target_semaphore(%run_scoped3A : memref<!tpu.dma_semaphore, #tpu.memory_space<semaphore_mem>>)
      %dma_wait3A_129 = arith.constant 0 : i32
      %dma_wait3A_130 = arith.constant 0 : i32
      %dma_wait3A_131 = tpu.memref_slice %arg3[%add3A, %dma_wait3A_129, %dma_wait3A_130] : memref<32x6x128xi32, #tpu.memory_space<hbm>> -> memref<1x6x128xi32, #tpu.memory_space<hbm>>
      %dma_wait3A_132 = tpu.memref_squeeze %dma_wait3A_131 : memref<1x6x128xi32, #tpu.memory_space<hbm>> -> memref<6x128xi32, #tpu.memory_space<hbm>>
      %dma_wait3A_133 = arith.constant 0 : i32
      %dma_wait3A_134 = arith.constant 0 : i32
      %dma_wait3A_135 = tpu.memref_slice %arg3[%add3A, %dma_wait3A_133, %dma_wait3A_134] : memref<32x6x128xi32, #tpu.memory_space<hbm>> -> memref<1x6x128xi32, #tpu.memory_space<hbm>>
      %dma_wait3A_136 = tpu.memref_squeeze %dma_wait3A_135 : memref<1x6x128xi32, #tpu.memory_space<hbm>> -> memref<6x128xi32, #tpu.memory_space<hbm>>
      tpu.wait_dma2 semaphore(%run_scoped3A : memref<!tpu.dma_semaphore, #tpu.memory_space<semaphore_mem>>) src(%dma_wait3A_136 : memref<6x128xi32, #tpu.memory_space<hbm>>) dst(%arg5 : memref<6x128xi32, #tpu.memory_space<vmem>>)
      tpu.yield
    }) : () -> ()
    %dma_start3A = arith.constant 0 : i32
    %dma_start3A_1 = arith.constant 0 : i32
    %dma_start3A_2 = arith.constant 0 : i32
    %dma_start3A_3 = tpu.memref_slice %arg6[%dma_start3A_1, %dma_start3A_2] : memref<768x64xf32, #tpu.memory_space<vmem>> -> memref<128x64xf32, #tpu.memory_space<vmem>>
    %dma_start3A_4 = arith.constant 0 : i32
    %dma_start3A_5 = tpu.memref_slice %arg5[%dma_start3A, %dma_start3A_4] : memref<6x128xi32, #tpu.memory_space<vmem>> -> memref<1x128xi32, #tpu.memory_space<vmem>>
    %dma_start3A_6 = tpu.memref_squeeze %dma_start3A_5 : memref<1x128xi32, #tpu.memory_space<vmem>> -> memref<128xi32, #tpu.memory_space<vmem>>
    %dma_start3A_7 = arith.constant 0 : i32
    %dma_start3A_8 = arith.constant 0 : i32
    %dma_start3A_9 = tpu.memref_slice %arg2[%dma_start3A_7, %dma_start3A_8] : memref<8192x64xf32, #tpu.memory_space<hbm>> -> memref<8192x64xf32, #tpu.memory_space<hbm>>
    tpu.enqueue_indirect_dma source(%dma_start3A_9 : memref<8192x64xf32, #tpu.memory_space<hbm>>) target(%dma_start3A_3 : memref<128x64xf32, #tpu.memory_space<vmem>>) offsets(%dma_start3A_6 : memref<128xi32, #tpu.memory_space<vmem>>) semaphore(%arg7 : memref<!tpu.dma_semaphore, #tpu.memory_space<semaphore_mem>>)
    %dma_start3A_10 = arith.constant 1 : i32
    %dma_start3A_11 = arith.constant 128 : i32
    %dma_start3A_12 = arith.constant 0 : i32
    %dma_start3A_13 = tpu.memref_slice %arg6[%dma_start3A_11, %dma_start3A_12] : memref<768x64xf32, #tpu.memory_space<vmem>> -> memref<128x64xf32, #tpu.memory_space<vmem>>
    %dma_start3A_14 = arith.constant 0 : i32
    %dma_start3A_15 = tpu.memref_slice %arg5[%dma_start3A_10, %dma_start3A_14] : memref<6x128xi32, #tpu.memory_space<vmem>> -> memref<1x128xi32, #tpu.memory_space<vmem>>
    %dma_start3A_16 = tpu.memref_squeeze %dma_start3A_15 : memref<1x128xi32, #tpu.memory_space<vmem>> -> memref<128xi32, #tpu.memory_space<vmem>>
    %dma_start3A_17 = arith.constant 0 : i32
    %dma_start3A_18 = arith.constant 0 : i32
    %dma_start3A_19 = tpu.memref_slice %arg2[%dma_start3A_17, %dma_start3A_18] : memref<8192x64xf32, #tpu.memory_space<hbm>> -> memref<8192x64xf32, #tpu.memory_space<hbm>>
    tpu.enqueue_indirect_dma source(%dma_start3A_19 : memref<8192x64xf32, #tpu.memory_space<hbm>>) target(%dma_start3A_13 : memref<128x64xf32, #tpu.memory_space<vmem>>) offsets(%dma_start3A_16 : memref<128xi32, #tpu.memory_space<vmem>>) semaphore(%arg7 : memref<!tpu.dma_semaphore, #tpu.memory_space<semaphore_mem>>)
    %dma_start3A_20 = arith.constant 2 : i32
    %dma_start3A_21 = arith.constant 256 : i32
    %dma_start3A_22 = arith.constant 0 : i32
    %dma_start3A_23 = tpu.memref_slice %arg6[%dma_start3A_21, %dma_start3A_22] : memref<768x64xf32, #tpu.memory_space<vmem>> -> memref<128x64xf32, #tpu.memory_space<vmem>>
    %dma_start3A_24 = arith.constant 0 : i32
    %dma_start3A_25 = tpu.memref_slice %arg5[%dma_start3A_20, %dma_start3A_24] : memref<6x128xi32, #tpu.memory_space<vmem>> -> memref<1x128xi32, #tpu.memory_space<vmem>>
    %dma_start3A_26 = tpu.memref_squeeze %dma_start3A_25 : memref<1x128xi32, #tpu.memory_space<vmem>> -> memref<128xi32, #tpu.memory_space<vmem>>
    %dma_start3A_27 = arith.constant 0 : i32
    %dma_start3A_28 = arith.constant 0 : i32
    %dma_start3A_29 = tpu.memref_slice %arg2[%dma_start3A_27, %dma_start3A_28] : memref<8192x64xf32, #tpu.memory_space<hbm>> -> memref<8192x64xf32, #tpu.memory_space<hbm>>
    tpu.enqueue_indirect_dma source(%dma_start3A_29 : memref<8192x64xf32, #tpu.memory_space<hbm>>) target(%dma_start3A_23 : memref<128x64xf32, #tpu.memory_space<vmem>>) offsets(%dma_start3A_26 : memref<128xi32, #tpu.memory_space<vmem>>) semaphore(%arg7 : memref<!tpu.dma_semaphore, #tpu.memory_space<semaphore_mem>>)
    %dma_start3A_30 = arith.constant 3 : i32
    %dma_start3A_31 = arith.constant 384 : i32
    %dma_start3A_32 = arith.constant 0 : i32
    %dma_start3A_33 = tpu.memref_slice %arg6[%dma_start3A_31, %dma_start3A_32] : memref<768x64xf32, #tpu.memory_space<vmem>> -> memref<128x64xf32, #tpu.memory_space<vmem>>
    %dma_start3A_34 = arith.constant 0 : i32
    %dma_start3A_35 = tpu.memref_slice %arg5[%dma_start3A_30, %dma_start3A_34] : memref<6x128xi32, #tpu.memory_space<vmem>> -> memref<1x128xi32, #tpu.memory_space<vmem>>
    %dma_start3A_36 = tpu.memref_squeeze %dma_start3A_35 : memref<1x128xi32, #tpu.memory_space<vmem>> -> memref<128xi32, #tpu.memory_space<vmem>>
    %dma_start3A_37 = arith.constant 0 : i32
    %dma_start3A_38 = arith.constant 0 : i32
    %dma_start3A_39 = tpu.memref_slice %arg2[%dma_start3A_37, %dma_start3A_38] : memref<8192x64xf32, #tpu.memory_space<hbm>> -> memref<8192x64xf32, #tpu.memory_space<hbm>>
    tpu.enqueue_indirect_dma source(%dma_start3A_39 : memref<8192x64xf32, #tpu.memory_space<hbm>>) target(%dma_start3A_33 : memref<128x64xf32, #tpu.memory_space<vmem>>) offsets(%dma_start3A_36 : memref<128xi32, #tpu.memory_space<vmem>>) semaphore(%arg7 : memref<!tpu.dma_semaphore, #tpu.memory_space<semaphore_mem>>)
    %dma_start3A_40 = arith.constant 4 : i32
    %dma_start3A_41 = arith.constant 512 : i32
    %dma_start3A_42 = arith.constant 0 : i32
    %dma_start3A_43 = tpu.memref_slice %arg6[%dma_start3A_41, %dma_start3A_42] : memref<768x64xf32, #tpu.memory_space<vmem>> -> memref<128x64xf32, #tpu.memory_space<vmem>>
    %dma_start3A_44 = arith.constant 0 : i32
    %dma_start3A_45 = tpu.memref_slice %arg5[%dma_start3A_40, %dma_start3A_44] : memref<6x128xi32, #tpu.memory_space<vmem>> -> memref<1x128xi32, #tpu.memory_space<vmem>>
    %dma_start3A_46 = tpu.memref_squeeze %dma_start3A_45 : memref<1x128xi32, #tpu.memory_space<vmem>> -> memref<128xi32, #tpu.memory_space<vmem>>
    %dma_start3A_47 = arith.constant 0 : i32
    %dma_start3A_48 = arith.constant 0 : i32
    %dma_start3A_49 = tpu.memref_slice %arg2[%dma_start3A_47, %dma_start3A_48] : memref<8192x64xf32, #tpu.memory_space<hbm>> -> memref<8192x64xf32, #tpu.memory_space<hbm>>
    tpu.enqueue_indirect_dma source(%dma_start3A_49 : memref<8192x64xf32, #tpu.memory_space<hbm>>) target(%dma_start3A_43 : memref<128x64xf32, #tpu.memory_space<vmem>>) offsets(%dma_start3A_46 : memref<128xi32, #tpu.memory_space<vmem>>) semaphore(%arg7 : memref<!tpu.dma_semaphore, #tpu.memory_space<semaphore_mem>>)
    %dma_start3A_50 = arith.constant 5 : i32
    %dma_start3A_51 = arith.constant 640 : i32
    %dma_start3A_52 = arith.constant 0 : i32
    %dma_start3A_53 = tpu.memref_slice %arg6[%dma_start3A_51, %dma_start3A_52] : memref<768x64xf32, #tpu.memory_space<vmem>> -> memref<128x64xf32, #tpu.memory_space<vmem>>
    %dma_start3A_54 = arith.constant 0 : i32
    %dma_start3A_55 = tpu.memref_slice %arg5[%dma_start3A_50, %dma_start3A_54] : memref<6x128xi32, #tpu.memory_space<vmem>> -> memref<1x128xi32, #tpu.memory_space<vmem>>
    %dma_start3A_56 = tpu.memref_squeeze %dma_start3A_55 : memref<1x128xi32, #tpu.memory_space<vmem>> -> memref<128xi32, #tpu.memory_space<vmem>>
    %dma_start3A_57 = arith.constant 0 : i32
    %dma_start3A_58 = arith.constant 0 : i32
    %dma_start3A_59 = tpu.memref_slice %arg2[%dma_start3A_57, %dma_start3A_58] : memref<8192x64xf32, #tpu.memory_space<hbm>> -> memref<8192x64xf32, #tpu.memory_space<hbm>>
    tpu.enqueue_indirect_dma source(%dma_start3A_59 : memref<8192x64xf32, #tpu.memory_space<hbm>>) target(%dma_start3A_53 : memref<128x64xf32, #tpu.memory_space<vmem>>) offsets(%dma_start3A_56 : memref<128xi32, #tpu.memory_space<vmem>>) semaphore(%arg7 : memref<!tpu.dma_semaphore, #tpu.memory_space<semaphore_mem>>)
    %dma_wait3A = arith.constant 0 : i32
    %dma_wait3A_60 = arith.constant 0 : i32
    %dma_wait3A_61 = arith.constant 0 : i32
    %dma_wait3A_62 = tpu.memref_slice %arg6[%dma_wait3A_60, %dma_wait3A_61] : memref<768x64xf32, #tpu.memory_space<vmem>> -> memref<128x64xf32, #tpu.memory_space<vmem>>
    %dma_wait3A_63 = arith.constant 0 : i32
    %dma_wait3A_64 = tpu.memref_slice %arg5[%dma_wait3A, %dma_wait3A_63] : memref<6x128xi32, #tpu.memory_space<vmem>> -> memref<1x128xi32, #tpu.memory_space<vmem>>
    %dma_wait3A_65 = tpu.memref_squeeze %dma_wait3A_64 : memref<1x128xi32, #tpu.memory_space<vmem>> -> memref<128xi32, #tpu.memory_space<vmem>>
    %dma_wait3A_66 = arith.constant 0 : i32
    %dma_wait3A_67 = arith.constant 0 : i32
    %dma_wait3A_68 = tpu.memref_slice %arg2[%dma_wait3A_66, %dma_wait3A_67] : memref<8192x64xf32, #tpu.memory_space<hbm>> -> memref<8192x64xf32, #tpu.memory_space<hbm>>
    tpu.wait_indirect_dma semaphore(%arg7 : memref<!tpu.dma_semaphore, #tpu.memory_space<semaphore_mem>>) src(%dma_wait3A_68 : memref<8192x64xf32, #tpu.memory_space<hbm>>) dst(%dma_wait3A_62 : memref<128x64xf32, #tpu.memory_space<vmem>>)
    %dma_wait3A_69 = arith.constant 1 : i32
    %dma_wait3A_70 = arith.constant 128 : i32
    %dma_wait3A_71 = arith.constant 0 : i32
    %dma_wait3A_72 = tpu.memref_slice %arg6[%dma_wait3A_70, %dma_wait3A_71] : memref<768x64xf32, #tpu.memory_space<vmem>> -> memref<128x64xf32, #tpu.memory_space<vmem>>
    %dma_wait3A_73 = arith.constant 0 : i32
    %dma_wait3A_74 = tpu.memref_slice %arg5[%dma_wait3A_69, %dma_wait3A_73] : memref<6x128xi32, #tpu.memory_space<vmem>> -> memref<1x128xi32, #tpu.memory_space<vmem>>
    %dma_wait3A_75 = tpu.memref_squeeze %dma_wait3A_74 : memref<1x128xi32, #tpu.memory_space<vmem>> -> memref<128xi32, #tpu.memory_space<vmem>>
    %dma_wait3A_76 = arith.constant 0 : i32
    %dma_wait3A_77 = arith.constant 0 : i32
    %dma_wait3A_78 = tpu.memref_slice %arg2[%dma_wait3A_76, %dma_wait3A_77] : memref<8192x64xf32, #tpu.memory_space<hbm>> -> memref<8192x64xf32, #tpu.memory_space<hbm>>
    tpu.wait_indirect_dma semaphore(%arg7 : memref<!tpu.dma_semaphore, #tpu.memory_space<semaphore_mem>>) src(%dma_wait3A_78 : memref<8192x64xf32, #tpu.memory_space<hbm>>) dst(%dma_wait3A_72 : memref<128x64xf32, #tpu.memory_space<vmem>>)
    %dma_wait3A_79 = arith.constant 2 : i32
    %dma_wait3A_80 = arith.constant 256 : i32
    %dma_wait3A_81 = arith.constant 0 : i32
    %dma_wait3A_82 = tpu.memref_slice %arg6[%dma_wait3A_80, %dma_wait3A_81] : memref<768x64xf32, #tpu.memory_space<vmem>> -> memref<128x64xf32, #tpu.memory_space<vmem>>
    %dma_wait3A_83 = arith.constant 0 : i32
    %dma_wait3A_84 = tpu.memref_slice %arg5[%dma_wait3A_79, %dma_wait3A_83] : memref<6x128xi32, #tpu.memory_space<vmem>> -> memref<1x128xi32, #tpu.memory_space<vmem>>
    %dma_wait3A_85 = tpu.memref_squeeze %dma_wait3A_84 : memref<1x128xi32, #tpu.memory_space<vmem>> -> memref<128xi32, #tpu.memory_space<vmem>>
    %dma_wait3A_86 = arith.constant 0 : i32
    %dma_wait3A_87 = arith.constant 0 : i32
    %dma_wait3A_88 = tpu.memref_slice %arg2[%dma_wait3A_86, %dma_wait3A_87] : memref<8192x64xf32, #tpu.memory_space<hbm>> -> memref<8192x64xf32, #tpu.memory_space<hbm>>
    tpu.wait_indirect_dma semaphore(%arg7 : memref<!tpu.dma_semaphore, #tpu.memory_space<semaphore_mem>>) src(%dma_wait3A_88 : memref<8192x64xf32, #tpu.memory_space<hbm>>) dst(%dma_wait3A_82 : memref<128x64xf32, #tpu.memory_space<vmem>>)
    %dma_wait3A_89 = arith.constant 3 : i32
    %dma_wait3A_90 = arith.constant 384 : i32
    %dma_wait3A_91 = arith.constant 0 : i32
    %dma_wait3A_92 = tpu.memref_slice %arg6[%dma_wait3A_90, %dma_wait3A_91] : memref<768x64xf32, #tpu.memory_space<vmem>> -> memref<128x64xf32, #tpu.memory_space<vmem>>
    %dma_wait3A_93 = arith.constant 0 : i32
    %dma_wait3A_94 = tpu.memref_slice %arg5[%dma_wait3A_89, %dma_wait3A_93] : memref<6x128xi32, #tpu.memory_space<vmem>> -> memref<1x128xi32, #tpu.memory_space<vmem>>
    %dma_wait3A_95 = tpu.memref_squeeze %dma_wait3A_94 : memref<1x128xi32, #tpu.memory_space<vmem>> -> memref<128xi32, #tpu.memory_space<vmem>>
    %dma_wait3A_96 = arith.constant 0 : i32
    %dma_wait3A_97 = arith.constant 0 : i32
    %dma_wait3A_98 = tpu.memref_slice %arg2[%dma_wait3A_96, %dma_wait3A_97] : memref<8192x64xf32, #tpu.memory_space<hbm>> -> memref<8192x64xf32, #tpu.memory_space<hbm>>
    tpu.wait_indirect_dma semaphore(%arg7 : memref<!tpu.dma_semaphore, #tpu.memory_space<semaphore_mem>>) src(%dma_wait3A_98 : memref<8192x64xf32, #tpu.memory_space<hbm>>) dst(%dma_wait3A_92 : memref<128x64xf32, #tpu.memory_space<vmem>>)
    %dma_wait3A_99 = arith.constant 4 : i32
    %dma_wait3A_100 = arith.constant 512 : i32
    %dma_wait3A_101 = arith.constant 0 : i32
    %dma_wait3A_102 = tpu.memref_slice %arg6[%dma_wait3A_100, %dma_wait3A_101] : memref<768x64xf32, #tpu.memory_space<vmem>> -> memref<128x64xf32, #tpu.memory_space<vmem>>
    %dma_wait3A_103 = arith.constant 0 : i32
    %dma_wait3A_104 = tpu.memref_slice %arg5[%dma_wait3A_99, %dma_wait3A_103] : memref<6x128xi32, #tpu.memory_space<vmem>> -> memref<1x128xi32, #tpu.memory_space<vmem>>
    %dma_wait3A_105 = tpu.memref_squeeze %dma_wait3A_104 : memref<1x128xi32, #tpu.memory_space<vmem>> -> memref<128xi32, #tpu.memory_space<vmem>>
    %dma_wait3A_106 = arith.constant 0 : i32
    %dma_wait3A_107 = arith.constant 0 : i32
    %dma_wait3A_108 = tpu.memref_slice %arg2[%dma_wait3A_106, %dma_wait3A_107] : memref<8192x64xf32, #tpu.memory_space<hbm>> -> memref<8192x64xf32, #tpu.memory_space<hbm>>
    tpu.wait_indirect_dma semaphore(%arg7 : memref<!tpu.dma_semaphore, #tpu.memory_space<semaphore_mem>>) src(%dma_wait3A_108 : memref<8192x64xf32, #tpu.memory_space<hbm>>) dst(%dma_wait3A_102 : memref<128x64xf32, #tpu.memory_space<vmem>>)
    %dma_wait3A_109 = arith.constant 5 : i32
    %dma_wait3A_110 = arith.constant 640 : i32
    %dma_wait3A_111 = arith.constant 0 : i32
    %dma_wait3A_112 = tpu.memref_slice %arg6[%dma_wait3A_110, %dma_wait3A_111] : memref<768x64xf32, #tpu.memory_space<vmem>> -> memref<128x64xf32, #tpu.memory_space<vmem>>
    %dma_wait3A_113 = arith.constant 0 : i32
    %dma_wait3A_114 = tpu.memref_slice %arg5[%dma_wait3A_109, %dma_wait3A_113] : memref<6x128xi32, #tpu.memory_space<vmem>> -> memref<1x128xi32, #tpu.memory_space<vmem>>
    %dma_wait3A_115 = tpu.memref_squeeze %dma_wait3A_114 : memref<1x128xi32, #tpu.memory_space<vmem>> -> memref<128xi32, #tpu.memory_space<vmem>>
    %dma_wait3A_116 = arith.constant 0 : i32
    %dma_wait3A_117 = arith.constant 0 : i32
    %dma_wait3A_118 = tpu.memref_slice %arg2[%dma_wait3A_116, %dma_wait3A_117] : memref<8192x64xf32, #tpu.memory_space<hbm>> -> memref<8192x64xf32, #tpu.memory_space<hbm>>
    tpu.wait_indirect_dma semaphore(%arg7 : memref<!tpu.dma_semaphore, #tpu.memory_space<semaphore_mem>>) src(%dma_wait3A_118 : memref<8192x64xf32, #tpu.memory_space<hbm>>) dst(%dma_wait3A_112 : memref<128x64xf32, #tpu.memory_space<vmem>>)
    %mul3A_119 = arith.constant 768 : i32
    %mul3A_120 = arith.muli %add3A, %mul3A_119 : i32
    "tpu.region"() ({
      %run_scoped3A = tpu.sem_alloc : memref<!tpu.dma_semaphore, #tpu.memory_space<semaphore_mem>>
      %dma_start3A_121 = arith.constant 0 : i32
      %dma_start3A_122 = tpu.memref_slice %arg4[%mul3A_120, %dma_start3A_121] : memref<24576x64xf32, #tpu.memory_space<hbm>> -> memref<768x64xf32, #tpu.memory_space<hbm>>
      %dma_start3A_123 = arith.constant 0 : i32
      %dma_start3A_124 = tpu.memref_slice %arg4[%mul3A_120, %dma_start3A_123] : memref<24576x64xf32, #tpu.memory_space<hbm>> -> memref<768x64xf32, #tpu.memory_space<hbm>>
      tpu.enqueue_dma source(%arg6 : memref<768x64xf32, #tpu.memory_space<vmem>>) target(%dma_start3A_124 : memref<768x64xf32, #tpu.memory_space<hbm>>) target_semaphore(%run_scoped3A : memref<!tpu.dma_semaphore, #tpu.memory_space<semaphore_mem>>)
      %dma_wait3A_125 = arith.constant 0 : i32
      %dma_wait3A_126 = tpu.memref_slice %arg4[%mul3A_120, %dma_wait3A_125] : memref<24576x64xf32, #tpu.memory_space<hbm>> -> memref<768x64xf32, #tpu.memory_space<hbm>>
      %dma_wait3A_127 = arith.constant 0 : i32
      %dma_wait3A_128 = tpu.memref_slice %arg4[%mul3A_120, %dma_wait3A_127] : memref<24576x64xf32, #tpu.memory_space<hbm>> -> memref<768x64xf32, #tpu.memory_space<hbm>>
      tpu.wait_dma2 semaphore(%run_scoped3A : memref<!tpu.dma_semaphore, #tpu.memory_space<semaphore_mem>>) src(%arg6 : memref<768x64xf32, #tpu.memory_space<vmem>>) dst(%dma_wait3A_128 : memref<768x64xf32, #tpu.memory_space<hbm>>)
      tpu.yield
    }) : () -> ()
    return
  }
}

#map = affine_map<(d0, d1) -> (0, 0)>
#map1 = affine_map<(d0, d1) -> (0, 0, 0)>
module attributes {stable_mosaic.version = 14 : i64} {
  func.func @k(%arg0: i32, %arg1: i32, %arg2: memref<24576x16xf32, #tpu.memory_space<hbm>>, %arg3: memref<32x6x128xi32, #tpu.memory_space<hbm>>, %arg4: memref<8192x16xf32, #tpu.memory_space<hbm>>, %arg5: memref<2x8192x16xf32, #tpu.memory_space<hbm>>, %arg6: memref<6x128xi32, #tpu.memory_space<vmem>>, %arg7: memref<768x16xf32, #tpu.memory_space<vmem>>, %arg8: memref<8192x16xf32, #tpu.memory_space<vmem_shared>>) attributes {dimension_semantics = [#tpu.dimension_semantics<core_parallel>, #tpu.dimension_semantics<subcore_parallel>], iteration_bounds = array<i64: 2, 16>, scalar_prefetch = 0 : i64, scratch_operands = 3 : i64, tpu.core_type = #tpu.core_type<sc_vector_subcore>, window_params = [{transform_indices = #map}, {transform_indices = #map1}, {transform_indices = #map}, {transform_indices = #map1}]} {
    %mul3A = arith.constant 2 : i32
    %mul3A_0 = arith.muli %arg1, %mul3A : i32
    %add3A = arith.addi %mul3A_0, %arg0 : i32
    %mul3A_1 = arith.constant 512 : i32
    %mul3A_2 = arith.muli %arg1, %mul3A_1 : i32
    %mul3A_3 = arith.constant 512 : i32
    %mul3A_4 = arith.muli %arg1, %mul3A_3 : i32
    "tpu.region"() ({
      %run_scoped3A_17 = tpu.sem_alloc : memref<!tpu.dma_semaphore, #tpu.memory_space<semaphore_mem>>
      %dma_start3A = arith.constant 0 : i32
      %dma_start3A_18 = tpu.memref_slice %arg8[%mul3A_4, %dma_start3A] : memref<8192x16xf32, #tpu.memory_space<vmem_shared>> -> memref<512x16xf32, #tpu.memory_space<vmem_shared>>
      %dma_start3A_19 = arith.constant 0 : i32
      %dma_start3A_20 = tpu.memref_slice %arg4[%mul3A_2, %dma_start3A_19] : memref<8192x16xf32, #tpu.memory_space<hbm>> -> memref<512x16xf32, #tpu.memory_space<hbm>>
      tpu.enqueue_dma source(%dma_start3A_20 : memref<512x16xf32, #tpu.memory_space<hbm>>) target(%dma_start3A_18 : memref<512x16xf32, #tpu.memory_space<vmem_shared>>) target_semaphore(%run_scoped3A_17 : memref<!tpu.dma_semaphore, #tpu.memory_space<semaphore_mem>>)
      %dma_wait3A = arith.constant 0 : i32
      %dma_wait3A_21 = tpu.memref_slice %arg8[%mul3A_4, %dma_wait3A] : memref<8192x16xf32, #tpu.memory_space<vmem_shared>> -> memref<512x16xf32, #tpu.memory_space<vmem_shared>>
      %dma_wait3A_22 = arith.constant 0 : i32
      %dma_wait3A_23 = tpu.memref_slice %arg4[%mul3A_2, %dma_wait3A_22] : memref<8192x16xf32, #tpu.memory_space<hbm>> -> memref<512x16xf32, #tpu.memory_space<hbm>>
      tpu.wait_dma2 semaphore(%run_scoped3A_17 : memref<!tpu.dma_semaphore, #tpu.memory_space<semaphore_mem>>) src(%dma_wait3A_23 : memref<512x16xf32, #tpu.memory_space<hbm>>) dst(%dma_wait3A_21 : memref<512x16xf32, #tpu.memory_space<vmem_shared>>)
      tpu.yield
    }) : () -> ()
    "tpu.region"() ({
      %run_scoped3A_17 = tpu.sem_alloc : memref<!tpu.dma_semaphore, #tpu.memory_space<semaphore_mem>>
      %dma_start3A = arith.constant 0 : i32
      %dma_start3A_18 = arith.constant 0 : i32
      %dma_start3A_19 = tpu.memref_slice %arg3[%add3A, %dma_start3A, %dma_start3A_18] : memref<32x6x128xi32, #tpu.memory_space<hbm>> -> memref<1x6x128xi32, #tpu.memory_space<hbm>>
      %dma_start3A_20 = tpu.memref_squeeze %dma_start3A_19 : memref<1x6x128xi32, #tpu.memory_space<hbm>> -> memref<6x128xi32, #tpu.memory_space<hbm>>
      %dma_start3A_21 = arith.constant 0 : i32
      %dma_start3A_22 = arith.constant 0 : i32
      %dma_start3A_23 = tpu.memref_slice %arg3[%add3A, %dma_start3A_21, %dma_start3A_22] : memref<32x6x128xi32, #tpu.memory_space<hbm>> -> memref<1x6x128xi32, #tpu.memory_space<hbm>>
      %dma_start3A_24 = tpu.memref_squeeze %dma_start3A_23 : memref<1x6x128xi32, #tpu.memory_space<hbm>> -> memref<6x128xi32, #tpu.memory_space<hbm>>
      tpu.enqueue_dma source(%dma_start3A_24 : memref<6x128xi32, #tpu.memory_space<hbm>>) target(%arg6 : memref<6x128xi32, #tpu.memory_space<vmem>>) target_semaphore(%run_scoped3A_17 : memref<!tpu.dma_semaphore, #tpu.memory_space<semaphore_mem>>)
      %dma_wait3A = arith.constant 0 : i32
      %dma_wait3A_25 = arith.constant 0 : i32
      %dma_wait3A_26 = tpu.memref_slice %arg3[%add3A, %dma_wait3A, %dma_wait3A_25] : memref<32x6x128xi32, #tpu.memory_space<hbm>> -> memref<1x6x128xi32, #tpu.memory_space<hbm>>
      %dma_wait3A_27 = tpu.memref_squeeze %dma_wait3A_26 : memref<1x6x128xi32, #tpu.memory_space<hbm>> -> memref<6x128xi32, #tpu.memory_space<hbm>>
      %dma_wait3A_28 = arith.constant 0 : i32
      %dma_wait3A_29 = arith.constant 0 : i32
      %dma_wait3A_30 = tpu.memref_slice %arg3[%add3A, %dma_wait3A_28, %dma_wait3A_29] : memref<32x6x128xi32, #tpu.memory_space<hbm>> -> memref<1x6x128xi32, #tpu.memory_space<hbm>>
      %dma_wait3A_31 = tpu.memref_squeeze %dma_wait3A_30 : memref<1x6x128xi32, #tpu.memory_space<hbm>> -> memref<6x128xi32, #tpu.memory_space<hbm>>
      tpu.wait_dma2 semaphore(%run_scoped3A_17 : memref<!tpu.dma_semaphore, #tpu.memory_space<semaphore_mem>>) src(%dma_wait3A_31 : memref<6x128xi32, #tpu.memory_space<hbm>>) dst(%arg6 : memref<6x128xi32, #tpu.memory_space<vmem>>)
      tpu.yield
    }) : () -> ()
    %mul3A_5 = arith.constant 768 : i32
    %mul3A_6 = arith.muli %add3A, %mul3A_5 : i32
    "tpu.region"() ({
      %run_scoped3A_17 = tpu.sem_alloc : memref<!tpu.dma_semaphore, #tpu.memory_space<semaphore_mem>>
      %dma_start3A = arith.constant 0 : i32
      %dma_start3A_18 = tpu.memref_slice %arg2[%mul3A_6, %dma_start3A] : memref<24576x16xf32, #tpu.memory_space<hbm>> -> memref<768x16xf32, #tpu.memory_space<hbm>>
      %dma_start3A_19 = arith.constant 0 : i32
      %dma_start3A_20 = tpu.memref_slice %arg2[%mul3A_6, %dma_start3A_19] : memref<24576x16xf32, #tpu.memory_space<hbm>> -> memref<768x16xf32, #tpu.memory_space<hbm>>
      tpu.enqueue_dma source(%dma_start3A_20 : memref<768x16xf32, #tpu.memory_space<hbm>>) target(%arg7 : memref<768x16xf32, #tpu.memory_space<vmem>>) target_semaphore(%run_scoped3A_17 : memref<!tpu.dma_semaphore, #tpu.memory_space<semaphore_mem>>)
      %dma_wait3A = arith.constant 0 : i32
      %dma_wait3A_21 = tpu.memref_slice %arg2[%mul3A_6, %dma_wait3A] : memref<24576x16xf32, #tpu.memory_space<hbm>> -> memref<768x16xf32, #tpu.memory_space<hbm>>
      %dma_wait3A_22 = arith.constant 0 : i32
      %dma_wait3A_23 = tpu.memref_slice %arg2[%mul3A_6, %dma_wait3A_22] : memref<24576x16xf32, #tpu.memory_space<hbm>> -> memref<768x16xf32, #tpu.memory_space<hbm>>
      tpu.wait_dma2 semaphore(%run_scoped3A_17 : memref<!tpu.dma_semaphore, #tpu.memory_space<semaphore_mem>>) src(%dma_wait3A_23 : memref<768x16xf32, #tpu.memory_space<hbm>>) dst(%arg7 : memref<768x16xf32, #tpu.memory_space<vmem>>)
      tpu.yield
    }) : () -> ()
    %barrier3A = arith.constant 0 : index
    tpu.barrier barrier_id(%barrier3A)
    %run_scoped3A = arith.constant 0 : i32
    "tpu.region"() ({
      %run_scoped3A_17 = tpu.sem_alloc : memref<!tpu.dma_semaphore, #tpu.memory_space<semaphore_mem>>
      %dma_start3A = arith.constant 0 : i32
      %dma_start3A_18 = arith.constant 0 : i32
      %dma_start3A_19 = tpu.memref_slice %arg7[%dma_start3A, %dma_start3A_18] : memref<768x16xf32, #tpu.memory_space<vmem>> -> memref<128x16xf32, #tpu.memory_space<vmem>>
      %dma_start3A_20 = arith.constant 0 : i32
      %dma_start3A_21 = tpu.memref_slice %arg6[%run_scoped3A, %dma_start3A_20] : memref<6x128xi32, #tpu.memory_space<vmem>> -> memref<1x128xi32, #tpu.memory_space<vmem>>
      %dma_start3A_22 = tpu.memref_squeeze %dma_start3A_21 : memref<1x128xi32, #tpu.memory_space<vmem>> -> memref<128xi32, #tpu.memory_space<vmem>>
      %dma_start3A_23 = arith.constant 0 : i32
      %dma_start3A_24 = arith.constant 0 : i32
      %dma_start3A_25 = tpu.memref_slice %arg8[%dma_start3A_23, %dma_start3A_24] : memref<8192x16xf32, #tpu.memory_space<vmem_shared>> -> memref<8192x16xf32, #tpu.memory_space<vmem_shared>>
      tpu.enqueue_indirect_dma source(%dma_start3A_19 : memref<128x16xf32, #tpu.memory_space<vmem>>) target(%dma_start3A_25 : memref<8192x16xf32, #tpu.memory_space<vmem_shared>>) offsets(%dma_start3A_22 : memref<128xi32, #tpu.memory_space<vmem>>) semaphore(%run_scoped3A_17 : memref<!tpu.dma_semaphore, #tpu.memory_space<semaphore_mem>>) {add = true}
      %dma_wait3A = arith.constant 0 : i32
      %dma_wait3A_26 = arith.constant 0 : i32
      %dma_wait3A_27 = tpu.memref_slice %arg7[%dma_wait3A, %dma_wait3A_26] : memref<768x16xf32, #tpu.memory_space<vmem>> -> memref<128x16xf32, #tpu.memory_space<vmem>>
      %dma_wait3A_28 = arith.constant 0 : i32
      %dma_wait3A_29 = tpu.memref_slice %arg6[%run_scoped3A, %dma_wait3A_28] : memref<6x128xi32, #tpu.memory_space<vmem>> -> memref<1x128xi32, #tpu.memory_space<vmem>>
      %dma_wait3A_30 = tpu.memref_squeeze %dma_wait3A_29 : memref<1x128xi32, #tpu.memory_space<vmem>> -> memref<128xi32, #tpu.memory_space<vmem>>
      %dma_wait3A_31 = arith.constant 0 : i32
      %dma_wait3A_32 = arith.constant 0 : i32
      %dma_wait3A_33 = tpu.memref_slice %arg8[%dma_wait3A_31, %dma_wait3A_32] : memref<8192x16xf32, #tpu.memory_space<vmem_shared>> -> memref<8192x16xf32, #tpu.memory_space<vmem_shared>>
      tpu.wait_indirect_dma semaphore(%run_scoped3A_17 : memref<!tpu.dma_semaphore, #tpu.memory_space<semaphore_mem>>) src(%dma_wait3A_27 : memref<128x16xf32, #tpu.memory_space<vmem>>) dst(%dma_wait3A_33 : memref<8192x16xf32, #tpu.memory_space<vmem_shared>>)
      tpu.yield
    }) : () -> ()
    %run_scoped3A_7 = arith.constant 1 : i32
    "tpu.region"() ({
      %run_scoped3A_17 = tpu.sem_alloc : memref<!tpu.dma_semaphore, #tpu.memory_space<semaphore_mem>>
      %dma_start3A = arith.constant 128 : i32
      %dma_start3A_18 = arith.constant 0 : i32
      %dma_start3A_19 = tpu.memref_slice %arg7[%dma_start3A, %dma_start3A_18] : memref<768x16xf32, #tpu.memory_space<vmem>> -> memref<128x16xf32, #tpu.memory_space<vmem>>
      %dma_start3A_20 = arith.constant 0 : i32
      %dma_start3A_21 = tpu.memref_slice %arg6[%run_scoped3A_7, %dma_start3A_20] : memref<6x128xi32, #tpu.memory_space<vmem>> -> memref<1x128xi32, #tpu.memory_space<vmem>>
      %dma_start3A_22 = tpu.memref_squeeze %dma_start3A_21 : memref<1x128xi32, #tpu.memory_space<vmem>> -> memref<128xi32, #tpu.memory_space<vmem>>
      %dma_start3A_23 = arith.constant 0 : i32
      %dma_start3A_24 = arith.constant 0 : i32
      %dma_start3A_25 = tpu.memref_slice %arg8[%dma_start3A_23, %dma_start3A_24] : memref<8192x16xf32, #tpu.memory_space<vmem_shared>> -> memref<8192x16xf32, #tpu.memory_space<vmem_shared>>
      tpu.enqueue_indirect_dma source(%dma_start3A_19 : memref<128x16xf32, #tpu.memory_space<vmem>>) target(%dma_start3A_25 : memref<8192x16xf32, #tpu.memory_space<vmem_shared>>) offsets(%dma_start3A_22 : memref<128xi32, #tpu.memory_space<vmem>>) semaphore(%run_scoped3A_17 : memref<!tpu.dma_semaphore, #tpu.memory_space<semaphore_mem>>) {add = true}
      %dma_wait3A = arith.constant 128 : i32
      %dma_wait3A_26 = arith.constant 0 : i32
      %dma_wait3A_27 = tpu.memref_slice %arg7[%dma_wait3A, %dma_wait3A_26] : memref<768x16xf32, #tpu.memory_space<vmem>> -> memref<128x16xf32, #tpu.memory_space<vmem>>
      %dma_wait3A_28 = arith.constant 0 : i32
      %dma_wait3A_29 = tpu.memref_slice %arg6[%run_scoped3A_7, %dma_wait3A_28] : memref<6x128xi32, #tpu.memory_space<vmem>> -> memref<1x128xi32, #tpu.memory_space<vmem>>
      %dma_wait3A_30 = tpu.memref_squeeze %dma_wait3A_29 : memref<1x128xi32, #tpu.memory_space<vmem>> -> memref<128xi32, #tpu.memory_space<vmem>>
      %dma_wait3A_31 = arith.constant 0 : i32
      %dma_wait3A_32 = arith.constant 0 : i32
      %dma_wait3A_33 = tpu.memref_slice %arg8[%dma_wait3A_31, %dma_wait3A_32] : memref<8192x16xf32, #tpu.memory_space<vmem_shared>> -> memref<8192x16xf32, #tpu.memory_space<vmem_shared>>
      tpu.wait_indirect_dma semaphore(%run_scoped3A_17 : memref<!tpu.dma_semaphore, #tpu.memory_space<semaphore_mem>>) src(%dma_wait3A_27 : memref<128x16xf32, #tpu.memory_space<vmem>>) dst(%dma_wait3A_33 : memref<8192x16xf32, #tpu.memory_space<vmem_shared>>)
      tpu.yield
    }) : () -> ()
    %run_scoped3A_8 = arith.constant 2 : i32
    "tpu.region"() ({
      %run_scoped3A_17 = tpu.sem_alloc : memref<!tpu.dma_semaphore, #tpu.memory_space<semaphore_mem>>
      %dma_start3A = arith.constant 256 : i32
      %dma_start3A_18 = arith.constant 0 : i32
      %dma_start3A_19 = tpu.memref_slice %arg7[%dma_start3A, %dma_start3A_18] : memref<768x16xf32, #tpu.memory_space<vmem>> -> memref<128x16xf32, #tpu.memory_space<vmem>>
      %dma_start3A_20 = arith.constant 0 : i32
      %dma_start3A_21 = tpu.memref_slice %arg6[%run_scoped3A_8, %dma_start3A_20] : memref<6x128xi32, #tpu.memory_space<vmem>> -> memref<1x128xi32, #tpu.memory_space<vmem>>
      %dma_start3A_22 = tpu.memref_squeeze %dma_start3A_21 : memref<1x128xi32, #tpu.memory_space<vmem>> -> memref<128xi32, #tpu.memory_space<vmem>>
      %dma_start3A_23 = arith.constant 0 : i32
      %dma_start3A_24 = arith.constant 0 : i32
      %dma_start3A_25 = tpu.memref_slice %arg8[%dma_start3A_23, %dma_start3A_24] : memref<8192x16xf32, #tpu.memory_space<vmem_shared>> -> memref<8192x16xf32, #tpu.memory_space<vmem_shared>>
      tpu.enqueue_indirect_dma source(%dma_start3A_19 : memref<128x16xf32, #tpu.memory_space<vmem>>) target(%dma_start3A_25 : memref<8192x16xf32, #tpu.memory_space<vmem_shared>>) offsets(%dma_start3A_22 : memref<128xi32, #tpu.memory_space<vmem>>) semaphore(%run_scoped3A_17 : memref<!tpu.dma_semaphore, #tpu.memory_space<semaphore_mem>>) {add = true}
      %dma_wait3A = arith.constant 256 : i32
      %dma_wait3A_26 = arith.constant 0 : i32
      %dma_wait3A_27 = tpu.memref_slice %arg7[%dma_wait3A, %dma_wait3A_26] : memref<768x16xf32, #tpu.memory_space<vmem>> -> memref<128x16xf32, #tpu.memory_space<vmem>>
      %dma_wait3A_28 = arith.constant 0 : i32
      %dma_wait3A_29 = tpu.memref_slice %arg6[%run_scoped3A_8, %dma_wait3A_28] : memref<6x128xi32, #tpu.memory_space<vmem>> -> memref<1x128xi32, #tpu.memory_space<vmem>>
      %dma_wait3A_30 = tpu.memref_squeeze %dma_wait3A_29 : memref<1x128xi32, #tpu.memory_space<vmem>> -> memref<128xi32, #tpu.memory_space<vmem>>
      %dma_wait3A_31 = arith.constant 0 : i32
      %dma_wait3A_32 = arith.constant 0 : i32
      %dma_wait3A_33 = tpu.memref_slice %arg8[%dma_wait3A_31, %dma_wait3A_32] : memref<8192x16xf32, #tpu.memory_space<vmem_shared>> -> memref<8192x16xf32, #tpu.memory_space<vmem_shared>>
      tpu.wait_indirect_dma semaphore(%run_scoped3A_17 : memref<!tpu.dma_semaphore, #tpu.memory_space<semaphore_mem>>) src(%dma_wait3A_27 : memref<128x16xf32, #tpu.memory_space<vmem>>) dst(%dma_wait3A_33 : memref<8192x16xf32, #tpu.memory_space<vmem_shared>>)
      tpu.yield
    }) : () -> ()
    %run_scoped3A_9 = arith.constant 3 : i32
    "tpu.region"() ({
      %run_scoped3A_17 = tpu.sem_alloc : memref<!tpu.dma_semaphore, #tpu.memory_space<semaphore_mem>>
      %dma_start3A = arith.constant 384 : i32
      %dma_start3A_18 = arith.constant 0 : i32
      %dma_start3A_19 = tpu.memref_slice %arg7[%dma_start3A, %dma_start3A_18] : memref<768x16xf32, #tpu.memory_space<vmem>> -> memref<128x16xf32, #tpu.memory_space<vmem>>
      %dma_start3A_20 = arith.constant 0 : i32
      %dma_start3A_21 = tpu.memref_slice %arg6[%run_scoped3A_9, %dma_start3A_20] : memref<6x128xi32, #tpu.memory_space<vmem>> -> memref<1x128xi32, #tpu.memory_space<vmem>>
      %dma_start3A_22 = tpu.memref_squeeze %dma_start3A_21 : memref<1x128xi32, #tpu.memory_space<vmem>> -> memref<128xi32, #tpu.memory_space<vmem>>
      %dma_start3A_23 = arith.constant 0 : i32
      %dma_start3A_24 = arith.constant 0 : i32
      %dma_start3A_25 = tpu.memref_slice %arg8[%dma_start3A_23, %dma_start3A_24] : memref<8192x16xf32, #tpu.memory_space<vmem_shared>> -> memref<8192x16xf32, #tpu.memory_space<vmem_shared>>
      tpu.enqueue_indirect_dma source(%dma_start3A_19 : memref<128x16xf32, #tpu.memory_space<vmem>>) target(%dma_start3A_25 : memref<8192x16xf32, #tpu.memory_space<vmem_shared>>) offsets(%dma_start3A_22 : memref<128xi32, #tpu.memory_space<vmem>>) semaphore(%run_scoped3A_17 : memref<!tpu.dma_semaphore, #tpu.memory_space<semaphore_mem>>) {add = true}
      %dma_wait3A = arith.constant 384 : i32
      %dma_wait3A_26 = arith.constant 0 : i32
      %dma_wait3A_27 = tpu.memref_slice %arg7[%dma_wait3A, %dma_wait3A_26] : memref<768x16xf32, #tpu.memory_space<vmem>> -> memref<128x16xf32, #tpu.memory_space<vmem>>
      %dma_wait3A_28 = arith.constant 0 : i32
      %dma_wait3A_29 = tpu.memref_slice %arg6[%run_scoped3A_9, %dma_wait3A_28] : memref<6x128xi32, #tpu.memory_space<vmem>> -> memref<1x128xi32, #tpu.memory_space<vmem>>
      %dma_wait3A_30 = tpu.memref_squeeze %dma_wait3A_29 : memref<1x128xi32, #tpu.memory_space<vmem>> -> memref<128xi32, #tpu.memory_space<vmem>>
      %dma_wait3A_31 = arith.constant 0 : i32
      %dma_wait3A_32 = arith.constant 0 : i32
      %dma_wait3A_33 = tpu.memref_slice %arg8[%dma_wait3A_31, %dma_wait3A_32] : memref<8192x16xf32, #tpu.memory_space<vmem_shared>> -> memref<8192x16xf32, #tpu.memory_space<vmem_shared>>
      tpu.wait_indirect_dma semaphore(%run_scoped3A_17 : memref<!tpu.dma_semaphore, #tpu.memory_space<semaphore_mem>>) src(%dma_wait3A_27 : memref<128x16xf32, #tpu.memory_space<vmem>>) dst(%dma_wait3A_33 : memref<8192x16xf32, #tpu.memory_space<vmem_shared>>)
      tpu.yield
    }) : () -> ()
    %run_scoped3A_10 = arith.constant 4 : i32
    "tpu.region"() ({
      %run_scoped3A_17 = tpu.sem_alloc : memref<!tpu.dma_semaphore, #tpu.memory_space<semaphore_mem>>
      %dma_start3A = arith.constant 512 : i32
      %dma_start3A_18 = arith.constant 0 : i32
      %dma_start3A_19 = tpu.memref_slice %arg7[%dma_start3A, %dma_start3A_18] : memref<768x16xf32, #tpu.memory_space<vmem>> -> memref<128x16xf32, #tpu.memory_space<vmem>>
      %dma_start3A_20 = arith.constant 0 : i32
      %dma_start3A_21 = tpu.memref_slice %arg6[%run_scoped3A_10, %dma_start3A_20] : memref<6x128xi32, #tpu.memory_space<vmem>> -> memref<1x128xi32, #tpu.memory_space<vmem>>
      %dma_start3A_22 = tpu.memref_squeeze %dma_start3A_21 : memref<1x128xi32, #tpu.memory_space<vmem>> -> memref<128xi32, #tpu.memory_space<vmem>>
      %dma_start3A_23 = arith.constant 0 : i32
      %dma_start3A_24 = arith.constant 0 : i32
      %dma_start3A_25 = tpu.memref_slice %arg8[%dma_start3A_23, %dma_start3A_24] : memref<8192x16xf32, #tpu.memory_space<vmem_shared>> -> memref<8192x16xf32, #tpu.memory_space<vmem_shared>>
      tpu.enqueue_indirect_dma source(%dma_start3A_19 : memref<128x16xf32, #tpu.memory_space<vmem>>) target(%dma_start3A_25 : memref<8192x16xf32, #tpu.memory_space<vmem_shared>>) offsets(%dma_start3A_22 : memref<128xi32, #tpu.memory_space<vmem>>) semaphore(%run_scoped3A_17 : memref<!tpu.dma_semaphore, #tpu.memory_space<semaphore_mem>>) {add = true}
      %dma_wait3A = arith.constant 512 : i32
      %dma_wait3A_26 = arith.constant 0 : i32
      %dma_wait3A_27 = tpu.memref_slice %arg7[%dma_wait3A, %dma_wait3A_26] : memref<768x16xf32, #tpu.memory_space<vmem>> -> memref<128x16xf32, #tpu.memory_space<vmem>>
      %dma_wait3A_28 = arith.constant 0 : i32
      %dma_wait3A_29 = tpu.memref_slice %arg6[%run_scoped3A_10, %dma_wait3A_28] : memref<6x128xi32, #tpu.memory_space<vmem>> -> memref<1x128xi32, #tpu.memory_space<vmem>>
      %dma_wait3A_30 = tpu.memref_squeeze %dma_wait3A_29 : memref<1x128xi32, #tpu.memory_space<vmem>> -> memref<128xi32, #tpu.memory_space<vmem>>
      %dma_wait3A_31 = arith.constant 0 : i32
      %dma_wait3A_32 = arith.constant 0 : i32
      %dma_wait3A_33 = tpu.memref_slice %arg8[%dma_wait3A_31, %dma_wait3A_32] : memref<8192x16xf32, #tpu.memory_space<vmem_shared>> -> memref<8192x16xf32, #tpu.memory_space<vmem_shared>>
      tpu.wait_indirect_dma semaphore(%run_scoped3A_17 : memref<!tpu.dma_semaphore, #tpu.memory_space<semaphore_mem>>) src(%dma_wait3A_27 : memref<128x16xf32, #tpu.memory_space<vmem>>) dst(%dma_wait3A_33 : memref<8192x16xf32, #tpu.memory_space<vmem_shared>>)
      tpu.yield
    }) : () -> ()
    %run_scoped3A_11 = arith.constant 5 : i32
    "tpu.region"() ({
      %run_scoped3A_17 = tpu.sem_alloc : memref<!tpu.dma_semaphore, #tpu.memory_space<semaphore_mem>>
      %dma_start3A = arith.constant 640 : i32
      %dma_start3A_18 = arith.constant 0 : i32
      %dma_start3A_19 = tpu.memref_slice %arg7[%dma_start3A, %dma_start3A_18] : memref<768x16xf32, #tpu.memory_space<vmem>> -> memref<128x16xf32, #tpu.memory_space<vmem>>
      %dma_start3A_20 = arith.constant 0 : i32
      %dma_start3A_21 = tpu.memref_slice %arg6[%run_scoped3A_11, %dma_start3A_20] : memref<6x128xi32, #tpu.memory_space<vmem>> -> memref<1x128xi32, #tpu.memory_space<vmem>>
      %dma_start3A_22 = tpu.memref_squeeze %dma_start3A_21 : memref<1x128xi32, #tpu.memory_space<vmem>> -> memref<128xi32, #tpu.memory_space<vmem>>
      %dma_start3A_23 = arith.constant 0 : i32
      %dma_start3A_24 = arith.constant 0 : i32
      %dma_start3A_25 = tpu.memref_slice %arg8[%dma_start3A_23, %dma_start3A_24] : memref<8192x16xf32, #tpu.memory_space<vmem_shared>> -> memref<8192x16xf32, #tpu.memory_space<vmem_shared>>
      tpu.enqueue_indirect_dma source(%dma_start3A_19 : memref<128x16xf32, #tpu.memory_space<vmem>>) target(%dma_start3A_25 : memref<8192x16xf32, #tpu.memory_space<vmem_shared>>) offsets(%dma_start3A_22 : memref<128xi32, #tpu.memory_space<vmem>>) semaphore(%run_scoped3A_17 : memref<!tpu.dma_semaphore, #tpu.memory_space<semaphore_mem>>) {add = true}
      %dma_wait3A = arith.constant 640 : i32
      %dma_wait3A_26 = arith.constant 0 : i32
      %dma_wait3A_27 = tpu.memref_slice %arg7[%dma_wait3A, %dma_wait3A_26] : memref<768x16xf32, #tpu.memory_space<vmem>> -> memref<128x16xf32, #tpu.memory_space<vmem>>
      %dma_wait3A_28 = arith.constant 0 : i32
      %dma_wait3A_29 = tpu.memref_slice %arg6[%run_scoped3A_11, %dma_wait3A_28] : memref<6x128xi32, #tpu.memory_space<vmem>> -> memref<1x128xi32, #tpu.memory_space<vmem>>
      %dma_wait3A_30 = tpu.memref_squeeze %dma_wait3A_29 : memref<1x128xi32, #tpu.memory_space<vmem>> -> memref<128xi32, #tpu.memory_space<vmem>>
      %dma_wait3A_31 = arith.constant 0 : i32
      %dma_wait3A_32 = arith.constant 0 : i32
      %dma_wait3A_33 = tpu.memref_slice %arg8[%dma_wait3A_31, %dma_wait3A_32] : memref<8192x16xf32, #tpu.memory_space<vmem_shared>> -> memref<8192x16xf32, #tpu.memory_space<vmem_shared>>
      tpu.wait_indirect_dma semaphore(%run_scoped3A_17 : memref<!tpu.dma_semaphore, #tpu.memory_space<semaphore_mem>>) src(%dma_wait3A_27 : memref<128x16xf32, #tpu.memory_space<vmem>>) dst(%dma_wait3A_33 : memref<8192x16xf32, #tpu.memory_space<vmem_shared>>)
      tpu.yield
    }) : () -> ()
    %barrier3A_12 = arith.constant 0 : index
    tpu.barrier barrier_id(%barrier3A_12)
    %mul3A_13 = arith.constant 512 : i32
    %mul3A_14 = arith.muli %arg1, %mul3A_13 : i32
    %mul3A_15 = arith.constant 512 : i32
    %mul3A_16 = arith.muli %arg1, %mul3A_15 : i32
    "tpu.region"() ({
      %run_scoped3A_17 = tpu.sem_alloc : memref<!tpu.dma_semaphore, #tpu.memory_space<semaphore_mem>>
      %dma_start3A = arith.constant 0 : i32
      %dma_start3A_18 = tpu.memref_slice %arg5[%arg0, %mul3A_16, %dma_start3A] : memref<2x8192x16xf32, #tpu.memory_space<hbm>> -> memref<1x512x16xf32, #tpu.memory_space<hbm>>
      %dma_start3A_19 = tpu.memref_squeeze %dma_start3A_18 : memref<1x512x16xf32, #tpu.memory_space<hbm>> -> memref<512x16xf32, #tpu.memory_space<hbm>>
      %dma_start3A_20 = arith.constant 0 : i32
      %dma_start3A_21 = tpu.memref_slice %arg8[%mul3A_14, %dma_start3A_20] : memref<8192x16xf32, #tpu.memory_space<vmem_shared>> -> memref<512x16xf32, #tpu.memory_space<vmem_shared>>
      tpu.enqueue_dma source(%dma_start3A_21 : memref<512x16xf32, #tpu.memory_space<vmem_shared>>) target(%dma_start3A_19 : memref<512x16xf32, #tpu.memory_space<hbm>>) target_semaphore(%run_scoped3A_17 : memref<!tpu.dma_semaphore, #tpu.memory_space<semaphore_mem>>)
      %dma_wait3A = arith.constant 0 : i32
      %dma_wait3A_22 = tpu.memref_slice %arg5[%arg0, %mul3A_16, %dma_wait3A] : memref<2x8192x16xf32, #tpu.memory_space<hbm>> -> memref<1x512x16xf32, #tpu.memory_space<hbm>>
      %dma_wait3A_23 = tpu.memref_squeeze %dma_wait3A_22 : memref<1x512x16xf32, #tpu.memory_space<hbm>> -> memref<512x16xf32, #tpu.memory_space<hbm>>
      %dma_wait3A_24 = arith.constant 0 : i32
      %dma_wait3A_25 = tpu.memref_slice %arg8[%mul3A_14, %dma_wait3A_24] : memref<8192x16xf32, #tpu.memory_space<vmem_shared>> -> memref<512x16xf32, #tpu.memory_space<vmem_shared>>
      tpu.wait_dma2 semaphore(%run_scoped3A_17 : memref<!tpu.dma_semaphore, #tpu.memory_space<semaphore_mem>>) src(%dma_wait3A_25 : memref<512x16xf32, #tpu.memory_space<vmem_shared>>) dst(%dma_wait3A_23 : memref<512x16xf32, #tpu.memory_space<hbm>>)
      tpu.yield
    }) : () -> ()
    return
  }
}

#map = affine_map<(d0, d1) -> (0, 0)>
#map1 = affine_map<(d0, d1) -> (0, 0, 0)>
module attributes {stable_mosaic.version = 14 : i64} {
  func.func @k(%arg0: i32, %arg1: i32, %arg2: memref<24576x64xf32, #tpu.memory_space<hbm>>, %arg3: memref<32x6x128xi32, #tpu.memory_space<hbm>>, %arg4: memref<8192x64xf32, #tpu.memory_space<hbm>>, %arg5: memref<2x8192x64xf32, #tpu.memory_space<hbm>>, %arg6: memref<6x128xi32, #tpu.memory_space<vmem>>, %arg7: memref<768x64xf32, #tpu.memory_space<vmem>>, %arg8: memref<8192x64xf32, #tpu.memory_space<vmem_shared>>) attributes {dimension_semantics = [#tpu.dimension_semantics<core_parallel>, #tpu.dimension_semantics<subcore_parallel>], iteration_bounds = array<i64: 2, 16>, scalar_prefetch = 0 : i64, scratch_operands = 3 : i64, tpu.core_type = #tpu.core_type<sc_vector_subcore>, window_params = [{transform_indices = #map}, {transform_indices = #map1}, {transform_indices = #map}, {transform_indices = #map1}]} {
    %mul3A = arith.constant 2 : i32
    %mul3A_0 = arith.muli %arg1, %mul3A : i32
    %add3A = arith.addi %mul3A_0, %arg0 : i32
    %mul3A_1 = arith.constant 512 : i32
    %mul3A_2 = arith.muli %arg1, %mul3A_1 : i32
    %mul3A_3 = arith.constant 512 : i32
    %mul3A_4 = arith.muli %arg1, %mul3A_3 : i32
    "tpu.region"() ({
      %run_scoped3A_17 = tpu.sem_alloc : memref<!tpu.dma_semaphore, #tpu.memory_space<semaphore_mem>>
      %dma_start3A = arith.constant 0 : i32
      %dma_start3A_18 = tpu.memref_slice %arg8[%mul3A_4, %dma_start3A] : memref<8192x64xf32, #tpu.memory_space<vmem_shared>> -> memref<512x64xf32, #tpu.memory_space<vmem_shared>>
      %dma_start3A_19 = arith.constant 0 : i32
      %dma_start3A_20 = tpu.memref_slice %arg4[%mul3A_2, %dma_start3A_19] : memref<8192x64xf32, #tpu.memory_space<hbm>> -> memref<512x64xf32, #tpu.memory_space<hbm>>
      tpu.enqueue_dma source(%dma_start3A_20 : memref<512x64xf32, #tpu.memory_space<hbm>>) target(%dma_start3A_18 : memref<512x64xf32, #tpu.memory_space<vmem_shared>>) target_semaphore(%run_scoped3A_17 : memref<!tpu.dma_semaphore, #tpu.memory_space<semaphore_mem>>)
      %dma_wait3A = arith.constant 0 : i32
      %dma_wait3A_21 = tpu.memref_slice %arg8[%mul3A_4, %dma_wait3A] : memref<8192x64xf32, #tpu.memory_space<vmem_shared>> -> memref<512x64xf32, #tpu.memory_space<vmem_shared>>
      %dma_wait3A_22 = arith.constant 0 : i32
      %dma_wait3A_23 = tpu.memref_slice %arg4[%mul3A_2, %dma_wait3A_22] : memref<8192x64xf32, #tpu.memory_space<hbm>> -> memref<512x64xf32, #tpu.memory_space<hbm>>
      tpu.wait_dma2 semaphore(%run_scoped3A_17 : memref<!tpu.dma_semaphore, #tpu.memory_space<semaphore_mem>>) src(%dma_wait3A_23 : memref<512x64xf32, #tpu.memory_space<hbm>>) dst(%dma_wait3A_21 : memref<512x64xf32, #tpu.memory_space<vmem_shared>>)
      tpu.yield
    }) : () -> ()
    "tpu.region"() ({
      %run_scoped3A_17 = tpu.sem_alloc : memref<!tpu.dma_semaphore, #tpu.memory_space<semaphore_mem>>
      %dma_start3A = arith.constant 0 : i32
      %dma_start3A_18 = arith.constant 0 : i32
      %dma_start3A_19 = tpu.memref_slice %arg3[%add3A, %dma_start3A, %dma_start3A_18] : memref<32x6x128xi32, #tpu.memory_space<hbm>> -> memref<1x6x128xi32, #tpu.memory_space<hbm>>
      %dma_start3A_20 = tpu.memref_squeeze %dma_start3A_19 : memref<1x6x128xi32, #tpu.memory_space<hbm>> -> memref<6x128xi32, #tpu.memory_space<hbm>>
      %dma_start3A_21 = arith.constant 0 : i32
      %dma_start3A_22 = arith.constant 0 : i32
      %dma_start3A_23 = tpu.memref_slice %arg3[%add3A, %dma_start3A_21, %dma_start3A_22] : memref<32x6x128xi32, #tpu.memory_space<hbm>> -> memref<1x6x128xi32, #tpu.memory_space<hbm>>
      %dma_start3A_24 = tpu.memref_squeeze %dma_start3A_23 : memref<1x6x128xi32, #tpu.memory_space<hbm>> -> memref<6x128xi32, #tpu.memory_space<hbm>>
      tpu.enqueue_dma source(%dma_start3A_24 : memref<6x128xi32, #tpu.memory_space<hbm>>) target(%arg6 : memref<6x128xi32, #tpu.memory_space<vmem>>) target_semaphore(%run_scoped3A_17 : memref<!tpu.dma_semaphore, #tpu.memory_space<semaphore_mem>>)
      %dma_wait3A = arith.constant 0 : i32
      %dma_wait3A_25 = arith.constant 0 : i32
      %dma_wait3A_26 = tpu.memref_slice %arg3[%add3A, %dma_wait3A, %dma_wait3A_25] : memref<32x6x128xi32, #tpu.memory_space<hbm>> -> memref<1x6x128xi32, #tpu.memory_space<hbm>>
      %dma_wait3A_27 = tpu.memref_squeeze %dma_wait3A_26 : memref<1x6x128xi32, #tpu.memory_space<hbm>> -> memref<6x128xi32, #tpu.memory_space<hbm>>
      %dma_wait3A_28 = arith.constant 0 : i32
      %dma_wait3A_29 = arith.constant 0 : i32
      %dma_wait3A_30 = tpu.memref_slice %arg3[%add3A, %dma_wait3A_28, %dma_wait3A_29] : memref<32x6x128xi32, #tpu.memory_space<hbm>> -> memref<1x6x128xi32, #tpu.memory_space<hbm>>
      %dma_wait3A_31 = tpu.memref_squeeze %dma_wait3A_30 : memref<1x6x128xi32, #tpu.memory_space<hbm>> -> memref<6x128xi32, #tpu.memory_space<hbm>>
      tpu.wait_dma2 semaphore(%run_scoped3A_17 : memref<!tpu.dma_semaphore, #tpu.memory_space<semaphore_mem>>) src(%dma_wait3A_31 : memref<6x128xi32, #tpu.memory_space<hbm>>) dst(%arg6 : memref<6x128xi32, #tpu.memory_space<vmem>>)
      tpu.yield
    }) : () -> ()
    %mul3A_5 = arith.constant 768 : i32
    %mul3A_6 = arith.muli %add3A, %mul3A_5 : i32
    "tpu.region"() ({
      %run_scoped3A_17 = tpu.sem_alloc : memref<!tpu.dma_semaphore, #tpu.memory_space<semaphore_mem>>
      %dma_start3A = arith.constant 0 : i32
      %dma_start3A_18 = tpu.memref_slice %arg2[%mul3A_6, %dma_start3A] : memref<24576x64xf32, #tpu.memory_space<hbm>> -> memref<768x64xf32, #tpu.memory_space<hbm>>
      %dma_start3A_19 = arith.constant 0 : i32
      %dma_start3A_20 = tpu.memref_slice %arg2[%mul3A_6, %dma_start3A_19] : memref<24576x64xf32, #tpu.memory_space<hbm>> -> memref<768x64xf32, #tpu.memory_space<hbm>>
      tpu.enqueue_dma source(%dma_start3A_20 : memref<768x64xf32, #tpu.memory_space<hbm>>) target(%arg7 : memref<768x64xf32, #tpu.memory_space<vmem>>) target_semaphore(%run_scoped3A_17 : memref<!tpu.dma_semaphore, #tpu.memory_space<semaphore_mem>>)
      %dma_wait3A = arith.constant 0 : i32
      %dma_wait3A_21 = tpu.memref_slice %arg2[%mul3A_6, %dma_wait3A] : memref<24576x64xf32, #tpu.memory_space<hbm>> -> memref<768x64xf32, #tpu.memory_space<hbm>>
      %dma_wait3A_22 = arith.constant 0 : i32
      %dma_wait3A_23 = tpu.memref_slice %arg2[%mul3A_6, %dma_wait3A_22] : memref<24576x64xf32, #tpu.memory_space<hbm>> -> memref<768x64xf32, #tpu.memory_space<hbm>>
      tpu.wait_dma2 semaphore(%run_scoped3A_17 : memref<!tpu.dma_semaphore, #tpu.memory_space<semaphore_mem>>) src(%dma_wait3A_23 : memref<768x64xf32, #tpu.memory_space<hbm>>) dst(%arg7 : memref<768x64xf32, #tpu.memory_space<vmem>>)
      tpu.yield
    }) : () -> ()
    %barrier3A = arith.constant 0 : index
    tpu.barrier barrier_id(%barrier3A)
    %run_scoped3A = arith.constant 0 : i32
    "tpu.region"() ({
      %run_scoped3A_17 = tpu.sem_alloc : memref<!tpu.dma_semaphore, #tpu.memory_space<semaphore_mem>>
      %dma_start3A = arith.constant 0 : i32
      %dma_start3A_18 = arith.constant 0 : i32
      %dma_start3A_19 = tpu.memref_slice %arg7[%dma_start3A, %dma_start3A_18] : memref<768x64xf32, #tpu.memory_space<vmem>> -> memref<128x64xf32, #tpu.memory_space<vmem>>
      %dma_start3A_20 = arith.constant 0 : i32
      %dma_start3A_21 = tpu.memref_slice %arg6[%run_scoped3A, %dma_start3A_20] : memref<6x128xi32, #tpu.memory_space<vmem>> -> memref<1x128xi32, #tpu.memory_space<vmem>>
      %dma_start3A_22 = tpu.memref_squeeze %dma_start3A_21 : memref<1x128xi32, #tpu.memory_space<vmem>> -> memref<128xi32, #tpu.memory_space<vmem>>
      %dma_start3A_23 = arith.constant 0 : i32
      %dma_start3A_24 = arith.constant 0 : i32
      %dma_start3A_25 = tpu.memref_slice %arg8[%dma_start3A_23, %dma_start3A_24] : memref<8192x64xf32, #tpu.memory_space<vmem_shared>> -> memref<8192x64xf32, #tpu.memory_space<vmem_shared>>
      tpu.enqueue_indirect_dma source(%dma_start3A_19 : memref<128x64xf32, #tpu.memory_space<vmem>>) target(%dma_start3A_25 : memref<8192x64xf32, #tpu.memory_space<vmem_shared>>) offsets(%dma_start3A_22 : memref<128xi32, #tpu.memory_space<vmem>>) semaphore(%run_scoped3A_17 : memref<!tpu.dma_semaphore, #tpu.memory_space<semaphore_mem>>) {add = true}
      %dma_wait3A = arith.constant 0 : i32
      %dma_wait3A_26 = arith.constant 0 : i32
      %dma_wait3A_27 = tpu.memref_slice %arg7[%dma_wait3A, %dma_wait3A_26] : memref<768x64xf32, #tpu.memory_space<vmem>> -> memref<128x64xf32, #tpu.memory_space<vmem>>
      %dma_wait3A_28 = arith.constant 0 : i32
      %dma_wait3A_29 = tpu.memref_slice %arg6[%run_scoped3A, %dma_wait3A_28] : memref<6x128xi32, #tpu.memory_space<vmem>> -> memref<1x128xi32, #tpu.memory_space<vmem>>
      %dma_wait3A_30 = tpu.memref_squeeze %dma_wait3A_29 : memref<1x128xi32, #tpu.memory_space<vmem>> -> memref<128xi32, #tpu.memory_space<vmem>>
      %dma_wait3A_31 = arith.constant 0 : i32
      %dma_wait3A_32 = arith.constant 0 : i32
      %dma_wait3A_33 = tpu.memref_slice %arg8[%dma_wait3A_31, %dma_wait3A_32] : memref<8192x64xf32, #tpu.memory_space<vmem_shared>> -> memref<8192x64xf32, #tpu.memory_space<vmem_shared>>
      tpu.wait_indirect_dma semaphore(%run_scoped3A_17 : memref<!tpu.dma_semaphore, #tpu.memory_space<semaphore_mem>>) src(%dma_wait3A_27 : memref<128x64xf32, #tpu.memory_space<vmem>>) dst(%dma_wait3A_33 : memref<8192x64xf32, #tpu.memory_space<vmem_shared>>)
      tpu.yield
    }) : () -> ()
    %run_scoped3A_7 = arith.constant 1 : i32
    "tpu.region"() ({
      %run_scoped3A_17 = tpu.sem_alloc : memref<!tpu.dma_semaphore, #tpu.memory_space<semaphore_mem>>
      %dma_start3A = arith.constant 128 : i32
      %dma_start3A_18 = arith.constant 0 : i32
      %dma_start3A_19 = tpu.memref_slice %arg7[%dma_start3A, %dma_start3A_18] : memref<768x64xf32, #tpu.memory_space<vmem>> -> memref<128x64xf32, #tpu.memory_space<vmem>>
      %dma_start3A_20 = arith.constant 0 : i32
      %dma_start3A_21 = tpu.memref_slice %arg6[%run_scoped3A_7, %dma_start3A_20] : memref<6x128xi32, #tpu.memory_space<vmem>> -> memref<1x128xi32, #tpu.memory_space<vmem>>
      %dma_start3A_22 = tpu.memref_squeeze %dma_start3A_21 : memref<1x128xi32, #tpu.memory_space<vmem>> -> memref<128xi32, #tpu.memory_space<vmem>>
      %dma_start3A_23 = arith.constant 0 : i32
      %dma_start3A_24 = arith.constant 0 : i32
      %dma_start3A_25 = tpu.memref_slice %arg8[%dma_start3A_23, %dma_start3A_24] : memref<8192x64xf32, #tpu.memory_space<vmem_shared>> -> memref<8192x64xf32, #tpu.memory_space<vmem_shared>>
      tpu.enqueue_indirect_dma source(%dma_start3A_19 : memref<128x64xf32, #tpu.memory_space<vmem>>) target(%dma_start3A_25 : memref<8192x64xf32, #tpu.memory_space<vmem_shared>>) offsets(%dma_start3A_22 : memref<128xi32, #tpu.memory_space<vmem>>) semaphore(%run_scoped3A_17 : memref<!tpu.dma_semaphore, #tpu.memory_space<semaphore_mem>>) {add = true}
      %dma_wait3A = arith.constant 128 : i32
      %dma_wait3A_26 = arith.constant 0 : i32
      %dma_wait3A_27 = tpu.memref_slice %arg7[%dma_wait3A, %dma_wait3A_26] : memref<768x64xf32, #tpu.memory_space<vmem>> -> memref<128x64xf32, #tpu.memory_space<vmem>>
      %dma_wait3A_28 = arith.constant 0 : i32
      %dma_wait3A_29 = tpu.memref_slice %arg6[%run_scoped3A_7, %dma_wait3A_28] : memref<6x128xi32, #tpu.memory_space<vmem>> -> memref<1x128xi32, #tpu.memory_space<vmem>>
      %dma_wait3A_30 = tpu.memref_squeeze %dma_wait3A_29 : memref<1x128xi32, #tpu.memory_space<vmem>> -> memref<128xi32, #tpu.memory_space<vmem>>
      %dma_wait3A_31 = arith.constant 0 : i32
      %dma_wait3A_32 = arith.constant 0 : i32
      %dma_wait3A_33 = tpu.memref_slice %arg8[%dma_wait3A_31, %dma_wait3A_32] : memref<8192x64xf32, #tpu.memory_space<vmem_shared>> -> memref<8192x64xf32, #tpu.memory_space<vmem_shared>>
      tpu.wait_indirect_dma semaphore(%run_scoped3A_17 : memref<!tpu.dma_semaphore, #tpu.memory_space<semaphore_mem>>) src(%dma_wait3A_27 : memref<128x64xf32, #tpu.memory_space<vmem>>) dst(%dma_wait3A_33 : memref<8192x64xf32, #tpu.memory_space<vmem_shared>>)
      tpu.yield
    }) : () -> ()
    %run_scoped3A_8 = arith.constant 2 : i32
    "tpu.region"() ({
      %run_scoped3A_17 = tpu.sem_alloc : memref<!tpu.dma_semaphore, #tpu.memory_space<semaphore_mem>>
      %dma_start3A = arith.constant 256 : i32
      %dma_start3A_18 = arith.constant 0 : i32
      %dma_start3A_19 = tpu.memref_slice %arg7[%dma_start3A, %dma_start3A_18] : memref<768x64xf32, #tpu.memory_space<vmem>> -> memref<128x64xf32, #tpu.memory_space<vmem>>
      %dma_start3A_20 = arith.constant 0 : i32
      %dma_start3A_21 = tpu.memref_slice %arg6[%run_scoped3A_8, %dma_start3A_20] : memref<6x128xi32, #tpu.memory_space<vmem>> -> memref<1x128xi32, #tpu.memory_space<vmem>>
      %dma_start3A_22 = tpu.memref_squeeze %dma_start3A_21 : memref<1x128xi32, #tpu.memory_space<vmem>> -> memref<128xi32, #tpu.memory_space<vmem>>
      %dma_start3A_23 = arith.constant 0 : i32
      %dma_start3A_24 = arith.constant 0 : i32
      %dma_start3A_25 = tpu.memref_slice %arg8[%dma_start3A_23, %dma_start3A_24] : memref<8192x64xf32, #tpu.memory_space<vmem_shared>> -> memref<8192x64xf32, #tpu.memory_space<vmem_shared>>
      tpu.enqueue_indirect_dma source(%dma_start3A_19 : memref<128x64xf32, #tpu.memory_space<vmem>>) target(%dma_start3A_25 : memref<8192x64xf32, #tpu.memory_space<vmem_shared>>) offsets(%dma_start3A_22 : memref<128xi32, #tpu.memory_space<vmem>>) semaphore(%run_scoped3A_17 : memref<!tpu.dma_semaphore, #tpu.memory_space<semaphore_mem>>) {add = true}
      %dma_wait3A = arith.constant 256 : i32
      %dma_wait3A_26 = arith.constant 0 : i32
      %dma_wait3A_27 = tpu.memref_slice %arg7[%dma_wait3A, %dma_wait3A_26] : memref<768x64xf32, #tpu.memory_space<vmem>> -> memref<128x64xf32, #tpu.memory_space<vmem>>
      %dma_wait3A_28 = arith.constant 0 : i32
      %dma_wait3A_29 = tpu.memref_slice %arg6[%run_scoped3A_8, %dma_wait3A_28] : memref<6x128xi32, #tpu.memory_space<vmem>> -> memref<1x128xi32, #tpu.memory_space<vmem>>
      %dma_wait3A_30 = tpu.memref_squeeze %dma_wait3A_29 : memref<1x128xi32, #tpu.memory_space<vmem>> -> memref<128xi32, #tpu.memory_space<vmem>>
      %dma_wait3A_31 = arith.constant 0 : i32
      %dma_wait3A_32 = arith.constant 0 : i32
      %dma_wait3A_33 = tpu.memref_slice %arg8[%dma_wait3A_31, %dma_wait3A_32] : memref<8192x64xf32, #tpu.memory_space<vmem_shared>> -> memref<8192x64xf32, #tpu.memory_space<vmem_shared>>
      tpu.wait_indirect_dma semaphore(%run_scoped3A_17 : memref<!tpu.dma_semaphore, #tpu.memory_space<semaphore_mem>>) src(%dma_wait3A_27 : memref<128x64xf32, #tpu.memory_space<vmem>>) dst(%dma_wait3A_33 : memref<8192x64xf32, #tpu.memory_space<vmem_shared>>)
      tpu.yield
    }) : () -> ()
    %run_scoped3A_9 = arith.constant 3 : i32
    "tpu.region"() ({
      %run_scoped3A_17 = tpu.sem_alloc : memref<!tpu.dma_semaphore, #tpu.memory_space<semaphore_mem>>
      %dma_start3A = arith.constant 384 : i32
      %dma_start3A_18 = arith.constant 0 : i32
      %dma_start3A_19 = tpu.memref_slice %arg7[%dma_start3A, %dma_start3A_18] : memref<768x64xf32, #tpu.memory_space<vmem>> -> memref<128x64xf32, #tpu.memory_space<vmem>>
      %dma_start3A_20 = arith.constant 0 : i32
      %dma_start3A_21 = tpu.memref_slice %arg6[%run_scoped3A_9, %dma_start3A_20] : memref<6x128xi32, #tpu.memory_space<vmem>> -> memref<1x128xi32, #tpu.memory_space<vmem>>
      %dma_start3A_22 = tpu.memref_squeeze %dma_start3A_21 : memref<1x128xi32, #tpu.memory_space<vmem>> -> memref<128xi32, #tpu.memory_space<vmem>>
      %dma_start3A_23 = arith.constant 0 : i32
      %dma_start3A_24 = arith.constant 0 : i32
      %dma_start3A_25 = tpu.memref_slice %arg8[%dma_start3A_23, %dma_start3A_24] : memref<8192x64xf32, #tpu.memory_space<vmem_shared>> -> memref<8192x64xf32, #tpu.memory_space<vmem_shared>>
      tpu.enqueue_indirect_dma source(%dma_start3A_19 : memref<128x64xf32, #tpu.memory_space<vmem>>) target(%dma_start3A_25 : memref<8192x64xf32, #tpu.memory_space<vmem_shared>>) offsets(%dma_start3A_22 : memref<128xi32, #tpu.memory_space<vmem>>) semaphore(%run_scoped3A_17 : memref<!tpu.dma_semaphore, #tpu.memory_space<semaphore_mem>>) {add = true}
      %dma_wait3A = arith.constant 384 : i32
      %dma_wait3A_26 = arith.constant 0 : i32
      %dma_wait3A_27 = tpu.memref_slice %arg7[%dma_wait3A, %dma_wait3A_26] : memref<768x64xf32, #tpu.memory_space<vmem>> -> memref<128x64xf32, #tpu.memory_space<vmem>>
      %dma_wait3A_28 = arith.constant 0 : i32
      %dma_wait3A_29 = tpu.memref_slice %arg6[%run_scoped3A_9, %dma_wait3A_28] : memref<6x128xi32, #tpu.memory_space<vmem>> -> memref<1x128xi32, #tpu.memory_space<vmem>>
      %dma_wait3A_30 = tpu.memref_squeeze %dma_wait3A_29 : memref<1x128xi32, #tpu.memory_space<vmem>> -> memref<128xi32, #tpu.memory_space<vmem>>
      %dma_wait3A_31 = arith.constant 0 : i32
      %dma_wait3A_32 = arith.constant 0 : i32
      %dma_wait3A_33 = tpu.memref_slice %arg8[%dma_wait3A_31, %dma_wait3A_32] : memref<8192x64xf32, #tpu.memory_space<vmem_shared>> -> memref<8192x64xf32, #tpu.memory_space<vmem_shared>>
      tpu.wait_indirect_dma semaphore(%run_scoped3A_17 : memref<!tpu.dma_semaphore, #tpu.memory_space<semaphore_mem>>) src(%dma_wait3A_27 : memref<128x64xf32, #tpu.memory_space<vmem>>) dst(%dma_wait3A_33 : memref<8192x64xf32, #tpu.memory_space<vmem_shared>>)
      tpu.yield
    }) : () -> ()
    %run_scoped3A_10 = arith.constant 4 : i32
    "tpu.region"() ({
      %run_scoped3A_17 = tpu.sem_alloc : memref<!tpu.dma_semaphore, #tpu.memory_space<semaphore_mem>>
      %dma_start3A = arith.constant 512 : i32
      %dma_start3A_18 = arith.constant 0 : i32
      %dma_start3A_19 = tpu.memref_slice %arg7[%dma_start3A, %dma_start3A_18] : memref<768x64xf32, #tpu.memory_space<vmem>> -> memref<128x64xf32, #tpu.memory_space<vmem>>
      %dma_start3A_20 = arith.constant 0 : i32
      %dma_start3A_21 = tpu.memref_slice %arg6[%run_scoped3A_10, %dma_start3A_20] : memref<6x128xi32, #tpu.memory_space<vmem>> -> memref<1x128xi32, #tpu.memory_space<vmem>>
      %dma_start3A_22 = tpu.memref_squeeze %dma_start3A_21 : memref<1x128xi32, #tpu.memory_space<vmem>> -> memref<128xi32, #tpu.memory_space<vmem>>
      %dma_start3A_23 = arith.constant 0 : i32
      %dma_start3A_24 = arith.constant 0 : i32
      %dma_start3A_25 = tpu.memref_slice %arg8[%dma_start3A_23, %dma_start3A_24] : memref<8192x64xf32, #tpu.memory_space<vmem_shared>> -> memref<8192x64xf32, #tpu.memory_space<vmem_shared>>
      tpu.enqueue_indirect_dma source(%dma_start3A_19 : memref<128x64xf32, #tpu.memory_space<vmem>>) target(%dma_start3A_25 : memref<8192x64xf32, #tpu.memory_space<vmem_shared>>) offsets(%dma_start3A_22 : memref<128xi32, #tpu.memory_space<vmem>>) semaphore(%run_scoped3A_17 : memref<!tpu.dma_semaphore, #tpu.memory_space<semaphore_mem>>) {add = true}
      %dma_wait3A = arith.constant 512 : i32
      %dma_wait3A_26 = arith.constant 0 : i32
      %dma_wait3A_27 = tpu.memref_slice %arg7[%dma_wait3A, %dma_wait3A_26] : memref<768x64xf32, #tpu.memory_space<vmem>> -> memref<128x64xf32, #tpu.memory_space<vmem>>
      %dma_wait3A_28 = arith.constant 0 : i32
      %dma_wait3A_29 = tpu.memref_slice %arg6[%run_scoped3A_10, %dma_wait3A_28] : memref<6x128xi32, #tpu.memory_space<vmem>> -> memref<1x128xi32, #tpu.memory_space<vmem>>
      %dma_wait3A_30 = tpu.memref_squeeze %dma_wait3A_29 : memref<1x128xi32, #tpu.memory_space<vmem>> -> memref<128xi32, #tpu.memory_space<vmem>>
      %dma_wait3A_31 = arith.constant 0 : i32
      %dma_wait3A_32 = arith.constant 0 : i32
      %dma_wait3A_33 = tpu.memref_slice %arg8[%dma_wait3A_31, %dma_wait3A_32] : memref<8192x64xf32, #tpu.memory_space<vmem_shared>> -> memref<8192x64xf32, #tpu.memory_space<vmem_shared>>
      tpu.wait_indirect_dma semaphore(%run_scoped3A_17 : memref<!tpu.dma_semaphore, #tpu.memory_space<semaphore_mem>>) src(%dma_wait3A_27 : memref<128x64xf32, #tpu.memory_space<vmem>>) dst(%dma_wait3A_33 : memref<8192x64xf32, #tpu.memory_space<vmem_shared>>)
      tpu.yield
    }) : () -> ()
    %run_scoped3A_11 = arith.constant 5 : i32
    "tpu.region"() ({
      %run_scoped3A_17 = tpu.sem_alloc : memref<!tpu.dma_semaphore, #tpu.memory_space<semaphore_mem>>
      %dma_start3A = arith.constant 640 : i32
      %dma_start3A_18 = arith.constant 0 : i32
      %dma_start3A_19 = tpu.memref_slice %arg7[%dma_start3A, %dma_start3A_18] : memref<768x64xf32, #tpu.memory_space<vmem>> -> memref<128x64xf32, #tpu.memory_space<vmem>>
      %dma_start3A_20 = arith.constant 0 : i32
      %dma_start3A_21 = tpu.memref_slice %arg6[%run_scoped3A_11, %dma_start3A_20] : memref<6x128xi32, #tpu.memory_space<vmem>> -> memref<1x128xi32, #tpu.memory_space<vmem>>
      %dma_start3A_22 = tpu.memref_squeeze %dma_start3A_21 : memref<1x128xi32, #tpu.memory_space<vmem>> -> memref<128xi32, #tpu.memory_space<vmem>>
      %dma_start3A_23 = arith.constant 0 : i32
      %dma_start3A_24 = arith.constant 0 : i32
      %dma_start3A_25 = tpu.memref_slice %arg8[%dma_start3A_23, %dma_start3A_24] : memref<8192x64xf32, #tpu.memory_space<vmem_shared>> -> memref<8192x64xf32, #tpu.memory_space<vmem_shared>>
      tpu.enqueue_indirect_dma source(%dma_start3A_19 : memref<128x64xf32, #tpu.memory_space<vmem>>) target(%dma_start3A_25 : memref<8192x64xf32, #tpu.memory_space<vmem_shared>>) offsets(%dma_start3A_22 : memref<128xi32, #tpu.memory_space<vmem>>) semaphore(%run_scoped3A_17 : memref<!tpu.dma_semaphore, #tpu.memory_space<semaphore_mem>>) {add = true}
      %dma_wait3A = arith.constant 640 : i32
      %dma_wait3A_26 = arith.constant 0 : i32
      %dma_wait3A_27 = tpu.memref_slice %arg7[%dma_wait3A, %dma_wait3A_26] : memref<768x64xf32, #tpu.memory_space<vmem>> -> memref<128x64xf32, #tpu.memory_space<vmem>>
      %dma_wait3A_28 = arith.constant 0 : i32
      %dma_wait3A_29 = tpu.memref_slice %arg6[%run_scoped3A_11, %dma_wait3A_28] : memref<6x128xi32, #tpu.memory_space<vmem>> -> memref<1x128xi32, #tpu.memory_space<vmem>>
      %dma_wait3A_30 = tpu.memref_squeeze %dma_wait3A_29 : memref<1x128xi32, #tpu.memory_space<vmem>> -> memref<128xi32, #tpu.memory_space<vmem>>
      %dma_wait3A_31 = arith.constant 0 : i32
      %dma_wait3A_32 = arith.constant 0 : i32
      %dma_wait3A_33 = tpu.memref_slice %arg8[%dma_wait3A_31, %dma_wait3A_32] : memref<8192x64xf32, #tpu.memory_space<vmem_shared>> -> memref<8192x64xf32, #tpu.memory_space<vmem_shared>>
      tpu.wait_indirect_dma semaphore(%run_scoped3A_17 : memref<!tpu.dma_semaphore, #tpu.memory_space<semaphore_mem>>) src(%dma_wait3A_27 : memref<128x64xf32, #tpu.memory_space<vmem>>) dst(%dma_wait3A_33 : memref<8192x64xf32, #tpu.memory_space<vmem_shared>>)
      tpu.yield
    }) : () -> ()
    %barrier3A_12 = arith.constant 0 : index
    tpu.barrier barrier_id(%barrier3A_12)
    %mul3A_13 = arith.constant 512 : i32
    %mul3A_14 = arith.muli %arg1, %mul3A_13 : i32
    %mul3A_15 = arith.constant 512 : i32
    %mul3A_16 = arith.muli %arg1, %mul3A_15 : i32
    "tpu.region"() ({
      %run_scoped3A_17 = tpu.sem_alloc : memref<!tpu.dma_semaphore, #tpu.memory_space<semaphore_mem>>
      %dma_start3A = arith.constant 0 : i32
      %dma_start3A_18 = tpu.memref_slice %arg5[%arg0, %mul3A_16, %dma_start3A] : memref<2x8192x64xf32, #tpu.memory_space<hbm>> -> memref<1x512x64xf32, #tpu.memory_space<hbm>>
      %dma_start3A_19 = tpu.memref_squeeze %dma_start3A_18 : memref<1x512x64xf32, #tpu.memory_space<hbm>> -> memref<512x64xf32, #tpu.memory_space<hbm>>
      %dma_start3A_20 = arith.constant 0 : i32
      %dma_start3A_21 = tpu.memref_slice %arg8[%mul3A_14, %dma_start3A_20] : memref<8192x64xf32, #tpu.memory_space<vmem_shared>> -> memref<512x64xf32, #tpu.memory_space<vmem_shared>>
      tpu.enqueue_dma source(%dma_start3A_21 : memref<512x64xf32, #tpu.memory_space<vmem_shared>>) target(%dma_start3A_19 : memref<512x64xf32, #tpu.memory_space<hbm>>) target_semaphore(%run_scoped3A_17 : memref<!tpu.dma_semaphore, #tpu.memory_space<semaphore_mem>>)
      %dma_wait3A = arith.constant 0 : i32
      %dma_wait3A_22 = tpu.memref_slice %arg5[%arg0, %mul3A_16, %dma_wait3A] : memref<2x8192x64xf32, #tpu.memory_space<hbm>> -> memref<1x512x64xf32, #tpu.memory_space<hbm>>
      %dma_wait3A_23 = tpu.memref_squeeze %dma_wait3A_22 : memref<1x512x64xf32, #tpu.memory_space<hbm>> -> memref<512x64xf32, #tpu.memory_space<hbm>>
      %dma_wait3A_24 = arith.constant 0 : i32
      %dma_wait3A_25 = tpu.memref_slice %arg8[%mul3A_14, %dma_wait3A_24] : memref<8192x64xf32, #tpu.memory_space<vmem_shared>> -> memref<512x64xf32, #tpu.memory_space<vmem_shared>>
      tpu.wait_dma2 semaphore(%run_scoped3A_17 : memref<!tpu.dma_semaphore, #tpu.memory_space<semaphore_mem>>) src(%dma_wait3A_25 : memref<512x64xf32, #tpu.memory_space<vmem_shared>>) dst(%dma_wait3A_23 : memref<512x64xf32, #tpu.memory_space<hbm>>)
      tpu.yield
    }) : () -> ()
    return
  }
}

#map = affine_map<(d0, d1) -> (0, 0)>
#map1 = affine_map<(d0, d1) -> (0, 0, 0)>
module attributes {stable_mosaic.version = 14 : i64} {
  func.func @k(%arg0: i32, %arg1: i32, %arg2: memref<8192x64xf32, #tpu.memory_space<hbm>>, %arg3: memref<32x6x128xi32, #tpu.memory_space<hbm>>, %arg4: memref<24576x64xf32, #tpu.memory_space<hbm>>, %arg5: memref<6x128xi32, #tpu.memory_space<vmem>>, %arg6: memref<768x64xf32, #tpu.memory_space<vmem>>, %arg7: memref<!tpu.dma_semaphore, #tpu.memory_space<semaphore_mem>>) attributes {dimension_semantics = [#tpu.dimension_semantics<core_parallel>, #tpu.dimension_semantics<subcore_parallel>], iteration_bounds = array<i64: 2, 16>, scalar_prefetch = 0 : i64, scratch_operands = 3 : i64, tpu.core_type = #tpu.core_type<sc_vector_subcore>, window_params = [{transform_indices = #map}, {transform_indices = #map1}, {transform_indices = #map}]} {
    %mul3A = arith.constant 2 : i32
    %mul3A_0 = arith.muli %arg1, %mul3A : i32
    %add3A = arith.addi %mul3A_0, %arg0 : i32
    "tpu.region"() ({
      %run_scoped3A = tpu.sem_alloc : memref<!tpu.dma_semaphore, #tpu.memory_space<semaphore_mem>>
      %dma_start3A_121 = arith.constant 0 : i32
      %dma_start3A_122 = arith.constant 0 : i32
      %dma_start3A_123 = tpu.memref_slice %arg3[%add3A, %dma_start3A_121, %dma_start3A_122] : memref<32x6x128xi32, #tpu.memory_space<hbm>> -> memref<1x6x128xi32, #tpu.memory_space<hbm>>
      %dma_start3A_124 = tpu.memref_squeeze %dma_start3A_123 : memref<1x6x128xi32, #tpu.memory_space<hbm>> -> memref<6x128xi32, #tpu.memory_space<hbm>>
      %dma_start3A_125 = arith.constant 0 : i32
      %dma_start3A_126 = arith.constant 0 : i32
      %dma_start3A_127 = tpu.memref_slice %arg3[%add3A, %dma_start3A_125, %dma_start3A_126] : memref<32x6x128xi32, #tpu.memory_space<hbm>> -> memref<1x6x128xi32, #tpu.memory_space<hbm>>
      %dma_start3A_128 = tpu.memref_squeeze %dma_start3A_127 : memref<1x6x128xi32, #tpu.memory_space<hbm>> -> memref<6x128xi32, #tpu.memory_space<hbm>>
      tpu.enqueue_dma source(%dma_start3A_128 : memref<6x128xi32, #tpu.memory_space<hbm>>) target(%arg5 : memref<6x128xi32, #tpu.memory_space<vmem>>) target_semaphore(%run_scoped3A : memref<!tpu.dma_semaphore, #tpu.memory_space<semaphore_mem>>)
      %dma_wait3A_129 = arith.constant 0 : i32
      %dma_wait3A_130 = arith.constant 0 : i32
      %dma_wait3A_131 = tpu.memref_slice %arg3[%add3A, %dma_wait3A_129, %dma_wait3A_130] : memref<32x6x128xi32, #tpu.memory_space<hbm>> -> memref<1x6x128xi32, #tpu.memory_space<hbm>>
      %dma_wait3A_132 = tpu.memref_squeeze %dma_wait3A_131 : memref<1x6x128xi32, #tpu.memory_space<hbm>> -> memref<6x128xi32, #tpu.memory_space<hbm>>
      %dma_wait3A_133 = arith.constant 0 : i32
      %dma_wait3A_134 = arith.constant 0 : i32
      %dma_wait3A_135 = tpu.memref_slice %arg3[%add3A, %dma_wait3A_133, %dma_wait3A_134] : memref<32x6x128xi32, #tpu.memory_space<hbm>> -> memref<1x6x128xi32, #tpu.memory_space<hbm>>
      %dma_wait3A_136 = tpu.memref_squeeze %dma_wait3A_135 : memref<1x6x128xi32, #tpu.memory_space<hbm>> -> memref<6x128xi32, #tpu.memory_space<hbm>>
      tpu.wait_dma2 semaphore(%run_scoped3A : memref<!tpu.dma_semaphore, #tpu.memory_space<semaphore_mem>>) src(%dma_wait3A_136 : memref<6x128xi32, #tpu.memory_space<hbm>>) dst(%arg5 : memref<6x128xi32, #tpu.memory_space<vmem>>)
      tpu.yield
    }) : () -> ()
    %dma_start3A = arith.constant 0 : i32
    %dma_start3A_1 = arith.constant 0 : i32
    %dma_start3A_2 = arith.constant 0 : i32
    %dma_start3A_3 = tpu.memref_slice %arg6[%dma_start3A_1, %dma_start3A_2] : memref<768x64xf32, #tpu.memory_space<vmem>> -> memref<128x64xf32, #tpu.memory_space<vmem>>
    %dma_start3A_4 = arith.constant 0 : i32
    %dma_start3A_5 = tpu.memref_slice %arg5[%dma_start3A, %dma_start3A_4] : memref<6x128xi32, #tpu.memory_space<vmem>> -> memref<1x128xi32, #tpu.memory_space<vmem>>
    %dma_start3A_6 = tpu.memref_squeeze %dma_start3A_5 : memref<1x128xi32, #tpu.memory_space<vmem>> -> memref<128xi32, #tpu.memory_space<vmem>>
    %dma_start3A_7 = arith.constant 0 : i32
    %dma_start3A_8 = arith.constant 0 : i32
    %dma_start3A_9 = tpu.memref_slice %arg2[%dma_start3A_7, %dma_start3A_8] : memref<8192x64xf32, #tpu.memory_space<hbm>> -> memref<8192x64xf32, #tpu.memory_space<hbm>>
    tpu.enqueue_indirect_dma source(%dma_start3A_9 : memref<8192x64xf32, #tpu.memory_space<hbm>>) target(%dma_start3A_3 : memref<128x64xf32, #tpu.memory_space<vmem>>) offsets(%dma_start3A_6 : memref<128xi32, #tpu.memory_space<vmem>>) semaphore(%arg7 : memref<!tpu.dma_semaphore, #tpu.memory_space<semaphore_mem>>)
    %dma_start3A_10 = arith.constant 1 : i32
    %dma_start3A_11 = arith.constant 128 : i32
    %dma_start3A_12 = arith.constant 0 : i32
    %dma_start3A_13 = tpu.memref_slice %arg6[%dma_start3A_11, %dma_start3A_12] : memref<768x64xf32, #tpu.memory_space<vmem>> -> memref<128x64xf32, #tpu.memory_space<vmem>>
    %dma_start3A_14 = arith.constant 0 : i32
    %dma_start3A_15 = tpu.memref_slice %arg5[%dma_start3A_10, %dma_start3A_14] : memref<6x128xi32, #tpu.memory_space<vmem>> -> memref<1x128xi32, #tpu.memory_space<vmem>>
    %dma_start3A_16 = tpu.memref_squeeze %dma_start3A_15 : memref<1x128xi32, #tpu.memory_space<vmem>> -> memref<128xi32, #tpu.memory_space<vmem>>
    %dma_start3A_17 = arith.constant 0 : i32
    %dma_start3A_18 = arith.constant 0 : i32
    %dma_start3A_19 = tpu.memref_slice %arg2[%dma_start3A_17, %dma_start3A_18] : memref<8192x64xf32, #tpu.memory_space<hbm>> -> memref<8192x64xf32, #tpu.memory_space<hbm>>
    tpu.enqueue_indirect_dma source(%dma_start3A_19 : memref<8192x64xf32, #tpu.memory_space<hbm>>) target(%dma_start3A_13 : memref<128x64xf32, #tpu.memory_space<vmem>>) offsets(%dma_start3A_16 : memref<128xi32, #tpu.memory_space<vmem>>) semaphore(%arg7 : memref<!tpu.dma_semaphore, #tpu.memory_space<semaphore_mem>>)
    %dma_start3A_20 = arith.constant 2 : i32
    %dma_start3A_21 = arith.constant 256 : i32
    %dma_start3A_22 = arith.constant 0 : i32
    %dma_start3A_23 = tpu.memref_slice %arg6[%dma_start3A_21, %dma_start3A_22] : memref<768x64xf32, #tpu.memory_space<vmem>> -> memref<128x64xf32, #tpu.memory_space<vmem>>
    %dma_start3A_24 = arith.constant 0 : i32
    %dma_start3A_25 = tpu.memref_slice %arg5[%dma_start3A_20, %dma_start3A_24] : memref<6x128xi32, #tpu.memory_space<vmem>> -> memref<1x128xi32, #tpu.memory_space<vmem>>
    %dma_start3A_26 = tpu.memref_squeeze %dma_start3A_25 : memref<1x128xi32, #tpu.memory_space<vmem>> -> memref<128xi32, #tpu.memory_space<vmem>>
    %dma_start3A_27 = arith.constant 0 : i32
    %dma_start3A_28 = arith.constant 0 : i32
    %dma_start3A_29 = tpu.memref_slice %arg2[%dma_start3A_27, %dma_start3A_28] : memref<8192x64xf32, #tpu.memory_space<hbm>> -> memref<8192x64xf32, #tpu.memory_space<hbm>>
    tpu.enqueue_indirect_dma source(%dma_start3A_29 : memref<8192x64xf32, #tpu.memory_space<hbm>>) target(%dma_start3A_23 : memref<128x64xf32, #tpu.memory_space<vmem>>) offsets(%dma_start3A_26 : memref<128xi32, #tpu.memory_space<vmem>>) semaphore(%arg7 : memref<!tpu.dma_semaphore, #tpu.memory_space<semaphore_mem>>)
    %dma_start3A_30 = arith.constant 3 : i32
    %dma_start3A_31 = arith.constant 384 : i32
    %dma_start3A_32 = arith.constant 0 : i32
    %dma_start3A_33 = tpu.memref_slice %arg6[%dma_start3A_31, %dma_start3A_32] : memref<768x64xf32, #tpu.memory_space<vmem>> -> memref<128x64xf32, #tpu.memory_space<vmem>>
    %dma_start3A_34 = arith.constant 0 : i32
    %dma_start3A_35 = tpu.memref_slice %arg5[%dma_start3A_30, %dma_start3A_34] : memref<6x128xi32, #tpu.memory_space<vmem>> -> memref<1x128xi32, #tpu.memory_space<vmem>>
    %dma_start3A_36 = tpu.memref_squeeze %dma_start3A_35 : memref<1x128xi32, #tpu.memory_space<vmem>> -> memref<128xi32, #tpu.memory_space<vmem>>
    %dma_start3A_37 = arith.constant 0 : i32
    %dma_start3A_38 = arith.constant 0 : i32
    %dma_start3A_39 = tpu.memref_slice %arg2[%dma_start3A_37, %dma_start3A_38] : memref<8192x64xf32, #tpu.memory_space<hbm>> -> memref<8192x64xf32, #tpu.memory_space<hbm>>
    tpu.enqueue_indirect_dma source(%dma_start3A_39 : memref<8192x64xf32, #tpu.memory_space<hbm>>) target(%dma_start3A_33 : memref<128x64xf32, #tpu.memory_space<vmem>>) offsets(%dma_start3A_36 : memref<128xi32, #tpu.memory_space<vmem>>) semaphore(%arg7 : memref<!tpu.dma_semaphore, #tpu.memory_space<semaphore_mem>>)
    %dma_start3A_40 = arith.constant 4 : i32
    %dma_start3A_41 = arith.constant 512 : i32
    %dma_start3A_42 = arith.constant 0 : i32
    %dma_start3A_43 = tpu.memref_slice %arg6[%dma_start3A_41, %dma_start3A_42] : memref<768x64xf32, #tpu.memory_space<vmem>> -> memref<128x64xf32, #tpu.memory_space<vmem>>
    %dma_start3A_44 = arith.constant 0 : i32
    %dma_start3A_45 = tpu.memref_slice %arg5[%dma_start3A_40, %dma_start3A_44] : memref<6x128xi32, #tpu.memory_space<vmem>> -> memref<1x128xi32, #tpu.memory_space<vmem>>
    %dma_start3A_46 = tpu.memref_squeeze %dma_start3A_45 : memref<1x128xi32, #tpu.memory_space<vmem>> -> memref<128xi32, #tpu.memory_space<vmem>>
    %dma_start3A_47 = arith.constant 0 : i32
    %dma_start3A_48 = arith.constant 0 : i32
    %dma_start3A_49 = tpu.memref_slice %arg2[%dma_start3A_47, %dma_start3A_48] : memref<8192x64xf32, #tpu.memory_space<hbm>> -> memref<8192x64xf32, #tpu.memory_space<hbm>>
    tpu.enqueue_indirect_dma source(%dma_start3A_49 : memref<8192x64xf32, #tpu.memory_space<hbm>>) target(%dma_start3A_43 : memref<128x64xf32, #tpu.memory_space<vmem>>) offsets(%dma_start3A_46 : memref<128xi32, #tpu.memory_space<vmem>>) semaphore(%arg7 : memref<!tpu.dma_semaphore, #tpu.memory_space<semaphore_mem>>)
    %dma_start3A_50 = arith.constant 5 : i32
    %dma_start3A_51 = arith.constant 640 : i32
    %dma_start3A_52 = arith.constant 0 : i32
    %dma_start3A_53 = tpu.memref_slice %arg6[%dma_start3A_51, %dma_start3A_52] : memref<768x64xf32, #tpu.memory_space<vmem>> -> memref<128x64xf32, #tpu.memory_space<vmem>>
    %dma_start3A_54 = arith.constant 0 : i32
    %dma_start3A_55 = tpu.memref_slice %arg5[%dma_start3A_50, %dma_start3A_54] : memref<6x128xi32, #tpu.memory_space<vmem>> -> memref<1x128xi32, #tpu.memory_space<vmem>>
    %dma_start3A_56 = tpu.memref_squeeze %dma_start3A_55 : memref<1x128xi32, #tpu.memory_space<vmem>> -> memref<128xi32, #tpu.memory_space<vmem>>
    %dma_start3A_57 = arith.constant 0 : i32
    %dma_start3A_58 = arith.constant 0 : i32
    %dma_start3A_59 = tpu.memref_slice %arg2[%dma_start3A_57, %dma_start3A_58] : memref<8192x64xf32, #tpu.memory_space<hbm>> -> memref<8192x64xf32, #tpu.memory_space<hbm>>
    tpu.enqueue_indirect_dma source(%dma_start3A_59 : memref<8192x64xf32, #tpu.memory_space<hbm>>) target(%dma_start3A_53 : memref<128x64xf32, #tpu.memory_space<vmem>>) offsets(%dma_start3A_56 : memref<128xi32, #tpu.memory_space<vmem>>) semaphore(%arg7 : memref<!tpu.dma_semaphore, #tpu.memory_space<semaphore_mem>>)
    %dma_wait3A = arith.constant 0 : i32
    %dma_wait3A_60 = arith.constant 0 : i32
    %dma_wait3A_61 = arith.constant 0 : i32
    %dma_wait3A_62 = tpu.memref_slice %arg6[%dma_wait3A_60, %dma_wait3A_61] : memref<768x64xf32, #tpu.memory_space<vmem>> -> memref<128x64xf32, #tpu.memory_space<vmem>>
    %dma_wait3A_63 = arith.constant 0 : i32
    %dma_wait3A_64 = tpu.memref_slice %arg5[%dma_wait3A, %dma_wait3A_63] : memref<6x128xi32, #tpu.memory_space<vmem>> -> memref<1x128xi32, #tpu.memory_space<vmem>>
    %dma_wait3A_65 = tpu.memref_squeeze %dma_wait3A_64 : memref<1x128xi32, #tpu.memory_space<vmem>> -> memref<128xi32, #tpu.memory_space<vmem>>
    %dma_wait3A_66 = arith.constant 0 : i32
    %dma_wait3A_67 = arith.constant 0 : i32
    %dma_wait3A_68 = tpu.memref_slice %arg2[%dma_wait3A_66, %dma_wait3A_67] : memref<8192x64xf32, #tpu.memory_space<hbm>> -> memref<8192x64xf32, #tpu.memory_space<hbm>>
    tpu.wait_indirect_dma semaphore(%arg7 : memref<!tpu.dma_semaphore, #tpu.memory_space<semaphore_mem>>) src(%dma_wait3A_68 : memref<8192x64xf32, #tpu.memory_space<hbm>>) dst(%dma_wait3A_62 : memref<128x64xf32, #tpu.memory_space<vmem>>)
    %dma_wait3A_69 = arith.constant 1 : i32
    %dma_wait3A_70 = arith.constant 128 : i32
    %dma_wait3A_71 = arith.constant 0 : i32
    %dma_wait3A_72 = tpu.memref_slice %arg6[%dma_wait3A_70, %dma_wait3A_71] : memref<768x64xf32, #tpu.memory_space<vmem>> -> memref<128x64xf32, #tpu.memory_space<vmem>>
    %dma_wait3A_73 = arith.constant 0 : i32
    %dma_wait3A_74 = tpu.memref_slice %arg5[%dma_wait3A_69, %dma_wait3A_73] : memref<6x128xi32, #tpu.memory_space<vmem>> -> memref<1x128xi32, #tpu.memory_space<vmem>>
    %dma_wait3A_75 = tpu.memref_squeeze %dma_wait3A_74 : memref<1x128xi32, #tpu.memory_space<vmem>> -> memref<128xi32, #tpu.memory_space<vmem>>
    %dma_wait3A_76 = arith.constant 0 : i32
    %dma_wait3A_77 = arith.constant 0 : i32
    %dma_wait3A_78 = tpu.memref_slice %arg2[%dma_wait3A_76, %dma_wait3A_77] : memref<8192x64xf32, #tpu.memory_space<hbm>> -> memref<8192x64xf32, #tpu.memory_space<hbm>>
    tpu.wait_indirect_dma semaphore(%arg7 : memref<!tpu.dma_semaphore, #tpu.memory_space<semaphore_mem>>) src(%dma_wait3A_78 : memref<8192x64xf32, #tpu.memory_space<hbm>>) dst(%dma_wait3A_72 : memref<128x64xf32, #tpu.memory_space<vmem>>)
    %dma_wait3A_79 = arith.constant 2 : i32
    %dma_wait3A_80 = arith.constant 256 : i32
    %dma_wait3A_81 = arith.constant 0 : i32
    %dma_wait3A_82 = tpu.memref_slice %arg6[%dma_wait3A_80, %dma_wait3A_81] : memref<768x64xf32, #tpu.memory_space<vmem>> -> memref<128x64xf32, #tpu.memory_space<vmem>>
    %dma_wait3A_83 = arith.constant 0 : i32
    %dma_wait3A_84 = tpu.memref_slice %arg5[%dma_wait3A_79, %dma_wait3A_83] : memref<6x128xi32, #tpu.memory_space<vmem>> -> memref<1x128xi32, #tpu.memory_space<vmem>>
    %dma_wait3A_85 = tpu.memref_squeeze %dma_wait3A_84 : memref<1x128xi32, #tpu.memory_space<vmem>> -> memref<128xi32, #tpu.memory_space<vmem>>
    %dma_wait3A_86 = arith.constant 0 : i32
    %dma_wait3A_87 = arith.constant 0 : i32
    %dma_wait3A_88 = tpu.memref_slice %arg2[%dma_wait3A_86, %dma_wait3A_87] : memref<8192x64xf32, #tpu.memory_space<hbm>> -> memref<8192x64xf32, #tpu.memory_space<hbm>>
    tpu.wait_indirect_dma semaphore(%arg7 : memref<!tpu.dma_semaphore, #tpu.memory_space<semaphore_mem>>) src(%dma_wait3A_88 : memref<8192x64xf32, #tpu.memory_space<hbm>>) dst(%dma_wait3A_82 : memref<128x64xf32, #tpu.memory_space<vmem>>)
    %dma_wait3A_89 = arith.constant 3 : i32
    %dma_wait3A_90 = arith.constant 384 : i32
    %dma_wait3A_91 = arith.constant 0 : i32
    %dma_wait3A_92 = tpu.memref_slice %arg6[%dma_wait3A_90, %dma_wait3A_91] : memref<768x64xf32, #tpu.memory_space<vmem>> -> memref<128x64xf32, #tpu.memory_space<vmem>>
    %dma_wait3A_93 = arith.constant 0 : i32
    %dma_wait3A_94 = tpu.memref_slice %arg5[%dma_wait3A_89, %dma_wait3A_93] : memref<6x128xi32, #tpu.memory_space<vmem>> -> memref<1x128xi32, #tpu.memory_space<vmem>>
    %dma_wait3A_95 = tpu.memref_squeeze %dma_wait3A_94 : memref<1x128xi32, #tpu.memory_space<vmem>> -> memref<128xi32, #tpu.memory_space<vmem>>
    %dma_wait3A_96 = arith.constant 0 : i32
    %dma_wait3A_97 = arith.constant 0 : i32
    %dma_wait3A_98 = tpu.memref_slice %arg2[%dma_wait3A_96, %dma_wait3A_97] : memref<8192x64xf32, #tpu.memory_space<hbm>> -> memref<8192x64xf32, #tpu.memory_space<hbm>>
    tpu.wait_indirect_dma semaphore(%arg7 : memref<!tpu.dma_semaphore, #tpu.memory_space<semaphore_mem>>) src(%dma_wait3A_98 : memref<8192x64xf32, #tpu.memory_space<hbm>>) dst(%dma_wait3A_92 : memref<128x64xf32, #tpu.memory_space<vmem>>)
    %dma_wait3A_99 = arith.constant 4 : i32
    %dma_wait3A_100 = arith.constant 512 : i32
    %dma_wait3A_101 = arith.constant 0 : i32
    %dma_wait3A_102 = tpu.memref_slice %arg6[%dma_wait3A_100, %dma_wait3A_101] : memref<768x64xf32, #tpu.memory_space<vmem>> -> memref<128x64xf32, #tpu.memory_space<vmem>>
    %dma_wait3A_103 = arith.constant 0 : i32
    %dma_wait3A_104 = tpu.memref_slice %arg5[%dma_wait3A_99, %dma_wait3A_103] : memref<6x128xi32, #tpu.memory_space<vmem>> -> memref<1x128xi32, #tpu.memory_space<vmem>>
    %dma_wait3A_105 = tpu.memref_squeeze %dma_wait3A_104 : memref<1x128xi32, #tpu.memory_space<vmem>> -> memref<128xi32, #tpu.memory_space<vmem>>
    %dma_wait3A_106 = arith.constant 0 : i32
    %dma_wait3A_107 = arith.constant 0 : i32
    %dma_wait3A_108 = tpu.memref_slice %arg2[%dma_wait3A_106, %dma_wait3A_107] : memref<8192x64xf32, #tpu.memory_space<hbm>> -> memref<8192x64xf32, #tpu.memory_space<hbm>>
    tpu.wait_indirect_dma semaphore(%arg7 : memref<!tpu.dma_semaphore, #tpu.memory_space<semaphore_mem>>) src(%dma_wait3A_108 : memref<8192x64xf32, #tpu.memory_space<hbm>>) dst(%dma_wait3A_102 : memref<128x64xf32, #tpu.memory_space<vmem>>)
    %dma_wait3A_109 = arith.constant 5 : i32
    %dma_wait3A_110 = arith.constant 640 : i32
    %dma_wait3A_111 = arith.constant 0 : i32
    %dma_wait3A_112 = tpu.memref_slice %arg6[%dma_wait3A_110, %dma_wait3A_111] : memref<768x64xf32, #tpu.memory_space<vmem>> -> memref<128x64xf32, #tpu.memory_space<vmem>>
    %dma_wait3A_113 = arith.constant 0 : i32
    %dma_wait3A_114 = tpu.memref_slice %arg5[%dma_wait3A_109, %dma_wait3A_113] : memref<6x128xi32, #tpu.memory_space<vmem>> -> memref<1x128xi32, #tpu.memory_space<vmem>>
    %dma_wait3A_115 = tpu.memref_squeeze %dma_wait3A_114 : memref<1x128xi32, #tpu.memory_space<vmem>> -> memref<128xi32, #tpu.memory_space<vmem>>
    %dma_wait3A_116 = arith.constant 0 : i32
    %dma_wait3A_117 = arith.constant 0 : i32
    %dma_wait3A_118 = tpu.memref_slice %arg2[%dma_wait3A_116, %dma_wait3A_117] : memref<8192x64xf32, #tpu.memory_space<hbm>> -> memref<8192x64xf32, #tpu.memory_space<hbm>>
    tpu.wait_indirect_dma semaphore(%arg7 : memref<!tpu.dma_semaphore, #tpu.memory_space<semaphore_mem>>) src(%dma_wait3A_118 : memref<8192x64xf32, #tpu.memory_space<hbm>>) dst(%dma_wait3A_112 : memref<128x64xf32, #tpu.memory_space<vmem>>)
    %mul3A_119 = arith.constant 768 : i32
    %mul3A_120 = arith.muli %add3A, %mul3A_119 : i32
    "tpu.region"() ({
      %run_scoped3A = tpu.sem_alloc : memref<!tpu.dma_semaphore, #tpu.memory_space<semaphore_mem>>
      %dma_start3A_121 = arith.constant 0 : i32
      %dma_start3A_122 = tpu.memref_slice %arg4[%mul3A_120, %dma_start3A_121] : memref<24576x64xf32, #tpu.memory_space<hbm>> -> memref<768x64xf32, #tpu.memory_space<hbm>>
      %dma_start3A_123 = arith.constant 0 : i32
      %dma_start3A_124 = tpu.memref_slice %arg4[%mul3A_120, %dma_start3A_123] : memref<24576x64xf32, #tpu.memory_space<hbm>> -> memref<768x64xf32, #tpu.memory_space<hbm>>
      tpu.enqueue_dma source(%arg6 : memref<768x64xf32, #tpu.memory_space<vmem>>) target(%dma_start3A_124 : memref<768x64xf32, #tpu.memory_space<hbm>>) target_semaphore(%run_scoped3A : memref<!tpu.dma_semaphore, #tpu.memory_space<semaphore_mem>>)
      %dma_wait3A_125 = arith.constant 0 : i32
      %dma_wait3A_126 = tpu.memref_slice %arg4[%mul3A_120, %dma_wait3A_125] : memref<24576x64xf32, #tpu.memory_space<hbm>> -> memref<768x64xf32, #tpu.memory_space<hbm>>
      %dma_wait3A_127 = arith.constant 0 : i32
      %dma_wait3A_128 = tpu.memref_slice %arg4[%mul3A_120, %dma_wait3A_127] : memref<24576x64xf32, #tpu.memory_space<hbm>> -> memref<768x64xf32, #tpu.memory_space<hbm>>
      tpu.wait_dma2 semaphore(%run_scoped3A : memref<!tpu.dma_semaphore, #tpu.memory_space<semaphore_mem>>) src(%arg6 : memref<768x64xf32, #tpu.memory_space<vmem>>) dst(%dma_wait3A_128 : memref<768x64xf32, #tpu.memory_space<hbm>>)
      tpu.yield
    }) : () -> ()
    return
  }
}

#map = affine_map<(d0, d1) -> (0, 0)>
#map1 = affine_map<(d0, d1) -> (0, 0, 0)>
module attributes {stable_mosaic.version = 14 : i64} {
  func.func @k(%arg0: i32, %arg1: i32, %arg2: memref<24576x64xf32, #tpu.memory_space<hbm>>, %arg3: memref<32x6x128xi32, #tpu.memory_space<hbm>>, %arg4: memref<8192x64xf32, #tpu.memory_space<hbm>>, %arg5: memref<2x8192x64xf32, #tpu.memory_space<hbm>>, %arg6: memref<6x128xi32, #tpu.memory_space<vmem>>, %arg7: memref<768x64xf32, #tpu.memory_space<vmem>>, %arg8: memref<8192x64xf32, #tpu.memory_space<vmem_shared>>) attributes {dimension_semantics = [#tpu.dimension_semantics<core_parallel>, #tpu.dimension_semantics<subcore_parallel>], iteration_bounds = array<i64: 2, 16>, scalar_prefetch = 0 : i64, scratch_operands = 3 : i64, tpu.core_type = #tpu.core_type<sc_vector_subcore>, window_params = [{transform_indices = #map}, {transform_indices = #map1}, {transform_indices = #map}, {transform_indices = #map1}]} {
    %mul3A = arith.constant 2 : i32
    %mul3A_0 = arith.muli %arg1, %mul3A : i32
    %add3A = arith.addi %mul3A_0, %arg0 : i32
    %mul3A_1 = arith.constant 512 : i32
    %mul3A_2 = arith.muli %arg1, %mul3A_1 : i32
    %mul3A_3 = arith.constant 512 : i32
    %mul3A_4 = arith.muli %arg1, %mul3A_3 : i32
    "tpu.region"() ({
      %run_scoped3A_17 = tpu.sem_alloc : memref<!tpu.dma_semaphore, #tpu.memory_space<semaphore_mem>>
      %dma_start3A = arith.constant 0 : i32
      %dma_start3A_18 = tpu.memref_slice %arg8[%mul3A_4, %dma_start3A] : memref<8192x64xf32, #tpu.memory_space<vmem_shared>> -> memref<512x64xf32, #tpu.memory_space<vmem_shared>>
      %dma_start3A_19 = arith.constant 0 : i32
      %dma_start3A_20 = tpu.memref_slice %arg4[%mul3A_2, %dma_start3A_19] : memref<8192x64xf32, #tpu.memory_space<hbm>> -> memref<512x64xf32, #tpu.memory_space<hbm>>
      tpu.enqueue_dma source(%dma_start3A_20 : memref<512x64xf32, #tpu.memory_space<hbm>>) target(%dma_start3A_18 : memref<512x64xf32, #tpu.memory_space<vmem_shared>>) target_semaphore(%run_scoped3A_17 : memref<!tpu.dma_semaphore, #tpu.memory_space<semaphore_mem>>)
      %dma_wait3A = arith.constant 0 : i32
      %dma_wait3A_21 = tpu.memref_slice %arg8[%mul3A_4, %dma_wait3A] : memref<8192x64xf32, #tpu.memory_space<vmem_shared>> -> memref<512x64xf32, #tpu.memory_space<vmem_shared>>
      %dma_wait3A_22 = arith.constant 0 : i32
      %dma_wait3A_23 = tpu.memref_slice %arg4[%mul3A_2, %dma_wait3A_22] : memref<8192x64xf32, #tpu.memory_space<hbm>> -> memref<512x64xf32, #tpu.memory_space<hbm>>
      tpu.wait_dma2 semaphore(%run_scoped3A_17 : memref<!tpu.dma_semaphore, #tpu.memory_space<semaphore_mem>>) src(%dma_wait3A_23 : memref<512x64xf32, #tpu.memory_space<hbm>>) dst(%dma_wait3A_21 : memref<512x64xf32, #tpu.memory_space<vmem_shared>>)
      tpu.yield
    }) : () -> ()
    "tpu.region"() ({
      %run_scoped3A_17 = tpu.sem_alloc : memref<!tpu.dma_semaphore, #tpu.memory_space<semaphore_mem>>
      %dma_start3A = arith.constant 0 : i32
      %dma_start3A_18 = arith.constant 0 : i32
      %dma_start3A_19 = tpu.memref_slice %arg3[%add3A, %dma_start3A, %dma_start3A_18] : memref<32x6x128xi32, #tpu.memory_space<hbm>> -> memref<1x6x128xi32, #tpu.memory_space<hbm>>
      %dma_start3A_20 = tpu.memref_squeeze %dma_start3A_19 : memref<1x6x128xi32, #tpu.memory_space<hbm>> -> memref<6x128xi32, #tpu.memory_space<hbm>>
      %dma_start3A_21 = arith.constant 0 : i32
      %dma_start3A_22 = arith.constant 0 : i32
      %dma_start3A_23 = tpu.memref_slice %arg3[%add3A, %dma_start3A_21, %dma_start3A_22] : memref<32x6x128xi32, #tpu.memory_space<hbm>> -> memref<1x6x128xi32, #tpu.memory_space<hbm>>
      %dma_start3A_24 = tpu.memref_squeeze %dma_start3A_23 : memref<1x6x128xi32, #tpu.memory_space<hbm>> -> memref<6x128xi32, #tpu.memory_space<hbm>>
      tpu.enqueue_dma source(%dma_start3A_24 : memref<6x128xi32, #tpu.memory_space<hbm>>) target(%arg6 : memref<6x128xi32, #tpu.memory_space<vmem>>) target_semaphore(%run_scoped3A_17 : memref<!tpu.dma_semaphore, #tpu.memory_space<semaphore_mem>>)
      %dma_wait3A = arith.constant 0 : i32
      %dma_wait3A_25 = arith.constant 0 : i32
      %dma_wait3A_26 = tpu.memref_slice %arg3[%add3A, %dma_wait3A, %dma_wait3A_25] : memref<32x6x128xi32, #tpu.memory_space<hbm>> -> memref<1x6x128xi32, #tpu.memory_space<hbm>>
      %dma_wait3A_27 = tpu.memref_squeeze %dma_wait3A_26 : memref<1x6x128xi32, #tpu.memory_space<hbm>> -> memref<6x128xi32, #tpu.memory_space<hbm>>
      %dma_wait3A_28 = arith.constant 0 : i32
      %dma_wait3A_29 = arith.constant 0 : i32
      %dma_wait3A_30 = tpu.memref_slice %arg3[%add3A, %dma_wait3A_28, %dma_wait3A_29] : memref<32x6x128xi32, #tpu.memory_space<hbm>> -> memref<1x6x128xi32, #tpu.memory_space<hbm>>
      %dma_wait3A_31 = tpu.memref_squeeze %dma_wait3A_30 : memref<1x6x128xi32, #tpu.memory_space<hbm>> -> memref<6x128xi32, #tpu.memory_space<hbm>>
      tpu.wait_dma2 semaphore(%run_scoped3A_17 : memref<!tpu.dma_semaphore, #tpu.memory_space<semaphore_mem>>) src(%dma_wait3A_31 : memref<6x128xi32, #tpu.memory_space<hbm>>) dst(%arg6 : memref<6x128xi32, #tpu.memory_space<vmem>>)
      tpu.yield
    }) : () -> ()
    %mul3A_5 = arith.constant 768 : i32
    %mul3A_6 = arith.muli %add3A, %mul3A_5 : i32
    "tpu.region"() ({
      %run_scoped3A_17 = tpu.sem_alloc : memref<!tpu.dma_semaphore, #tpu.memory_space<semaphore_mem>>
      %dma_start3A = arith.constant 0 : i32
      %dma_start3A_18 = tpu.memref_slice %arg2[%mul3A_6, %dma_start3A] : memref<24576x64xf32, #tpu.memory_space<hbm>> -> memref<768x64xf32, #tpu.memory_space<hbm>>
      %dma_start3A_19 = arith.constant 0 : i32
      %dma_start3A_20 = tpu.memref_slice %arg2[%mul3A_6, %dma_start3A_19] : memref<24576x64xf32, #tpu.memory_space<hbm>> -> memref<768x64xf32, #tpu.memory_space<hbm>>
      tpu.enqueue_dma source(%dma_start3A_20 : memref<768x64xf32, #tpu.memory_space<hbm>>) target(%arg7 : memref<768x64xf32, #tpu.memory_space<vmem>>) target_semaphore(%run_scoped3A_17 : memref<!tpu.dma_semaphore, #tpu.memory_space<semaphore_mem>>)
      %dma_wait3A = arith.constant 0 : i32
      %dma_wait3A_21 = tpu.memref_slice %arg2[%mul3A_6, %dma_wait3A] : memref<24576x64xf32, #tpu.memory_space<hbm>> -> memref<768x64xf32, #tpu.memory_space<hbm>>
      %dma_wait3A_22 = arith.constant 0 : i32
      %dma_wait3A_23 = tpu.memref_slice %arg2[%mul3A_6, %dma_wait3A_22] : memref<24576x64xf32, #tpu.memory_space<hbm>> -> memref<768x64xf32, #tpu.memory_space<hbm>>
      tpu.wait_dma2 semaphore(%run_scoped3A_17 : memref<!tpu.dma_semaphore, #tpu.memory_space<semaphore_mem>>) src(%dma_wait3A_23 : memref<768x64xf32, #tpu.memory_space<hbm>>) dst(%arg7 : memref<768x64xf32, #tpu.memory_space<vmem>>)
      tpu.yield
    }) : () -> ()
    %barrier3A = arith.constant 0 : index
    tpu.barrier barrier_id(%barrier3A)
    %run_scoped3A = arith.constant 0 : i32
    "tpu.region"() ({
      %run_scoped3A_17 = tpu.sem_alloc : memref<!tpu.dma_semaphore, #tpu.memory_space<semaphore_mem>>
      %dma_start3A = arith.constant 0 : i32
      %dma_start3A_18 = arith.constant 0 : i32
      %dma_start3A_19 = tpu.memref_slice %arg7[%dma_start3A, %dma_start3A_18] : memref<768x64xf32, #tpu.memory_space<vmem>> -> memref<128x64xf32, #tpu.memory_space<vmem>>
      %dma_start3A_20 = arith.constant 0 : i32
      %dma_start3A_21 = tpu.memref_slice %arg6[%run_scoped3A, %dma_start3A_20] : memref<6x128xi32, #tpu.memory_space<vmem>> -> memref<1x128xi32, #tpu.memory_space<vmem>>
      %dma_start3A_22 = tpu.memref_squeeze %dma_start3A_21 : memref<1x128xi32, #tpu.memory_space<vmem>> -> memref<128xi32, #tpu.memory_space<vmem>>
      %dma_start3A_23 = arith.constant 0 : i32
      %dma_start3A_24 = arith.constant 0 : i32
      %dma_start3A_25 = tpu.memref_slice %arg8[%dma_start3A_23, %dma_start3A_24] : memref<8192x64xf32, #tpu.memory_space<vmem_shared>> -> memref<8192x64xf32, #tpu.memory_space<vmem_shared>>
      tpu.enqueue_indirect_dma source(%dma_start3A_19 : memref<128x64xf32, #tpu.memory_space<vmem>>) target(%dma_start3A_25 : memref<8192x64xf32, #tpu.memory_space<vmem_shared>>) offsets(%dma_start3A_22 : memref<128xi32, #tpu.memory_space<vmem>>) semaphore(%run_scoped3A_17 : memref<!tpu.dma_semaphore, #tpu.memory_space<semaphore_mem>>) {add = true}
      %dma_wait3A = arith.constant 0 : i32
      %dma_wait3A_26 = arith.constant 0 : i32
      %dma_wait3A_27 = tpu.memref_slice %arg7[%dma_wait3A, %dma_wait3A_26] : memref<768x64xf32, #tpu.memory_space<vmem>> -> memref<128x64xf32, #tpu.memory_space<vmem>>
      %dma_wait3A_28 = arith.constant 0 : i32
      %dma_wait3A_29 = tpu.memref_slice %arg6[%run_scoped3A, %dma_wait3A_28] : memref<6x128xi32, #tpu.memory_space<vmem>> -> memref<1x128xi32, #tpu.memory_space<vmem>>
      %dma_wait3A_30 = tpu.memref_squeeze %dma_wait3A_29 : memref<1x128xi32, #tpu.memory_space<vmem>> -> memref<128xi32, #tpu.memory_space<vmem>>
      %dma_wait3A_31 = arith.constant 0 : i32
      %dma_wait3A_32 = arith.constant 0 : i32
      %dma_wait3A_33 = tpu.memref_slice %arg8[%dma_wait3A_31, %dma_wait3A_32] : memref<8192x64xf32, #tpu.memory_space<vmem_shared>> -> memref<8192x64xf32, #tpu.memory_space<vmem_shared>>
      tpu.wait_indirect_dma semaphore(%run_scoped3A_17 : memref<!tpu.dma_semaphore, #tpu.memory_space<semaphore_mem>>) src(%dma_wait3A_27 : memref<128x64xf32, #tpu.memory_space<vmem>>) dst(%dma_wait3A_33 : memref<8192x64xf32, #tpu.memory_space<vmem_shared>>)
      tpu.yield
    }) : () -> ()
    %run_scoped3A_7 = arith.constant 1 : i32
    "tpu.region"() ({
      %run_scoped3A_17 = tpu.sem_alloc : memref<!tpu.dma_semaphore, #tpu.memory_space<semaphore_mem>>
      %dma_start3A = arith.constant 128 : i32
      %dma_start3A_18 = arith.constant 0 : i32
      %dma_start3A_19 = tpu.memref_slice %arg7[%dma_start3A, %dma_start3A_18] : memref<768x64xf32, #tpu.memory_space<vmem>> -> memref<128x64xf32, #tpu.memory_space<vmem>>
      %dma_start3A_20 = arith.constant 0 : i32
      %dma_start3A_21 = tpu.memref_slice %arg6[%run_scoped3A_7, %dma_start3A_20] : memref<6x128xi32, #tpu.memory_space<vmem>> -> memref<1x128xi32, #tpu.memory_space<vmem>>
      %dma_start3A_22 = tpu.memref_squeeze %dma_start3A_21 : memref<1x128xi32, #tpu.memory_space<vmem>> -> memref<128xi32, #tpu.memory_space<vmem>>
      %dma_start3A_23 = arith.constant 0 : i32
      %dma_start3A_24 = arith.constant 0 : i32
      %dma_start3A_25 = tpu.memref_slice %arg8[%dma_start3A_23, %dma_start3A_24] : memref<8192x64xf32, #tpu.memory_space<vmem_shared>> -> memref<8192x64xf32, #tpu.memory_space<vmem_shared>>
      tpu.enqueue_indirect_dma source(%dma_start3A_19 : memref<128x64xf32, #tpu.memory_space<vmem>>) target(%dma_start3A_25 : memref<8192x64xf32, #tpu.memory_space<vmem_shared>>) offsets(%dma_start3A_22 : memref<128xi32, #tpu.memory_space<vmem>>) semaphore(%run_scoped3A_17 : memref<!tpu.dma_semaphore, #tpu.memory_space<semaphore_mem>>) {add = true}
      %dma_wait3A = arith.constant 128 : i32
      %dma_wait3A_26 = arith.constant 0 : i32
      %dma_wait3A_27 = tpu.memref_slice %arg7[%dma_wait3A, %dma_wait3A_26] : memref<768x64xf32, #tpu.memory_space<vmem>> -> memref<128x64xf32, #tpu.memory_space<vmem>>
      %dma_wait3A_28 = arith.constant 0 : i32
      %dma_wait3A_29 = tpu.memref_slice %arg6[%run_scoped3A_7, %dma_wait3A_28] : memref<6x128xi32, #tpu.memory_space<vmem>> -> memref<1x128xi32, #tpu.memory_space<vmem>>
      %dma_wait3A_30 = tpu.memref_squeeze %dma_wait3A_29 : memref<1x128xi32, #tpu.memory_space<vmem>> -> memref<128xi32, #tpu.memory_space<vmem>>
      %dma_wait3A_31 = arith.constant 0 : i32
      %dma_wait3A_32 = arith.constant 0 : i32
      %dma_wait3A_33 = tpu.memref_slice %arg8[%dma_wait3A_31, %dma_wait3A_32] : memref<8192x64xf32, #tpu.memory_space<vmem_shared>> -> memref<8192x64xf32, #tpu.memory_space<vmem_shared>>
      tpu.wait_indirect_dma semaphore(%run_scoped3A_17 : memref<!tpu.dma_semaphore, #tpu.memory_space<semaphore_mem>>) src(%dma_wait3A_27 : memref<128x64xf32, #tpu.memory_space<vmem>>) dst(%dma_wait3A_33 : memref<8192x64xf32, #tpu.memory_space<vmem_shared>>)
      tpu.yield
    }) : () -> ()
    %run_scoped3A_8 = arith.constant 2 : i32
    "tpu.region"() ({
      %run_scoped3A_17 = tpu.sem_alloc : memref<!tpu.dma_semaphore, #tpu.memory_space<semaphore_mem>>
      %dma_start3A = arith.constant 256 : i32
      %dma_start3A_18 = arith.constant 0 : i32
      %dma_start3A_19 = tpu.memref_slice %arg7[%dma_start3A, %dma_start3A_18] : memref<768x64xf32, #tpu.memory_space<vmem>> -> memref<128x64xf32, #tpu.memory_space<vmem>>
      %dma_start3A_20 = arith.constant 0 : i32
      %dma_start3A_21 = tpu.memref_slice %arg6[%run_scoped3A_8, %dma_start3A_20] : memref<6x128xi32, #tpu.memory_space<vmem>> -> memref<1x128xi32, #tpu.memory_space<vmem>>
      %dma_start3A_22 = tpu.memref_squeeze %dma_start3A_21 : memref<1x128xi32, #tpu.memory_space<vmem>> -> memref<128xi32, #tpu.memory_space<vmem>>
      %dma_start3A_23 = arith.constant 0 : i32
      %dma_start3A_24 = arith.constant 0 : i32
      %dma_start3A_25 = tpu.memref_slice %arg8[%dma_start3A_23, %dma_start3A_24] : memref<8192x64xf32, #tpu.memory_space<vmem_shared>> -> memref<8192x64xf32, #tpu.memory_space<vmem_shared>>
      tpu.enqueue_indirect_dma source(%dma_start3A_19 : memref<128x64xf32, #tpu.memory_space<vmem>>) target(%dma_start3A_25 : memref<8192x64xf32, #tpu.memory_space<vmem_shared>>) offsets(%dma_start3A_22 : memref<128xi32, #tpu.memory_space<vmem>>) semaphore(%run_scoped3A_17 : memref<!tpu.dma_semaphore, #tpu.memory_space<semaphore_mem>>) {add = true}
      %dma_wait3A = arith.constant 256 : i32
      %dma_wait3A_26 = arith.constant 0 : i32
      %dma_wait3A_27 = tpu.memref_slice %arg7[%dma_wait3A, %dma_wait3A_26] : memref<768x64xf32, #tpu.memory_space<vmem>> -> memref<128x64xf32, #tpu.memory_space<vmem>>
      %dma_wait3A_28 = arith.constant 0 : i32
      %dma_wait3A_29 = tpu.memref_slice %arg6[%run_scoped3A_8, %dma_wait3A_28] : memref<6x128xi32, #tpu.memory_space<vmem>> -> memref<1x128xi32, #tpu.memory_space<vmem>>
      %dma_wait3A_30 = tpu.memref_squeeze %dma_wait3A_29 : memref<1x128xi32, #tpu.memory_space<vmem>> -> memref<128xi32, #tpu.memory_space<vmem>>
      %dma_wait3A_31 = arith.constant 0 : i32
      %dma_wait3A_32 = arith.constant 0 : i32
      %dma_wait3A_33 = tpu.memref_slice %arg8[%dma_wait3A_31, %dma_wait3A_32] : memref<8192x64xf32, #tpu.memory_space<vmem_shared>> -> memref<8192x64xf32, #tpu.memory_space<vmem_shared>>
      tpu.wait_indirect_dma semaphore(%run_scoped3A_17 : memref<!tpu.dma_semaphore, #tpu.memory_space<semaphore_mem>>) src(%dma_wait3A_27 : memref<128x64xf32, #tpu.memory_space<vmem>>) dst(%dma_wait3A_33 : memref<8192x64xf32, #tpu.memory_space<vmem_shared>>)
      tpu.yield
    }) : () -> ()
    %run_scoped3A_9 = arith.constant 3 : i32
    "tpu.region"() ({
      %run_scoped3A_17 = tpu.sem_alloc : memref<!tpu.dma_semaphore, #tpu.memory_space<semaphore_mem>>
      %dma_start3A = arith.constant 384 : i32
      %dma_start3A_18 = arith.constant 0 : i32
      %dma_start3A_19 = tpu.memref_slice %arg7[%dma_start3A, %dma_start3A_18] : memref<768x64xf32, #tpu.memory_space<vmem>> -> memref<128x64xf32, #tpu.memory_space<vmem>>
      %dma_start3A_20 = arith.constant 0 : i32
      %dma_start3A_21 = tpu.memref_slice %arg6[%run_scoped3A_9, %dma_start3A_20] : memref<6x128xi32, #tpu.memory_space<vmem>> -> memref<1x128xi32, #tpu.memory_space<vmem>>
      %dma_start3A_22 = tpu.memref_squeeze %dma_start3A_21 : memref<1x128xi32, #tpu.memory_space<vmem>> -> memref<128xi32, #tpu.memory_space<vmem>>
      %dma_start3A_23 = arith.constant 0 : i32
      %dma_start3A_24 = arith.constant 0 : i32
      %dma_start3A_25 = tpu.memref_slice %arg8[%dma_start3A_23, %dma_start3A_24] : memref<8192x64xf32, #tpu.memory_space<vmem_shared>> -> memref<8192x64xf32, #tpu.memory_space<vmem_shared>>
      tpu.enqueue_indirect_dma source(%dma_start3A_19 : memref<128x64xf32, #tpu.memory_space<vmem>>) target(%dma_start3A_25 : memref<8192x64xf32, #tpu.memory_space<vmem_shared>>) offsets(%dma_start3A_22 : memref<128xi32, #tpu.memory_space<vmem>>) semaphore(%run_scoped3A_17 : memref<!tpu.dma_semaphore, #tpu.memory_space<semaphore_mem>>) {add = true}
      %dma_wait3A = arith.constant 384 : i32
      %dma_wait3A_26 = arith.constant 0 : i32
      %dma_wait3A_27 = tpu.memref_slice %arg7[%dma_wait3A, %dma_wait3A_26] : memref<768x64xf32, #tpu.memory_space<vmem>> -> memref<128x64xf32, #tpu.memory_space<vmem>>
      %dma_wait3A_28 = arith.constant 0 : i32
      %dma_wait3A_29 = tpu.memref_slice %arg6[%run_scoped3A_9, %dma_wait3A_28] : memref<6x128xi32, #tpu.memory_space<vmem>> -> memref<1x128xi32, #tpu.memory_space<vmem>>
      %dma_wait3A_30 = tpu.memref_squeeze %dma_wait3A_29 : memref<1x128xi32, #tpu.memory_space<vmem>> -> memref<128xi32, #tpu.memory_space<vmem>>
      %dma_wait3A_31 = arith.constant 0 : i32
      %dma_wait3A_32 = arith.constant 0 : i32
      %dma_wait3A_33 = tpu.memref_slice %arg8[%dma_wait3A_31, %dma_wait3A_32] : memref<8192x64xf32, #tpu.memory_space<vmem_shared>> -> memref<8192x64xf32, #tpu.memory_space<vmem_shared>>
      tpu.wait_indirect_dma semaphore(%run_scoped3A_17 : memref<!tpu.dma_semaphore, #tpu.memory_space<semaphore_mem>>) src(%dma_wait3A_27 : memref<128x64xf32, #tpu.memory_space<vmem>>) dst(%dma_wait3A_33 : memref<8192x64xf32, #tpu.memory_space<vmem_shared>>)
      tpu.yield
    }) : () -> ()
    %run_scoped3A_10 = arith.constant 4 : i32
    "tpu.region"() ({
      %run_scoped3A_17 = tpu.sem_alloc : memref<!tpu.dma_semaphore, #tpu.memory_space<semaphore_mem>>
      %dma_start3A = arith.constant 512 : i32
      %dma_start3A_18 = arith.constant 0 : i32
      %dma_start3A_19 = tpu.memref_slice %arg7[%dma_start3A, %dma_start3A_18] : memref<768x64xf32, #tpu.memory_space<vmem>> -> memref<128x64xf32, #tpu.memory_space<vmem>>
      %dma_start3A_20 = arith.constant 0 : i32
      %dma_start3A_21 = tpu.memref_slice %arg6[%run_scoped3A_10, %dma_start3A_20] : memref<6x128xi32, #tpu.memory_space<vmem>> -> memref<1x128xi32, #tpu.memory_space<vmem>>
      %dma_start3A_22 = tpu.memref_squeeze %dma_start3A_21 : memref<1x128xi32, #tpu.memory_space<vmem>> -> memref<128xi32, #tpu.memory_space<vmem>>
      %dma_start3A_23 = arith.constant 0 : i32
      %dma_start3A_24 = arith.constant 0 : i32
      %dma_start3A_25 = tpu.memref_slice %arg8[%dma_start3A_23, %dma_start3A_24] : memref<8192x64xf32, #tpu.memory_space<vmem_shared>> -> memref<8192x64xf32, #tpu.memory_space<vmem_shared>>
      tpu.enqueue_indirect_dma source(%dma_start3A_19 : memref<128x64xf32, #tpu.memory_space<vmem>>) target(%dma_start3A_25 : memref<8192x64xf32, #tpu.memory_space<vmem_shared>>) offsets(%dma_start3A_22 : memref<128xi32, #tpu.memory_space<vmem>>) semaphore(%run_scoped3A_17 : memref<!tpu.dma_semaphore, #tpu.memory_space<semaphore_mem>>) {add = true}
      %dma_wait3A = arith.constant 512 : i32
      %dma_wait3A_26 = arith.constant 0 : i32
      %dma_wait3A_27 = tpu.memref_slice %arg7[%dma_wait3A, %dma_wait3A_26] : memref<768x64xf32, #tpu.memory_space<vmem>> -> memref<128x64xf32, #tpu.memory_space<vmem>>
      %dma_wait3A_28 = arith.constant 0 : i32
      %dma_wait3A_29 = tpu.memref_slice %arg6[%run_scoped3A_10, %dma_wait3A_28] : memref<6x128xi32, #tpu.memory_space<vmem>> -> memref<1x128xi32, #tpu.memory_space<vmem>>
      %dma_wait3A_30 = tpu.memref_squeeze %dma_wait3A_29 : memref<1x128xi32, #tpu.memory_space<vmem>> -> memref<128xi32, #tpu.memory_space<vmem>>
      %dma_wait3A_31 = arith.constant 0 : i32
      %dma_wait3A_32 = arith.constant 0 : i32
      %dma_wait3A_33 = tpu.memref_slice %arg8[%dma_wait3A_31, %dma_wait3A_32] : memref<8192x64xf32, #tpu.memory_space<vmem_shared>> -> memref<8192x64xf32, #tpu.memory_space<vmem_shared>>
      tpu.wait_indirect_dma semaphore(%run_scoped3A_17 : memref<!tpu.dma_semaphore, #tpu.memory_space<semaphore_mem>>) src(%dma_wait3A_27 : memref<128x64xf32, #tpu.memory_space<vmem>>) dst(%dma_wait3A_33 : memref<8192x64xf32, #tpu.memory_space<vmem_shared>>)
      tpu.yield
    }) : () -> ()
    %run_scoped3A_11 = arith.constant 5 : i32
    "tpu.region"() ({
      %run_scoped3A_17 = tpu.sem_alloc : memref<!tpu.dma_semaphore, #tpu.memory_space<semaphore_mem>>
      %dma_start3A = arith.constant 640 : i32
      %dma_start3A_18 = arith.constant 0 : i32
      %dma_start3A_19 = tpu.memref_slice %arg7[%dma_start3A, %dma_start3A_18] : memref<768x64xf32, #tpu.memory_space<vmem>> -> memref<128x64xf32, #tpu.memory_space<vmem>>
      %dma_start3A_20 = arith.constant 0 : i32
      %dma_start3A_21 = tpu.memref_slice %arg6[%run_scoped3A_11, %dma_start3A_20] : memref<6x128xi32, #tpu.memory_space<vmem>> -> memref<1x128xi32, #tpu.memory_space<vmem>>
      %dma_start3A_22 = tpu.memref_squeeze %dma_start3A_21 : memref<1x128xi32, #tpu.memory_space<vmem>> -> memref<128xi32, #tpu.memory_space<vmem>>
      %dma_start3A_23 = arith.constant 0 : i32
      %dma_start3A_24 = arith.constant 0 : i32
      %dma_start3A_25 = tpu.memref_slice %arg8[%dma_start3A_23, %dma_start3A_24] : memref<8192x64xf32, #tpu.memory_space<vmem_shared>> -> memref<8192x64xf32, #tpu.memory_space<vmem_shared>>
      tpu.enqueue_indirect_dma source(%dma_start3A_19 : memref<128x64xf32, #tpu.memory_space<vmem>>) target(%dma_start3A_25 : memref<8192x64xf32, #tpu.memory_space<vmem_shared>>) offsets(%dma_start3A_22 : memref<128xi32, #tpu.memory_space<vmem>>) semaphore(%run_scoped3A_17 : memref<!tpu.dma_semaphore, #tpu.memory_space<semaphore_mem>>) {add = true}
      %dma_wait3A = arith.constant 640 : i32
      %dma_wait3A_26 = arith.constant 0 : i32
      %dma_wait3A_27 = tpu.memref_slice %arg7[%dma_wait3A, %dma_wait3A_26] : memref<768x64xf32, #tpu.memory_space<vmem>> -> memref<128x64xf32, #tpu.memory_space<vmem>>
      %dma_wait3A_28 = arith.constant 0 : i32
      %dma_wait3A_29 = tpu.memref_slice %arg6[%run_scoped3A_11, %dma_wait3A_28] : memref<6x128xi32, #tpu.memory_space<vmem>> -> memref<1x128xi32, #tpu.memory_space<vmem>>
      %dma_wait3A_30 = tpu.memref_squeeze %dma_wait3A_29 : memref<1x128xi32, #tpu.memory_space<vmem>> -> memref<128xi32, #tpu.memory_space<vmem>>
      %dma_wait3A_31 = arith.constant 0 : i32
      %dma_wait3A_32 = arith.constant 0 : i32
      %dma_wait3A_33 = tpu.memref_slice %arg8[%dma_wait3A_31, %dma_wait3A_32] : memref<8192x64xf32, #tpu.memory_space<vmem_shared>> -> memref<8192x64xf32, #tpu.memory_space<vmem_shared>>
      tpu.wait_indirect_dma semaphore(%run_scoped3A_17 : memref<!tpu.dma_semaphore, #tpu.memory_space<semaphore_mem>>) src(%dma_wait3A_27 : memref<128x64xf32, #tpu.memory_space<vmem>>) dst(%dma_wait3A_33 : memref<8192x64xf32, #tpu.memory_space<vmem_shared>>)
      tpu.yield
    }) : () -> ()
    %barrier3A_12 = arith.constant 0 : index
    tpu.barrier barrier_id(%barrier3A_12)
    %mul3A_13 = arith.constant 512 : i32
    %mul3A_14 = arith.muli %arg1, %mul3A_13 : i32
    %mul3A_15 = arith.constant 512 : i32
    %mul3A_16 = arith.muli %arg1, %mul3A_15 : i32
    "tpu.region"() ({
      %run_scoped3A_17 = tpu.sem_alloc : memref<!tpu.dma_semaphore, #tpu.memory_space<semaphore_mem>>
      %dma_start3A = arith.constant 0 : i32
      %dma_start3A_18 = tpu.memref_slice %arg5[%arg0, %mul3A_16, %dma_start3A] : memref<2x8192x64xf32, #tpu.memory_space<hbm>> -> memref<1x512x64xf32, #tpu.memory_space<hbm>>
      %dma_start3A_19 = tpu.memref_squeeze %dma_start3A_18 : memref<1x512x64xf32, #tpu.memory_space<hbm>> -> memref<512x64xf32, #tpu.memory_space<hbm>>
      %dma_start3A_20 = arith.constant 0 : i32
      %dma_start3A_21 = tpu.memref_slice %arg8[%mul3A_14, %dma_start3A_20] : memref<8192x64xf32, #tpu.memory_space<vmem_shared>> -> memref<512x64xf32, #tpu.memory_space<vmem_shared>>
      tpu.enqueue_dma source(%dma_start3A_21 : memref<512x64xf32, #tpu.memory_space<vmem_shared>>) target(%dma_start3A_19 : memref<512x64xf32, #tpu.memory_space<hbm>>) target_semaphore(%run_scoped3A_17 : memref<!tpu.dma_semaphore, #tpu.memory_space<semaphore_mem>>)
      %dma_wait3A = arith.constant 0 : i32
      %dma_wait3A_22 = tpu.memref_slice %arg5[%arg0, %mul3A_16, %dma_wait3A] : memref<2x8192x64xf32, #tpu.memory_space<hbm>> -> memref<1x512x64xf32, #tpu.memory_space<hbm>>
      %dma_wait3A_23 = tpu.memref_squeeze %dma_wait3A_22 : memref<1x512x64xf32, #tpu.memory_space<hbm>> -> memref<512x64xf32, #tpu.memory_space<hbm>>
      %dma_wait3A_24 = arith.constant 0 : i32
      %dma_wait3A_25 = tpu.memref_slice %arg8[%mul3A_14, %dma_wait3A_24] : memref<8192x64xf32, #tpu.memory_space<vmem_shared>> -> memref<512x64xf32, #tpu.memory_space<vmem_shared>>
      tpu.wait_dma2 semaphore(%run_scoped3A_17 : memref<!tpu.dma_semaphore, #tpu.memory_space<semaphore_mem>>) src(%dma_wait3A_25 : memref<512x64xf32, #tpu.memory_space<vmem_shared>>) dst(%dma_wait3A_23 : memref<512x64xf32, #tpu.memory_space<hbm>>)
      tpu.yield
    }) : () -> ()
    return
  }
}

module attributes {stable_mosaic.version = 14 : i64} {
  func.func @_knn_body(%arg0: i32, %arg1: i32, %arg2: memref<1x512x8xf32, #tpu.memory_space<vmem>>, %arg3: memref<1x8x2048xf32, #tpu.memory_space<vmem>>, %arg4: memref<1x1x512xf32, #tpu.memory_space<vmem>>, %arg5: memref<1x1x2048xf32, #tpu.memory_space<vmem>>, %arg6: memref<1x3x512xi32, #tpu.memory_space<vmem>>, %arg7: memref<1x3x512xf32, #tpu.memory_space<vmem>>, %arg8: memref<1x1x512xf32, #tpu.memory_space<vmem>>) attributes {dimension_semantics = [#tpu.dimension_semantics<arbitrary>, #tpu.dimension_semantics<arbitrary>], iteration_bounds = array<i64: 4, 4>, scalar_prefetch = 0 : i64, scratch_operands = 0 : i64, tpu.core_type = #tpu.core_type<tc>, window_params = [{transform_indices = @transform_0, window_bounds = array<i64: 1, 512, 8>}, {transform_indices = @transform_1, window_bounds = array<i64: 1, 8, 2048>}, {transform_indices = @transform_2, window_bounds = array<i64: 1, 1, 512>}, {transform_indices = @transform_3, window_bounds = array<i64: 1, 1, 2048>}, {transform_indices = @transform_4, window_bounds = array<i64: 1, 3, 512>}, {transform_indices = @transform_5, window_bounds = array<i64: 1, 3, 512>}, {transform_indices = @transform_6, window_bounds = array<i64: 1, 1, 512>}]} {
    %get3A = arith.constant 0 : index
    %get3A_0 = arith.constant 0 : index
    %get3A_1 = arith.constant 0 : index
    %get3A_2 = vector.load %arg2[%get3A, %get3A_0, %get3A_1] : memref<1x512x8xf32, #tpu.memory_space<vmem>>, vector<1x512x8xf32>
    %get3A_3 = vector.shape_cast %get3A_2 : vector<1x512x8xf32> to vector<512x8xf32>
    %get3A_4 = arith.constant 0 : index
    %get3A_5 = arith.constant 0 : index
    %get3A_6 = arith.constant 0 : index
    %get3A_7 = vector.load %arg3[%get3A_4, %get3A_5, %get3A_6] : memref<1x8x2048xf32, #tpu.memory_space<vmem>>, vector<1x8x2048xf32>
    %get3A_8 = vector.shape_cast %get3A_7 : vector<1x8x2048xf32> to vector<8x2048xf32>
    %get3A_9 = arith.constant 0 : index
    %get3A_10 = arith.constant 0 : index
    %get3A_11 = arith.constant 0 : index
    %get3A_12 = vector.load %arg4[%get3A_9, %get3A_10, %get3A_11] : memref<1x1x512xf32, #tpu.memory_space<vmem>>, vector<1x1x512xf32>
    %get3A_13 = vector.shape_cast %get3A_12 : vector<1x1x512xf32> to vector<512xf32>
    %get3A_14 = arith.constant 0 : index
    %get3A_15 = arith.constant 0 : index
    %get3A_16 = arith.constant 0 : index
    %get3A_17 = vector.load %arg5[%get3A_14, %get3A_15, %get3A_16] : memref<1x1x2048xf32, #tpu.memory_space<vmem>>, vector<1x1x2048xf32>
    %get3A_18 = vector.shape_cast %get3A_17 : vector<1x1x2048xf32> to vector<2048xf32>
    %dot_general3A = arith.constant dense<0.000000e+00> : vector<512x2048xf32>
    %dot_general3A_19 = tpu.matmul %get3A_3, %get3A_8, %dot_general3A {dimension_numbers = #tpu.dot_dimension_numbers<[1], [0], [0], [1], [0, 0, 1, 1], [], []>, transpose_lhs_hint = false} : vector<512x8xf32>, vector<8x2048xf32>, vector<512x2048xf32> -> vector<512x2048xf32>
    %broadcast_in_dim3A = vector.shape_cast %get3A_13 : vector<512xf32> to vector<512x1xf32>
    %broadcast_in_dim3A_20 = vector.shape_cast %get3A_18 : vector<2048xf32> to vector<1x2048xf32>
    %add3A = vector.broadcast %broadcast_in_dim3A : vector<512x1xf32> to vector<512x2048xf32>
    %add3A_21 = vector.broadcast %broadcast_in_dim3A_20 : vector<1x2048xf32> to vector<512x2048xf32>
    %add3A_22 = arith.addf %add3A, %add3A_21 : vector<512x2048xf32>
    %mul3A = arith.constant 2.000000e+00 : f32
    %mul3A_23 = vector.broadcast %mul3A : f32 to vector<512x2048xf32>
    %mul3A_24 = arith.mulf %mul3A_23, %dot_general3A_19 : vector<512x2048xf32>
    %sub3A = arith.subf %add3A_22, %mul3A_24 : vector<512x2048xf32>
    %max3A = arith.constant 0.000000e+00 : f32
    %max3A_25 = vector.broadcast %max3A : f32 to vector<512x2048xf32>
    %max3A_26 = arith.maximumf %sub3A, %max3A_25 : vector<512x2048xf32>
    %sqrt3A = math.sqrt %max3A_26 : vector<512x2048xf32>
    %reduce_sum3A = arith.constant dense<0.000000e+00> : vector<512xf32>
    %reduce_sum3A_27 = vector.multi_reduction <add>, %sqrt3A, %reduce_sum3A [1] : vector<512x2048xf32> to vector<512xf32>
    %div3A = arith.constant 2.048000e+03 : f32
    %div3A_28 = vector.broadcast %div3A : f32 to vector<512xf32>
    %div3A_29 = arith.divf %reduce_sum3A_27, %div3A_28 : vector<512xf32>
    %mul3A_30 = arith.mulf %div3A_29, %div3A_29 : vector<512xf32>
    %add3A_31 = arith.constant 9.99999996E-13 : f32
    %add3A_32 = vector.broadcast %add3A_31 : f32 to vector<512xf32>
    %add3A_33 = arith.addf %mul3A_30, %add3A_32 : vector<512xf32>
    %iota3A = tpu.iota {dimensions = array<i32: 1>} : vector<512x2048xi32>
    %convert_element_type3A = arith.sitofp %iota3A : vector<512x2048xi32> to vector<512x2048xf32>
    %reduce_min3A = arith.constant dense<0x7F800000> : vector<512xf32>
    %reduce_min3A_34 = vector.multi_reduction <minimumf>, %sqrt3A, %reduce_min3A [1] : vector<512x2048xf32> to vector<512xf32>
    %broadcast_in_dim3A_35 = vector.shape_cast %reduce_min3A_34 : vector<512xf32> to vector<512x1xf32>
    %eq3A = vector.broadcast %broadcast_in_dim3A_35 : vector<512x1xf32> to vector<512x2048xf32>
    %eq3A_36 = arith.cmpf oeq, %sqrt3A, %eq3A : vector<512x2048xf32>
    %jit3A = arith.constant 2.048000e+03 : f32
    %broadcast_in_dim3A_37 = vector.broadcast %jit3A : f32 to vector<512x2048xf32>
    %select_n3A = arith.select %eq3A_36, %convert_element_type3A, %broadcast_in_dim3A_37 : vector<512x2048xi1>, vector<512x2048xf32>
    %reduce_min3A_38 = arith.constant dense<0x7F800000> : vector<512xf32>
    %reduce_min3A_39 = vector.multi_reduction <minimumf>, %select_n3A, %reduce_min3A_38 [1] : vector<512x2048xf32> to vector<512xf32>
    %mul3A_40 = arith.mulf %reduce_min3A_34, %reduce_min3A_34 : vector<512xf32>
    %neg3A = arith.constant 0.000000e+00 : f32
    %neg3A_41 = vector.broadcast %neg3A : f32 to vector<512xf32>
    %neg3A_42 = arith.subf %neg3A_41, %mul3A_40 : vector<512xf32>
    %div3A_43 = arith.divf %neg3A_42, %add3A_33 : vector<512xf32>
    %exp3A = math.exp %div3A_43 : vector<512xf32>
    %convert_element_type3A_44 = arith.fptosi %reduce_min3A_39 : vector<512xf32> to vector<512xi32>
    %swap3A = arith.constant 0 : index
    %swap3A_45 = arith.constant 0 : index
    %swap3A_46 = arith.constant 0 : index
    %swap3A_47 = vector.load %arg6[%swap3A, %swap3A_45, %swap3A_46] : memref<1x3x512xi32, #tpu.memory_space<vmem>>, vector<1x1x512xi32>
    %swap3A_48 = vector.shape_cast %swap3A_47 : vector<1x1x512xi32> to vector<512xi32>
    %swap3A_49 = vector.shape_cast %convert_element_type3A_44 : vector<512xi32> to vector<1x1x512xi32>
    tpu.vector_store %arg6[%swap3A, %swap3A_45, %swap3A_46], %swap3A_49 {strides = array<i32>} : memref<1x3x512xi32, #tpu.memory_space<vmem>>, vector<1x1x512xi32>,
    %swap3A_50 = arith.constant 0 : index
    %swap3A_51 = arith.constant 0 : index
    %swap3A_52 = arith.constant 0 : index
    %swap3A_53 = vector.load %arg7[%swap3A_50, %swap3A_51, %swap3A_52] : memref<1x3x512xf32, #tpu.memory_space<vmem>>, vector<1x1x512xf32>
    %swap3A_54 = vector.shape_cast %swap3A_53 : vector<1x1x512xf32> to vector<512xf32>
    %swap3A_55 = vector.shape_cast %exp3A : vector<512xf32> to vector<1x1x512xf32>
    tpu.vector_store %arg7[%swap3A_50, %swap3A_51, %swap3A_52], %swap3A_55 {strides = array<i32>} : memref<1x3x512xf32, #tpu.memory_space<vmem>>, vector<1x1x512xf32>,
    %broadcast_in_dim3A_56 = vector.shape_cast %reduce_min3A_39 : vector<512xf32> to vector<512x1xf32>
    %eq3A_57 = vector.broadcast %broadcast_in_dim3A_56 : vector<512x1xf32> to vector<512x2048xf32>
    %eq3A_58 = arith.cmpf oeq, %convert_element_type3A, %eq3A_57 : vector<512x2048xf32>
    %jit3A_59 = arith.constant 0x7F800000 : f32
    %broadcast_in_dim3A_60 = vector.broadcast %jit3A_59 : f32 to vector<512x2048xf32>
    %select_n3A_61 = arith.select %eq3A_58, %broadcast_in_dim3A_60, %sqrt3A : vector<512x2048xi1>, vector<512x2048xf32>
    %reduce_min3A_62 = arith.constant dense<0x7F800000> : vector<512xf32>
    %reduce_min3A_63 = vector.multi_reduction <minimumf>, %select_n3A_61, %reduce_min3A_62 [1] : vector<512x2048xf32> to vector<512xf32>
    %broadcast_in_dim3A_64 = vector.shape_cast %reduce_min3A_63 : vector<512xf32> to vector<512x1xf32>
    %eq3A_65 = vector.broadcast %broadcast_in_dim3A_64 : vector<512x1xf32> to vector<512x2048xf32>
    %eq3A_66 = arith.cmpf oeq, %select_n3A_61, %eq3A_65 : vector<512x2048xf32>
    %jit3A_67 = arith.constant 2.048000e+03 : f32
    %broadcast_in_dim3A_68 = vector.broadcast %jit3A_67 : f32 to vector<512x2048xf32>
    %select_n3A_69 = arith.select %eq3A_66, %convert_element_type3A, %broadcast_in_dim3A_68 : vector<512x2048xi1>, vector<512x2048xf32>
    %reduce_min3A_70 = arith.constant dense<0x7F800000> : vector<512xf32>
    %reduce_min3A_71 = vector.multi_reduction <minimumf>, %select_n3A_69, %reduce_min3A_70 [1] : vector<512x2048xf32> to vector<512xf32>
    %mul3A_72 = arith.mulf %reduce_min3A_63, %reduce_min3A_63 : vector<512xf32>
    %neg3A_73 = arith.constant 0.000000e+00 : f32
    %neg3A_74 = vector.broadcast %neg3A_73 : f32 to vector<512xf32>
    %neg3A_75 = arith.subf %neg3A_74, %mul3A_72 : vector<512xf32>
    %div3A_76 = arith.divf %neg3A_75, %add3A_33 : vector<512xf32>
    %exp3A_77 = math.exp %div3A_76 : vector<512xf32>
    %convert_element_type3A_78 = arith.fptosi %reduce_min3A_71 : vector<512xf32> to vector<512xi32>
    %swap3A_79 = arith.constant 0 : index
    %swap3A_80 = arith.constant 1 : index
    %swap3A_81 = arith.constant 0 : index
    %swap3A_82 = vector.load %arg6[%swap3A_79, %swap3A_80, %swap3A_81] : memref<1x3x512xi32, #tpu.memory_space<vmem>>, vector<1x1x512xi32>
    %swap3A_83 = vector.shape_cast %swap3A_82 : vector<1x1x512xi32> to vector<512xi32>
    %swap3A_84 = vector.shape_cast %convert_element_type3A_78 : vector<512xi32> to vector<1x1x512xi32>
    tpu.vector_store %arg6[%swap3A_79, %swap3A_80, %swap3A_81], %swap3A_84 {strides = array<i32>} : memref<1x3x512xi32, #tpu.memory_space<vmem>>, vector<1x1x512xi32>,
    %swap3A_85 = arith.constant 0 : index
    %swap3A_86 = arith.constant 1 : index
    %swap3A_87 = arith.constant 0 : index
    %swap3A_88 = vector.load %arg7[%swap3A_85, %swap3A_86, %swap3A_87] : memref<1x3x512xf32, #tpu.memory_space<vmem>>, vector<1x1x512xf32>
    %swap3A_89 = vector.shape_cast %swap3A_88 : vector<1x1x512xf32> to vector<512xf32>
    %swap3A_90 = vector.shape_cast %exp3A_77 : vector<512xf32> to vector<1x1x512xf32>
    tpu.vector_store %arg7[%swap3A_85, %swap3A_86, %swap3A_87], %swap3A_90 {strides = array<i32>} : memref<1x3x512xf32, #tpu.memory_space<vmem>>, vector<1x1x512xf32>,
    %broadcast_in_dim3A_91 = vector.shape_cast %reduce_min3A_71 : vector<512xf32> to vector<512x1xf32>
    %eq3A_92 = vector.broadcast %broadcast_in_dim3A_91 : vector<512x1xf32> to vector<512x2048xf32>
    %eq3A_93 = arith.cmpf oeq, %convert_element_type3A, %eq3A_92 : vector<512x2048xf32>
    %jit3A_94 = arith.constant 0x7F800000 : f32
    %broadcast_in_dim3A_95 = vector.broadcast %jit3A_94 : f32 to vector<512x2048xf32>
    %select_n3A_96 = arith.select %eq3A_93, %broadcast_in_dim3A_95, %select_n3A_61 : vector<512x2048xi1>, vector<512x2048xf32>
    %reduce_min3A_97 = arith.constant dense<0x7F800000> : vector<512xf32>
    %reduce_min3A_98 = vector.multi_reduction <minimumf>, %select_n3A_96, %reduce_min3A_97 [1] : vector<512x2048xf32> to vector<512xf32>
    %broadcast_in_dim3A_99 = vector.shape_cast %reduce_min3A_98 : vector<512xf32> to vector<512x1xf32>
    %eq3A_100 = vector.broadcast %broadcast_in_dim3A_99 : vector<512x1xf32> to vector<512x2048xf32>
    %eq3A_101 = arith.cmpf oeq, %select_n3A_96, %eq3A_100 : vector<512x2048xf32>
    %jit3A_102 = arith.constant 2.048000e+03 : f32
    %broadcast_in_dim3A_103 = vector.broadcast %jit3A_102 : f32 to vector<512x2048xf32>
    %select_n3A_104 = arith.select %eq3A_101, %convert_element_type3A, %broadcast_in_dim3A_103 : vector<512x2048xi1>, vector<512x2048xf32>
    %reduce_min3A_105 = arith.constant dense<0x7F800000> : vector<512xf32>
    %reduce_min3A_106 = vector.multi_reduction <minimumf>, %select_n3A_104, %reduce_min3A_105 [1] : vector<512x2048xf32> to vector<512xf32>
    %mul3A_107 = arith.mulf %reduce_min3A_98, %reduce_min3A_98 : vector<512xf32>
    %neg3A_108 = arith.constant 0.000000e+00 : f32
    %neg3A_109 = vector.broadcast %neg3A_108 : f32 to vector<512xf32>
    %neg3A_110 = arith.subf %neg3A_109, %mul3A_107 : vector<512xf32>
    %div3A_111 = arith.divf %neg3A_110, %add3A_33 : vector<512xf32>
    %exp3A_112 = math.exp %div3A_111 : vector<512xf32>
    %convert_element_type3A_113 = arith.fptosi %reduce_min3A_106 : vector<512xf32> to vector<512xi32>
    %swap3A_114 = arith.constant 0 : index
    %swap3A_115 = arith.constant 2 : index
    %swap3A_116 = arith.constant 0 : index
    %swap3A_117 = vector.load %arg6[%swap3A_114, %swap3A_115, %swap3A_116] : memref<1x3x512xi32, #tpu.memory_space<vmem>>, vector<1x1x512xi32>
    %swap3A_118 = vector.shape_cast %swap3A_117 : vector<1x1x512xi32> to vector<512xi32>
    %swap3A_119 = vector.shape_cast %convert_element_type3A_113 : vector<512xi32> to vector<1x1x512xi32>
    tpu.vector_store %arg6[%swap3A_114, %swap3A_115, %swap3A_116], %swap3A_119 {strides = array<i32>} : memref<1x3x512xi32, #tpu.memory_space<vmem>>, vector<1x1x512xi32>,
    %swap3A_120 = arith.constant 0 : index
    %swap3A_121 = arith.constant 2 : index
    %swap3A_122 = arith.constant 0 : index
    %swap3A_123 = vector.load %arg7[%swap3A_120, %swap3A_121, %swap3A_122] : memref<1x3x512xf32, #tpu.memory_space<vmem>>, vector<1x1x512xf32>
    %swap3A_124 = vector.shape_cast %swap3A_123 : vector<1x1x512xf32> to vector<512xf32>
    %swap3A_125 = vector.shape_cast %exp3A_112 : vector<512xf32> to vector<1x1x512xf32>
    tpu.vector_store %arg7[%swap3A_120, %swap3A_121, %swap3A_122], %swap3A_125 {strides = array<i32>} : memref<1x3x512xf32, #tpu.memory_space<vmem>>, vector<1x1x512xf32>,
    %add3A_126 = arith.addf %exp3A, %exp3A_77 : vector<512xf32>
    %add3A_127 = arith.addf %add3A_126, %exp3A_112 : vector<512xf32>
    %div3A_128 = arith.constant 1.000000e+00 : f32
    %div3A_129 = vector.broadcast %div3A_128 : f32 to vector<512xf32>
    %div3A_130 = arith.divf %div3A_129, %add3A_127 : vector<512xf32>
    %swap3A_131 = arith.constant 0 : index
    %swap3A_132 = arith.constant 0 : index
    %swap3A_133 = arith.constant 0 : index
    %swap3A_134 = vector.load %arg8[%swap3A_131, %swap3A_132, %swap3A_133] : memref<1x1x512xf32, #tpu.memory_space<vmem>>, vector<1x1x512xf32>
    %swap3A_135 = vector.shape_cast %swap3A_134 : vector<1x1x512xf32> to vector<512xf32>
    %swap3A_136 = vector.shape_cast %div3A_130 : vector<512xf32> to vector<1x1x512xf32>
    tpu.vector_store %arg8[%swap3A_131, %swap3A_132, %swap3A_133], %swap3A_136 {strides = array<i32>} : memref<1x1x512xf32, #tpu.memory_space<vmem>>, vector<1x1x512xf32>,
    return
  }
  func.func @transform_0(%arg0: i32, %arg1: i32) -> (i32, i32, i32) {
    %c0_i32 = arith.constant 0 : i32
    %c0_i32_0 = arith.constant 0 : i32
    return %arg0, %arg1, %c0_i32 : i32, i32, i32
  }
  func.func @transform_1(%arg0: i32, %arg1: i32) -> (i32, i32, i32) {
    %c0_i32 = arith.constant 0 : i32
    %c0_i32_0 = arith.constant 0 : i32
    %c0_i32_1 = arith.constant 0 : i32
    return %arg0, %c0_i32, %c0_i32_0 : i32, i32, i32
  }
  func.func @transform_2(%arg0: i32, %arg1: i32) -> (i32, i32, i32) {
    %c0_i32 = arith.constant 0 : i32
    %c0_i32_0 = arith.constant 0 : i32
    return %arg0, %c0_i32, %arg1 : i32, i32, i32
  }
  func.func @transform_3(%arg0: i32, %arg1: i32) -> (i32, i32, i32) {
    %c0_i32 = arith.constant 0 : i32
    %c0_i32_0 = arith.constant 0 : i32
    %c0_i32_1 = arith.constant 0 : i32
    return %arg0, %c0_i32, %c0_i32_0 : i32, i32, i32
  }
  func.func @transform_4(%arg0: i32, %arg1: i32) -> (i32, i32, i32) {
    %c0_i32 = arith.constant 0 : i32
    %c0_i32_0 = arith.constant 0 : i32
    return %arg0, %c0_i32, %arg1 : i32, i32, i32
  }
  func.func @transform_5(%arg0: i32, %arg1: i32) -> (i32, i32, i32) {
    %c0_i32 = arith.constant 0 : i32
    %c0_i32_0 = arith.constant 0 : i32
    return %arg0, %c0_i32, %arg1 : i32, i32, i32
  }
  func.func @transform_6(%arg0: i32, %arg1: i32) -> (i32, i32, i32) {
    %c0_i32 = arith.constant 0 : i32
    %c0_i32_0 = arith.constant 0 : i32
    return %arg0, %c0_i32, %arg1 : i32, i32, i32
  }
}

module attributes {stable_mosaic.version = 14 : i64} {
  func.func @_combine_body(%arg0: i32, %arg1: memref<3x2048x64xf32, #tpu.memory_space<vmem>>, %arg2: memref<3x1x2048xf32, #tpu.memory_space<vmem>>, %arg3: memref<1x1x2048xf32, #tpu.memory_space<vmem>>, %arg4: memref<3x2048x64xf32, #tpu.memory_space<vmem>>) attributes {dimension_semantics = [#tpu.dimension_semantics<arbitrary>], iteration_bounds = array<i64: 4>, scalar_prefetch = 0 : i64, scratch_operands = 0 : i64, tpu.core_type = #tpu.core_type<tc>, window_params = [{transform_indices = @transform_0, window_bounds = array<i64: 3, 2048, 64>}, {transform_indices = @transform_1, window_bounds = array<i64: 3, 1, 2048>}, {transform_indices = @transform_2, window_bounds = array<i64: 1, 1, 2048>}, {transform_indices = @transform_3, window_bounds = array<i64: 3, 2048, 64>}]} {
    %get3A = arith.constant 0 : index
    %get3A_0 = arith.constant 0 : index
    %get3A_1 = arith.constant 0 : index
    %get3A_2 = vector.load %arg1[%get3A, %get3A_0, %get3A_1] : memref<3x2048x64xf32, #tpu.memory_space<vmem>>, vector<1x2048x64xf32>
    %get3A_3 = vector.shape_cast %get3A_2 : vector<1x2048x64xf32> to vector<2048x64xf32>
    %get3A_4 = arith.constant 0 : index
    %get3A_5 = arith.constant 0 : index
    %get3A_6 = arith.constant 0 : index
    %get3A_7 = vector.load %arg2[%get3A_4, %get3A_5, %get3A_6] : memref<3x1x2048xf32, #tpu.memory_space<vmem>>, vector<1x1x2048xf32>
    %get3A_8 = vector.shape_cast %get3A_7 : vector<1x1x2048xf32> to vector<2048xf32>
    %broadcast_in_dim3A = vector.shape_cast %get3A_8 : vector<2048xf32> to vector<2048x1xf32>
    %mul3A = vector.broadcast %broadcast_in_dim3A : vector<2048x1xf32> to vector<2048x64xf32>
    %mul3A_9 = arith.mulf %get3A_3, %mul3A : vector<2048x64xf32>
    %get3A_10 = arith.constant 1 : index
    %get3A_11 = arith.constant 0 : index
    %get3A_12 = arith.constant 0 : index
    %get3A_13 = vector.load %arg1[%get3A_10, %get3A_11, %get3A_12] : memref<3x2048x64xf32, #tpu.memory_space<vmem>>, vector<1x2048x64xf32>
    %get3A_14 = vector.shape_cast %get3A_13 : vector<1x2048x64xf32> to vector<2048x64xf32>
    %get3A_15 = arith.constant 1 : index
    %get3A_16 = arith.constant 0 : index
    %get3A_17 = arith.constant 0 : index
    %get3A_18 = vector.load %arg2[%get3A_15, %get3A_16, %get3A_17] : memref<3x1x2048xf32, #tpu.memory_space<vmem>>, vector<1x1x2048xf32>
    %get3A_19 = vector.shape_cast %get3A_18 : vector<1x1x2048xf32> to vector<2048xf32>
    %broadcast_in_dim3A_20 = vector.shape_cast %get3A_19 : vector<2048xf32> to vector<2048x1xf32>
    %mul3A_21 = vector.broadcast %broadcast_in_dim3A_20 : vector<2048x1xf32> to vector<2048x64xf32>
    %mul3A_22 = arith.mulf %get3A_14, %mul3A_21 : vector<2048x64xf32>
    %add3A = arith.addf %mul3A_9, %mul3A_22 : vector<2048x64xf32>
    %get3A_23 = arith.constant 2 : index
    %get3A_24 = arith.constant 0 : index
    %get3A_25 = arith.constant 0 : index
    %get3A_26 = vector.load %arg1[%get3A_23, %get3A_24, %get3A_25] : memref<3x2048x64xf32, #tpu.memory_space<vmem>>, vector<1x2048x64xf32>
    %get3A_27 = vector.shape_cast %get3A_26 : vector<1x2048x64xf32> to vector<2048x64xf32>
    %get3A_28 = arith.constant 2 : index
    %get3A_29 = arith.constant 0 : index
    %get3A_30 = arith.constant 0 : index
    %get3A_31 = vector.load %arg2[%get3A_28, %get3A_29, %get3A_30] : memref<3x1x2048xf32, #tpu.memory_space<vmem>>, vector<1x1x2048xf32>
    %get3A_32 = vector.shape_cast %get3A_31 : vector<1x1x2048xf32> to vector<2048xf32>
    %broadcast_in_dim3A_33 = vector.shape_cast %get3A_32 : vector<2048xf32> to vector<2048x1xf32>
    %mul3A_34 = vector.broadcast %broadcast_in_dim3A_33 : vector<2048x1xf32> to vector<2048x64xf32>
    %mul3A_35 = arith.mulf %get3A_27, %mul3A_34 : vector<2048x64xf32>
    %add3A_36 = arith.addf %add3A, %mul3A_35 : vector<2048x64xf32>
    %get3A_37 = arith.constant 0 : index
    %get3A_38 = arith.constant 0 : index
    %get3A_39 = arith.constant 0 : index
    %get3A_40 = vector.load %arg3[%get3A_37, %get3A_38, %get3A_39] : memref<1x1x2048xf32, #tpu.memory_space<vmem>>, vector<1x1x2048xf32>
    %get3A_41 = vector.shape_cast %get3A_40 : vector<1x1x2048xf32> to vector<2048xf32>
    %broadcast_in_dim3A_42 = vector.shape_cast %get3A_41 : vector<2048xf32> to vector<2048x1xf32>
    %mul3A_43 = vector.broadcast %broadcast_in_dim3A_42 : vector<2048x1xf32> to vector<2048x64xf32>
    %mul3A_44 = arith.mulf %mul3A_43, %add3A_36 : vector<2048x64xf32>
    %get3A_45 = arith.constant 0 : index
    %get3A_46 = arith.constant 0 : index
    %get3A_47 = arith.constant 0 : index
    %get3A_48 = vector.load %arg2[%get3A_45, %get3A_46, %get3A_47] : memref<3x1x2048xf32, #tpu.memory_space<vmem>>, vector<1x1x2048xf32>
    %get3A_49 = vector.shape_cast %get3A_48 : vector<1x1x2048xf32> to vector<2048xf32>
    %broadcast_in_dim3A_50 = vector.shape_cast %get3A_49 : vector<2048xf32> to vector<2048x1xf32>
    %mul3A_51 = vector.broadcast %broadcast_in_dim3A_50 : vector<2048x1xf32> to vector<2048x64xf32>
    %mul3A_52 = arith.mulf %mul3A_51, %mul3A_44 : vector<2048x64xf32>
    %swap3A = arith.constant 0 : index
    %swap3A_53 = arith.constant 0 : index
    %swap3A_54 = arith.constant 0 : index
    %swap3A_55 = vector.load %arg4[%swap3A, %swap3A_53, %swap3A_54] : memref<3x2048x64xf32, #tpu.memory_space<vmem>>, vector<1x2048x64xf32>
    %swap3A_56 = vector.shape_cast %swap3A_55 : vector<1x2048x64xf32> to vector<2048x64xf32>
    %swap3A_57 = vector.shape_cast %mul3A_52 : vector<2048x64xf32> to vector<1x2048x64xf32>
    tpu.vector_store %arg4[%swap3A, %swap3A_53, %swap3A_54], %swap3A_57 {strides = array<i32>} : memref<3x2048x64xf32, #tpu.memory_space<vmem>>, vector<1x2048x64xf32>,
    %get3A_58 = arith.constant 1 : index
    %get3A_59 = arith.constant 0 : index
    %get3A_60 = arith.constant 0 : index
    %get3A_61 = vector.load %arg2[%get3A_58, %get3A_59, %get3A_60] : memref<3x1x2048xf32, #tpu.memory_space<vmem>>, vector<1x1x2048xf32>
    %get3A_62 = vector.shape_cast %get3A_61 : vector<1x1x2048xf32> to vector<2048xf32>
    %broadcast_in_dim3A_63 = vector.shape_cast %get3A_62 : vector<2048xf32> to vector<2048x1xf32>
    %mul3A_64 = vector.broadcast %broadcast_in_dim3A_63 : vector<2048x1xf32> to vector<2048x64xf32>
    %mul3A_65 = arith.mulf %mul3A_64, %mul3A_44 : vector<2048x64xf32>
    %swap3A_66 = arith.constant 1 : index
    %swap3A_67 = arith.constant 0 : index
    %swap3A_68 = arith.constant 0 : index
    %swap3A_69 = vector.load %arg4[%swap3A_66, %swap3A_67, %swap3A_68] : memref<3x2048x64xf32, #tpu.memory_space<vmem>>, vector<1x2048x64xf32>
    %swap3A_70 = vector.shape_cast %swap3A_69 : vector<1x2048x64xf32> to vector<2048x64xf32>
    %swap3A_71 = vector.shape_cast %mul3A_65 : vector<2048x64xf32> to vector<1x2048x64xf32>
    tpu.vector_store %arg4[%swap3A_66, %swap3A_67, %swap3A_68], %swap3A_71 {strides = array<i32>} : memref<3x2048x64xf32, #tpu.memory_space<vmem>>, vector<1x2048x64xf32>,
    %get3A_72 = arith.constant 2 : index
    %get3A_73 = arith.constant 0 : index
    %get3A_74 = arith.constant 0 : index
    %get3A_75 = vector.load %arg2[%get3A_72, %get3A_73, %get3A_74] : memref<3x1x2048xf32, #tpu.memory_space<vmem>>, vector<1x1x2048xf32>
    %get3A_76 = vector.shape_cast %get3A_75 : vector<1x1x2048xf32> to vector<2048xf32>
    %broadcast_in_dim3A_77 = vector.shape_cast %get3A_76 : vector<2048xf32> to vector<2048x1xf32>
    %mul3A_78 = vector.broadcast %broadcast_in_dim3A_77 : vector<2048x1xf32> to vector<2048x64xf32>
    %mul3A_79 = arith.mulf %mul3A_78, %mul3A_44 : vector<2048x64xf32>
    %swap3A_80 = arith.constant 2 : index
    %swap3A_81 = arith.constant 0 : index
    %swap3A_82 = arith.constant 0 : index
    %swap3A_83 = vector.load %arg4[%swap3A_80, %swap3A_81, %swap3A_82] : memref<3x2048x64xf32, #tpu.memory_space<vmem>>, vector<1x2048x64xf32>
    %swap3A_84 = vector.shape_cast %swap3A_83 : vector<1x2048x64xf32> to vector<2048x64xf32>
    %swap3A_85 = vector.shape_cast %mul3A_79 : vector<2048x64xf32> to vector<1x2048x64xf32>
    tpu.vector_store %arg4[%swap3A_80, %swap3A_81, %swap3A_82], %swap3A_85 {strides = array<i32>} : memref<3x2048x64xf32, #tpu.memory_space<vmem>>, vector<1x2048x64xf32>,
    return
  }
  func.func @transform_0(%arg0: i32) -> (i32, i32, i32) {
    %c0_i32 = arith.constant 0 : i32
    %c0_i32_0 = arith.constant 0 : i32
    %c0_i32_1 = arith.constant 0 : i32
    return %c0_i32, %arg0, %c0_i32_0 : i32, i32, i32
  }
  func.func @transform_1(%arg0: i32) -> (i32, i32, i32) {
    %c0_i32 = arith.constant 0 : i32
    %c0_i32_0 = arith.constant 0 : i32
    %c0_i32_1 = arith.constant 0 : i32
    return %c0_i32, %c0_i32_0, %arg0 : i32, i32, i32
  }
  func.func @transform_2(%arg0: i32) -> (i32, i32, i32) {
    %c0_i32 = arith.constant 0 : i32
    %c0_i32_0 = arith.constant 0 : i32
    %c0_i32_1 = arith.constant 0 : i32
    return %c0_i32, %c0_i32_0, %arg0 : i32, i32, i32
  }
  func.func @transform_3(%arg0: i32) -> (i32, i32, i32) {
    %c0_i32 = arith.constant 0 : i32
    %c0_i32_0 = arith.constant 0 : i32
    %c0_i32_1 = arith.constant 0 : i32
    return %c0_i32, %arg0, %c0_i32_0 : i32, i32, i32
  }
}

module attributes {stable_mosaic.version = 14 : i64} {
  func.func @_final_body(%arg0: i32, %arg1: memref<2x2048x64xf32, #tpu.memory_space<vmem>>, %arg2: memref<1x1x2048xf32, #tpu.memory_space<vmem>>, %arg3: memref<8x64xf32, #tpu.memory_space<vmem>>, %arg4: memref<1x8xf32, #tpu.memory_space<vmem>>, %arg5: memref<1x1x8xf32, #tpu.memory_space<vmem>>) attributes {dimension_semantics = [#tpu.dimension_semantics<arbitrary>], iteration_bounds = array<i64: 4>, scalar_prefetch = 0 : i64, scratch_operands = 0 : i64, tpu.core_type = #tpu.core_type<tc>, window_params = [{transform_indices = @transform_0, window_bounds = array<i64: 2, 2048, 64>}, {transform_indices = @transform_1, window_bounds = array<i64: 1, 1, 2048>}, {pipeline_mode = #tpu.pipeline_mode<synchronous>, transform_indices = @transform_2, window_bounds = array<i64: 8, 64>}, {pipeline_mode = #tpu.pipeline_mode<synchronous>, transform_indices = @transform_3, window_bounds = array<i64: 1, 8>}, {transform_indices = @transform_4, window_bounds = array<i64: 1, 1, 8>}]} {
    %get3A = arith.constant 0 : index
    %get3A_0 = arith.constant 0 : index
    %get3A_1 = arith.constant 0 : index
    %get3A_2 = vector.load %arg1[%get3A, %get3A_0, %get3A_1] : memref<2x2048x64xf32, #tpu.memory_space<vmem>>, vector<1x2048x64xf32>
    %get3A_3 = vector.shape_cast %get3A_2 : vector<1x2048x64xf32> to vector<2048x64xf32>
    %get3A_4 = arith.constant 1 : index
    %get3A_5 = arith.constant 0 : index
    %get3A_6 = arith.constant 0 : index
    %get3A_7 = vector.load %arg1[%get3A_4, %get3A_5, %get3A_6] : memref<2x2048x64xf32, #tpu.memory_space<vmem>>, vector<1x2048x64xf32>
    %get3A_8 = vector.shape_cast %get3A_7 : vector<1x2048x64xf32> to vector<2048x64xf32>
    %add3A = arith.addf %get3A_3, %get3A_8 : vector<2048x64xf32>
    %get3A_9 = arith.constant 0 : index
    %get3A_10 = arith.constant 0 : index
    %get3A_11 = arith.constant 0 : index
    %get3A_12 = vector.load %arg2[%get3A_9, %get3A_10, %get3A_11] : memref<1x1x2048xf32, #tpu.memory_space<vmem>>, vector<1x1x2048xf32>
    %get3A_13 = vector.shape_cast %get3A_12 : vector<1x1x2048xf32> to vector<2048xf32>
    %broadcast_in_dim3A = vector.shape_cast %get3A_13 : vector<2048xf32> to vector<2048x1xf32>
    %mul3A = vector.broadcast %broadcast_in_dim3A : vector<2048x1xf32> to vector<2048x64xf32>
    %mul3A_14 = arith.mulf %mul3A, %add3A : vector<2048x64xf32>
    %reduce_max3A = arith.constant dense<0xFF800000> : vector<64xf32>
    %reduce_max3A_15 = vector.multi_reduction <maximumf>, %mul3A_14, %reduce_max3A [0] : vector<2048x64xf32> to vector<64xf32>
    %get3A_16 = arith.constant 0 : index
    %get3A_17 = arith.constant 0 : index
    %get3A_18 = vector.load %arg3[%get3A_16, %get3A_17] : memref<8x64xf32, #tpu.memory_space<vmem>>, vector<8x64xf32>
    %broadcast_in_dim3A_19 = vector.shape_cast %reduce_max3A_15 : vector<64xf32> to vector<1x64xf32>
    %mul3A_20 = vector.broadcast %broadcast_in_dim3A_19 : vector<1x64xf32> to vector<8x64xf32>
    %mul3A_21 = arith.mulf %get3A_18, %mul3A_20 : vector<8x64xf32>
    %reduce_sum3A = arith.constant dense<0.000000e+00> : vector<8xf32>
    %reduce_sum3A_22 = vector.multi_reduction <add>, %mul3A_21, %reduce_sum3A [1] : vector<8x64xf32> to vector<8xf32>
    %get3A_23 = arith.constant 0 : index
    %get3A_24 = arith.constant 0 : index
    %get3A_25 = vector.load %arg4[%get3A_23, %get3A_24] : memref<1x8xf32, #tpu.memory_space<vmem>>, vector<1x8xf32>
    %get3A_26 = vector.shape_cast %get3A_25 : vector<1x8xf32> to vector<8xf32>
    %add3A_27 = arith.addf %reduce_sum3A_22, %get3A_26 : vector<8xf32>
    %swap3A = arith.constant 0 : index
    %swap3A_28 = arith.constant 0 : index
    %swap3A_29 = arith.constant 0 : index
    %swap3A_30 = vector.load %arg5[%swap3A, %swap3A_28, %swap3A_29] : memref<1x1x8xf32, #tpu.memory_space<vmem>>, vector<1x1x8xf32>
    %swap3A_31 = vector.shape_cast %swap3A_30 : vector<1x1x8xf32> to vector<8xf32>
    %swap3A_32 = vector.shape_cast %add3A_27 : vector<8xf32> to vector<1x1x8xf32>
    tpu.vector_store %arg5[%swap3A, %swap3A_28, %swap3A_29], %swap3A_32 {strides = array<i32>} : memref<1x1x8xf32, #tpu.memory_space<vmem>>, vector<1x1x8xf32>,
    return
  }
  func.func @transform_0(%arg0: i32) -> (i32, i32, i32) {
    %c0_i32 = arith.constant 0 : i32
    %c0_i32_0 = arith.constant 0 : i32
    %c0_i32_1 = arith.constant 0 : i32
    return %c0_i32, %arg0, %c0_i32_0 : i32, i32, i32
  }
  func.func @transform_1(%arg0: i32) -> (i32, i32, i32) {
    %c0_i32 = arith.constant 0 : i32
    %c0_i32_0 = arith.constant 0 : i32
    %c0_i32_1 = arith.constant 0 : i32
    return %c0_i32, %c0_i32_0, %arg0 : i32, i32, i32
  }
  func.func @transform_2(%arg0: i32) -> (i32, i32) {
    %c0_i32 = arith.constant 0 : i32
    %c0_i32_0 = arith.constant 0 : i32
    %c0_i32_1 = arith.constant 0 : i32
    return %c0_i32, %c0_i32_0 : i32, i32
  }
  func.func @transform_3(%arg0: i32) -> (i32, i32) {
    %c0_i32 = arith.constant 0 : i32
    %c0_i32_0 = arith.constant 0 : i32
    %c0_i32_1 = arith.constant 0 : i32
    return %c0_i32, %c0_i32_0 : i32, i32
  }
  func.func @transform_4(%arg0: i32) -> (i32, i32, i32) {
    %c0_i32 = arith.constant 0 : i32
    %c0_i32_0 = arith.constant 0 : i32
    %c0_i32_1 = arith.constant 0 : i32
    return %arg0, %c0_i32, %c0_i32_0 : i32, i32, i32
  }
}

</mosaic_0001>

<sc_bundles>
// kernel: kernel.11.cloned.1.call-start
scs
__scs_entry_jumppad:
0x0: {  	(pc) =	sbr.rel $0x88, $3  }
0x1: {  	(tag) =	ssettag $0x0;
	lr =	simm.s32 $0x1  }
0x2: {  	[smem:$0x3F9C] =	sst lr;
	_ =	strace $0xD0000000  }
0x3: {  	_ = 	snop  }
0x4: {  	_ = 	snop  }
0x5: {  	_ = 	snop  }
0x6: {  	_ = 	snop  }
0x7: {  	_ = 	snop  }
__scs_overlays_trampoline_lowered:
0x8: {  	[smem:$0x3FAB] =	sst s0  }
0x9: {  	[smem:$0x3FAC] =	sst s1  }
0xa: {  	[smem:$0x3FAD] =	sst s2  }
0xb: {  	[smem:$0x3FAE] =	sst s3  }
0xc: {  	[smem:$0x3FAF] =	sst s4  }
0xd: {  	[smem:$0x3FB0] =	sst s5  }
0xe: {  	[smem:$0x3FB1] =	sst s6  }
0xf: {  	[smem:$0x3FB2] =	sst s7  }
0x10: {  	[smem:$0x3FB3] =	sst s8  }
0x11: {  	[smem:$0x3FB4] =	sst s9;
	s0 =	simm.s32 @!p0 $0x0  }
0x12: {  	s1 =	sld [smem:$0x3F9A];
	s0 =	simm.s32 @p0 $0x1  }
0x13: {  	[smem:$0x3FB5] =	sst s0;
	s0 =	simm.s32 @!p1 $0x0  }
0x14: {  	s2 =	sld [smem:$0x3F99];
	s0 =	simm.s32 @p1 $0x1  }
0x15: {  	[smem:$0x3FB6] =	sst s0;
	s0 =	simm.s32 @!p2 $0x0  }
0x16: {  	s3 =	sld [smem:$0x3FDB];
	s0 =	simm.s32 @p2 $0x1  }
0x17: {  	s4 =	simm.s32 $0x1BF5;
	[smem:$0x3FB8] =	sst s0  }
0x18: {  	s0 =	sld [smem:$0x3F9B];
	_ =	swait.ge [sflag:s4], $0x0  }
0x19: {  	s7 =	sld [smem:$0x3F9C]  }
0x1a: {  	s8 =	sadd.s32 $0xFFFFE003, lr  }
0x1b: {  	s9 =	sadd.s32 $0xFFFFFEF7, lr;
	s5 =	simm.s32 $0xFFFFFFFF;
	p2 =	slt.u32 s8, $0xFFFFF086  }
0x1c: {  	p1 =	slt.u32 s9, $0xF7A;
	s5 =	simm.s32 @!p2 $0x0  }
0x1d: {  	s5 =	simm.s32 @p1 $0x1;
	p0 =	seq.s32 s7, s2  }
0x1e: {  	s7 =	smul.u32 @!p0 $0xF7A, s2;
	p2 =	seq.s32 @!p0 s5, $0x0  }
0x1f: {  	s9 =	smul.u32 $0xF7A, s1;
	s8 =	simm.s32 @!p0 $0x1BF5;
	p2 =	por !p2, p0  }
0x20: {  	[sflag:s8] =	ssyncset.s32 @!p0 $0xFFFFF086;
	s6 =	sadd.s32 @!p0 s3, s7;
	s7 =	simm.s32 @!p0 $0x108  }
0x21: {  	s3 =	sadd.s32 s3, s9;
	s6 =	sadd.s32 @!p0 $0x88, s6;
	s7 =	simm.s32 @p2 $0x1082  }
0x22: {  	[simem:s7], [sflag:s8] =	dma.local @!p0 [hbm:s6], $0xF7A  }
0x23: {  	s9 =	sor.u32 $0xD0000000, s2;
	s6 =	simm.s32 $0x108;
	_ =	swait.ge @!p0 [sflag:s8], $0x0  }
0x24: {  	s3 =	sadd.s32 $0x88, s3;
	s6 =	simm.s32 @!p1 $0x1082;
	[sflag:s4] =	ssyncset.s32 $0xFFFFF086  }
0x25: {  	[simem:s6], [sflag:s4] =	dma.local [hbm:s3], $0xF7A  }
0x26: {  	[smem:$0x3F9C] =	sst s1;
	(tag) =	ssettag s2;
	_ =	strace s9  }
0x27: {  	s1 =	sld [smem:$0x3FAC]  }
0x28: {  	s2 =	sld [smem:$0x3FAD]  }
0x29: {  	s4 =	sld [smem:$0x3FAF]  }
0x2a: {  	p0 =	seq.s32 s5, $0x0;
	s5 =	sld [smem:$0x3FB0]  }
0x2b: {  	s6 =	sld [smem:$0x3FB1]  }
0x2c: {  	s7 =	sld [smem:$0x3FB2]  }
0x2d: {  	s3 =	simm.s32 $0x108;
	s8 =	sld [smem:$0x3FB3]  }
0x2e: {  	s3 =	simm.s32 @!p0 $0x1082;
	s9 =	sld [smem:$0x3FB4]  }
0x2f: {  	lr =	sadd.s32 s0, s3;
	s0 =	sld [smem:$0x3FAB]  }
0x30: {  	s3 =	sld [smem:$0x3FAE]  }
0x31: {  	[smem:$0x3FB7] =	sst s10  }
0x32: {  	s10 =	sld [smem:$0x3FB5];
	_ =	sdelay $0x3  }
0x33: {  	p0 =	seq.s32 s10, $0x1;
	s10 =	sld [smem:$0x3FB7];
	_ =	sdelay $0x3  }
0x34: {  	[smem:$0x3FB7] =	sst s10  }
0x35: {  	s10 =	sld [smem:$0x3FB6];
	_ =	sdelay $0x3  }
0x36: {  	p1 =	seq.s32 s10, $0x1;
	s10 =	sld [smem:$0x3FB7];
	_ =	sdelay $0x3  }
0x37: {  	[smem:$0x3FB7] =	sst s10  }
0x38: {  	s10 =	sld [smem:$0x3FB8]  }
0x39: {  	_ = 	snop;
	(pc) =	sbr.ind lr, $3  }
0x3a: {  	_ = 	snop  }
0x3b: {  	_ = 	snop  }
0x3c: {  	p2 =	seq.s32 s10, $0x1;
	s10 =	sld [smem:$0x3FB7]  }
0x3d: {  	_ =	shalt  }
0x3e: {  	_ =	shalt  }
0x3f: {  	_ =	shalt  }
0x40: {  	_ =	shalt  }
0x41: {  	_ =	shalt  }
0x42: {  	_ =	shalt  }
0x43: {  	_ =	shalt  }
0x44: {  	_ =	shalt  }
0x45: {  	_ =	shalt  }
0x46: {  	_ =	shalt  }
0x47: {  	_ =	shalt  }
0x48: {  	_ =	shalt  }
0x49: {  	_ =	shalt  }
0x4a: {  	_ =	shalt  }
0x4b: {  	_ =	shalt  }
0x4c: {  	_ =	shalt  }
0x4d: {  	_ =	shalt  }
0x4e: {  	_ =	shalt  }
0x4f: {  	_ =	shalt  }
0x50: {  	_ =	shalt  }
0x51: {  	_ =	shalt  }
0x52: {  	_ =	shalt  }
0x53: {  	_ =	shalt  }
0x54: {  	_ =	shalt  }
0x55: {  	_ =	shalt  }
0x56: {  	_ =	shalt  }
0x57: {  	_ =	shalt  }
0x58: {  	_ =	shalt  }
0x59: {  	_ =	shalt  }
0x5a: {  	_ =	shalt  }
0x5b: {  	_ =	shalt  }
0x5c: {  	_ =	shalt  }
0x5d: {  	_ =	shalt  }
0x5e: {  	_ =	shalt  }
0x5f: {  	_ =	shalt  }
0x60: {  	_ =	shalt  }
0x61: {  	_ =	shalt  }
0x62: {  	_ =	shalt  }
0x63: {  	_ =	shalt  }
0x64: {  	_ =	shalt  }
0x65: {  	_ =	shalt  }
0x66: {  	_ =	shalt  }
0x67: {  	_ =	shalt  }
0x68: {  	_ =	shalt  }
0x69: {  	_ =	shalt  }
0x6a: {  	_ =	shalt  }
0x6b: {  	_ =	shalt  }
0x6c: {  	_ =	shalt  }
0x6d: {  	_ =	shalt  }
0x6e: {  	_ =	shalt  }
0x6f: {  	_ =	shalt  }
0x70: {  	_ =	shalt  }
0x71: {  	_ =	shalt  }
0x72: {  	_ =	shalt  }
0x73: {  	_ =	shalt  }
0x74: {  	_ =	shalt  }
0x75: {  	_ =	shalt  }
0x76: {  	_ =	shalt  }
0x77: {  	_ =	shalt  }
0x78: {  	_ =	shalt  }
0x79: {  	_ =	shalt  }
0x7a: {  	_ =	shalt  }
0x7b: {  	_ =	shalt  }
0x7c: {  	_ =	shalt  }
0x7d: {  	_ =	shalt  }
0x7e: {  	_ =	shalt  }
0x7f: {  	_ =	shalt  }
0x80: {  	_ =	shalt  }
0x81: {  	_ =	shalt  }
0x82: {  	_ =	shalt  }
0x83: {  	_ =	shalt  }
0x84: {  	_ =	shalt  }
0x85: {  	_ =	shalt  }
0x86: {  	_ =	shalt  }
0x87: {  	_ =	shalt  }
.Lfunc_end0:
.L_simem_size_0:
called_computation_lowered:
.L_overlay_start_0:
0x88: {  	s2 =	sld [smem:$0x3FD9]  }
0x89: {  	s3 =	sld [smem:$0x3FFE];
	_ =	sdelay $0x1  }
0x8a: {  	s1 =	srdreg.scid  }
0x8b: {  	s0 =	sand.u32 $0x1, s1  }
0x8c: {  	s16 =	sshll.u32 s0, $0xA;
	s2 =	sadd.s32 s3, s2  }
0x8d: {  	s2 =	sadd.s32 s2, s16  }
0x8e: {  	[smem:$0x3FC3] =	sst s2  }
0x8f: {  	_ = 	snop  }
0x90: {  	(tm) =	ssettm $0x1  }
0x91: {  	s17 =	sld [smem:$0x3FFB];
	_ =	sdelay $0x3  }
0x92: {  	_ =	strace s17  }
0x93: {  	s2 =	sld [smem:$0x3FFC];
	_ =	sdelay $0x3  }
0x94: {  	_ =	strace s2  }
0x95: {  	s2 =	sld [smem:$0x3FFD];
	_ =	sdelay $0x3  }
0x96: {  	_ =	strace s2  }
0x97: {  	_ =	strace $0x8FFFFFFF  }
0x98: {  	s18 =	sld [smem:$0x3FDB];
	_ =	sdelay $0x1  }
0x99: {  	s19 =	simm.s32 $_scs_section_size  }
0x9a: {  	s4 =	simm.s32 $_size__tile_overlayer_lowered;
	s5 =	simm.s32 $_tile_overlayer_lowered  }
0x9b: {  	s22 =	simm.s32 $0x1BFF;
	s21 =	sshll.u32 s5, $0x1;
	s2 =	sadd.s32 s19, s18  }
0x9c: {  	s6 =	simm.s32 $0x0;
	s20 =	sshll.u32 s4, $0x1;
	s4 =	sadd.s32 s21, s2  }
0x9d: {  	[timem:s6], [sflag:s22] =	dma.local [hbm:s4], s20  }
0x9e: {  	_ =	swait.ge [sflag:s22], s20  }
0x9f: {  	s3 =	ssub.s32 $0x0, s20;
	[sflag:s22] =	ssyncset.done $0x0  }
0xa0: {  	[sflag:s22] =	ssyncadd.s32 s3;
	_ =	sdelay $0x1  }
0xa1: {  	s23 =	simm.s32 $0x1B8B  }
0xa2: {  	_ =	swait.ge [sflag:s23], $0x1  }
0xa3: {  	[sflag:s23] =	ssyncset.done $0x0  }
0xa4: {  	s25 =	simm.s32 $0x1B8E;
	s24 =	sld [smem:$0x3FFE];
	[sflag:s23] =	ssyncadd.s32 $0xFFFFFFFF  }
0xa5: {  	s26 =	simm.s32 $execute0_lowered;
	[smem:$0x3FD2] =	sst s25  }
0xa6: {  	s4 =	sshll.u32 s26, $0x1;
	_ =	strace $0x80000046;
	[dreg:$0x1] =	wrdreg $0xFFFFFFFF  }
0xa7: {  	s28 =	simm.s32 $_size_execute0_lowered;
	s2 =	sadd.s32 s2, s4;
	[dreg:$0x0] =	wrdreg $0x0  }
0xa8: {  	s4 =	sshll.u32 s28, $0x1;
	[dreg:$0x2] =	wrdreg s2  }
0xa9: {  	[dreg:$0x3] =	wrdreg s4  }
0xaa: {  	[dreg:$0x4] =	wrdreg $0xC0  }
0xab: {  	_ =	task [dreg:s6], $0x5FFFF  }
0xac: {  	[dreg:$0x1] =	wrdreg $0xFFFFFFFF  }
0xad: {  	[dreg:$0x0] =	wrdreg $0x60  }
0xae: {  	[dreg:$0x2] =	wrdreg s24  }
0xaf: {  	[dreg:$0x3] =	wrdreg $0x33000  }
0xb0: {  	[dreg:$0x4] =	wrdreg $0x9  }
0xb1: {  	_ =	task.clear_ibuf [dreg:s6], $0x5FFFF;
	_ =	strace $0x90000046  }
0xb2: {  	s29 =	simm.s32 $0x9;
	_ =	strace $0x80000048  }
0xb3: {  	_ =	swait.ge [sflag:s29], $0x1  }
0xb4: {  	[sflag:s29] =	ssyncadd.s32 $0xFFFFFFFF  }
0xb5: {  	_ =	strace $0x90000048  }
0xb6: {  	_ =	sfence  }
0xb7: {  	s30 =	sld [smem:$0x0];
	_ =	sdelay $0x2  }
0xb8: {  	s31 =	sshll.u32 s1, $0xD;
	s1 =	sshrl.u32 s1, $0x2  }
0xb9: {  	s3 =	sand.u32 $0x4000, s31;
	s1 =	sadd.s32 s1, s30  }
0xba: {  	s0 =	sor.u32 s3, s0;
	s1 =	sshll.u32 s1, $0x11  }
0xbb: {  	s0 =	sor.u32 s1, s0  }
0xbc: {  	s0 =	sadd.s32 $0x8F2B, s0  }
0xbd: {  	[sflag:s0] =	ssyncadd.remote.s32 $0x1  }
0xbe: {  	_ =	sfence.sel $0xFFFF  }
0xbf: {  	[dreg:$0x0] =	wrdreg $0xFFFFFFFF;
	(pc) =	sbr.abs _section_cstart, $3  }
0xc0: {  	[dreg:$0x1] =	wrdreg $0xFFFFFFFF  }
0xc1: {  	_ =	task.clear_ibuf [dreg:s6], $0x2FFFF;
	_ =	strace $0x9FFFFFFF  }
0xc2: {  	(tm) =	ssettm $0x7FFFFFFF  }
0xc3: {  	_ =	shalt  }
tec
execute0_lowered:
.L_overlay_start_1:
0x0: {  	(tag) =	ssettag $0x1  }
0x1: {  	s21 =	rddreg [dreg:$0x0]  }
0x2: {  	s2 =	rddreg [dreg:$0x1]  }
0x3: {  	s0 =	rddreg [dreg:$0x2]  }
0x4: {  	s3 =	simm.s32 $0x0;
	s4 =	srdreg.scid;
	s1 =	stileid.u32  }
0x5: {  	[smem:$0x7FF] =	sst s3;
	s22 =	sand.u32 $0x1, s4;
	s28 =	sshll.u32 s1, $0x1  }
0x6: {  	s29 =	sshll.u32 s1, $0xA;
	s23 =	sshll.u32 s1, $0xD;
	s5 =	sshll.u32 s1, $0x6  }
0x7: {  	_ =	strace $0x80000047;
	s8 =	sor.u32 s22, s28;
	s4 =	sadd.s32 s29, s21  }
0x8: {  	s6 =	sadd.s32 s23, s2;
	s5 =	sor.u32 $0x1C01, s5;
	s9 =	smul.u32 $0x60, s8  }
0x9: {  	s4 =	sadd.s32 $0xE000, s4;
	s7 =	sshrl.u32 s6, $0x3;
	s6 =	simm.s32 $0x1  }
0xa: {  	[spmem:s7], [sflag:s5] =	dma.local [hbm:s4], $0x400  }
0xb: {  	_ =	swait.ge [sflag:s6], $0x400  }
0xc: {  	s9 =	sadd.s32 s9, s21;
	[sflag:s6] =	ssyncset.done $0x0  }
0xd: {  	s10 =	smul.u32 $0x600, s8;
	s8 =	sadd.s32 $0x1400, s9;
	[sflag:s6] =	ssyncadd.s32 $0xFFFFFC00  }
0xe: {  	[tilespmem:s3], [sflag:$0x1] =	stream.linear.gather [hbm4b:s8+s3], $0x300, $0x38;
	[tilespmem:$0x5300] =	vst v63  }
0xf: {  	_ =	swait.ge [sflag:s6], $0x300  }
0x10: {  	s30 =	sadd.s32 s10, s21;
	[sflag:s6] =	ssyncset.done $0x0  }
0x11: {  	s10 =	simm.s32 $0x300;
	s9 =	sadd.s32 $0x2000, s30;
	[sflag:s6] =	ssyncadd.s32 $0xFFFFFD00  }
0x12: {  	[tilespmem:s10], [sflag:$0x1] =	stream.linear.gather [hbm4b:s9+s3], $0x3000, $0x38;
	[tilespmem:$0x5300] =	vst v63  }
0x13: {  	_ =	swait.ge [sflag:s6], $0x3000  }
0x14: {  	[sflag:s6] =	ssyncset.done $0x0  }
0x15: {  	[sflag:s6] =	ssyncadd.s32 $0xFFFFD000  }
0x16: {  	s11 =	simm.s32 $0x80;
	[bflag:$0x0] =	sbarrier.arrive $0xFFFF  }
0x17: {  	[spmem:s2] =	stream.indirect.scatter.add.f32 [tilespmem:s10], [sflag:$0x1], $0x10, s3, s11, $0xb8;
	[tilespmem:$0x5300] =	vst v63  }
0x18: {  	_ =	swait.ge [sflag:s6], $0x800  }
0x19: {  	[sflag:s6] =	ssyncset.done $0x0  }
0x1a: {  	s12 =	simm.s32 $0xB00;
	[sflag:s6] =	ssyncadd.s32 $0xFFFFF800  }
0x1b: {  	[spmem:s2] =	stream.indirect.scatter.add.f32 [tilespmem:s12], [sflag:$0x1], $0x10, s11, s11, $0xb8;
	[tilespmem:$0x5300] =	vst v63  }
0x1c: {  	_ =	swait.ge [sflag:s6], $0x800  }
0x1d: {  	[sflag:s6] =	ssyncset.done $0x0  }
0x1e: {  	s13 =	simm.s32 $0x100;
	s14 =	simm.s32 $0x1300;
	[sflag:s6] =	ssyncadd.s32 $0xFFFFF800  }
0x1f: {  	[spmem:s2] =	stream.indirect.scatter.add.f32 [tilespmem:s14], [sflag:$0x1], $0x10, s13, s11, $0xb8;
	[tilespmem:$0x5300] =	vst v63  }
0x20: {  	_ =	swait.ge [sflag:s6], $0x800  }
0x21: {  	[sflag:s6] =	ssyncset.done $0x0  }
0x22: {  	s15 =	simm.s32 $0x180;
	s16 =	simm.s32 $0x1B00;
	[sflag:s6] =	ssyncadd.s32 $0xFFFFF800  }
0x23: {  	[spmem:s2] =	stream.indirect.scatter.add.f32 [tilespmem:s16], [sflag:$0x1], $0x10, s15, s11, $0xb8;
	[tilespmem:$0x5300] =	vst v63  }
0x24: {  	_ =	swait.ge [sflag:s6], $0x800  }
0x25: {  	[sflag:s6] =	ssyncset.done $0x0  }
0x26: {  	s17 =	simm.s32 $0x200;
	s18 =	simm.s32 $0x2300;
	[sflag:s6] =	ssyncadd.s32 $0xFFFFF800  }
0x27: {  	[spmem:s2] =	stream.indirect.scatter.add.f32 [tilespmem:s18], [sflag:$0x1], $0x10, s17, s11, $0xb8;
	[tilespmem:$0x5300] =	vst v63  }
0x28: {  	s24 =	sshll.u32 s22, $0x11;
	s22 =	ssub.s32 $0x2, s22;
	_ =	swait.ge [sflag:s6], $0x800  }
0x29: {  	s19 =	simm.s32 $0x280;
	s31 =	sshrl.u32 s22, $0x1;
	[sflag:s6] =	ssyncset.done $0x0  }
0x2a: {  	s20 =	simm.s32 $0x2B00;
	s22 =	ssub.s32 s22, s31;
	[sflag:s6] =	ssyncadd.s32 $0xFFFFF800  }
0x2b: {  	[spmem:s2] =	stream.indirect.scatter.add.f32 [tilespmem:s20], [sflag:$0x1], $0x10, s19, s11, $0xb8;
	[tilespmem:$0x5300] =	vst v63  }
0x2c: {  	s23 =	sor.u32 s23, s24;
	s22 =	smax.u32 s22, $0x1;
	_ =	swait.ge [sflag:s6], $0x800  }
0x2d: {  	s23 =	sshrl.u32 s23, $0x3;
	p0 =	sne.s32 s22, $0x1;
	[sflag:s6] =	ssyncset.done $0x0  }
.Ltmp0:
0x2e: {  	s21 =	sadd.s32 s23, s21;
	[sflag:s6] =	ssyncadd.s32 $0xFFFFF800;
	(pc) =	sbr.rel @!p0 .LBB2_2-.Ltmp0, $4  }
0x2f: {  	s21 =	sadd.s32 $0x12000, s21;
	[bflag:$0x0] =	sbarrier.arrive $0xFFFF  }
0x30: {  	[hbm:s21], [sflag:s5] =	dma.local [spmem:s7], $0x400  }
0x31: {  	_ =	swait.ge [sflag:s6], $0x400  }
0x32: {  	s22 =	sadd.s32 $0xFFFFFFFF, s22;
	[sflag:s6] =	ssyncset.done $0x0  }
.LBB2_1:
0x33: {  	p0 =	sne.s32 s22, $0x1;
	s22 =	sadd.s32 $0xFFFFFFFF, s22;
	[sflag:s6] =	ssyncadd.s32 $0xFFFFFC00  }
0x34: {  	[spmem:s7], [sflag:s5] =	dma.local [hbm:s4], $0x400  }
0x35: {  	_ =	swait.ge [sflag:s6], $0x400  }
0x36: {  	[sflag:s6] =	ssyncset.done $0x0  }
0x37: {  	[sflag:s6] =	ssyncadd.s32 $0xFFFFFC00  }
0x38: {  	[tilespmem:s3], [sflag:$0x1] =	stream.linear.gather [hbm4b:s8+s3], $0x300, $0x38;
	[tilespmem:$0x5300] =	vst v63  }
0x39: {  	_ =	swait.ge [sflag:s6], $0x300  }
0x3a: {  	[sflag:s6] =	ssyncset.done $0x0  }
0x3b: {  	[sflag:s6] =	ssyncadd.s32 $0xFFFFFD00  }
0x3c: {  	[tilespmem:s10], [sflag:$0x1] =	stream.linear.gather [hbm4b:s9+s3], $0x3000, $0x38;
	[tilespmem:$0x5300] =	vst v63  }
0x3d: {  	_ =	swait.ge [sflag:s6], $0x3000  }
0x3e: {  	[sflag:s6] =	ssyncset.done $0x0  }
0x3f: {  	[sflag:s6] =	ssyncadd.s32 $0xFFFFD000  }
0x40: {  	[bflag:$0x0] =	sbarrier.arrive $0xFFFF  }
0x41: {  	[spmem:s2] =	stream.indirect.scatter.add.f32 [tilespmem:s10], [sflag:$0x1], $0x10, s3, s11, $0xb8;
	[tilespmem:$0x5300] =	vst v63  }
0x42: {  	_ =	swait.ge [sflag:s6], $0x800  }
0x43: {  	[sflag:s6] =	ssyncset.done $0x0  }
0x44: {  	[sflag:s6] =	ssyncadd.s32 $0xFFFFF800  }
0x45: {  	[spmem:s2] =	stream.indirect.scatter.add.f32 [tilespmem:s12], [sflag:$0x1], $0x10, s11, s11, $0xb8;
	[tilespmem:$0x5300] =	vst v63  }
0x46: {  	_ =	swait.ge [sflag:s6], $0x800  }
0x47: {  	[sflag:s6] =	ssyncset.done $0x0  }
0x48: {  	[sflag:s6] =	ssyncadd.s32 $0xFFFFF800  }
0x49: {  	[spmem:s2] =	stream.indirect.scatter.add.f32 [tilespmem:s14], [sflag:$0x1], $0x10, s13, s11, $0xb8;
	[tilespmem:$0x5300] =	vst v63  }
0x4a: {  	_ =	swait.ge [sflag:s6], $0x800  }
0x4b: {  	[sflag:s6] =	ssyncset.done $0x0  }
0x4c: {  	[sflag:s6] =	ssyncadd.s32 $0xFFFFF800  }
0x4d: {  	[spmem:s2] =	stream.indirect.scatter.add.f32 [tilespmem:s16], [sflag:$0x1], $0x10, s15, s11, $0xb8;
	[tilespmem:$0x5300] =	vst v63  }
0x4e: {  	_ =	swait.ge [sflag:s6], $0x800  }
0x4f: {  	[sflag:s6] =	ssyncset.done $0x0  }
0x50: {  	[sflag:s6] =	ssyncadd.s32 $0xFFFFF800  }
0x51: {  	[spmem:s2] =	stream.indirect.scatter.add.f32 [tilespmem:s18], [sflag:$0x1], $0x10, s17, s11, $0xb8;
	[tilespmem:$0x5300] =	vst v63  }
0x52: {  	_ =	swait.ge [sflag:s6], $0x800  }
0x53: {  	[sflag:s6] =	ssyncset.done $0x0  }
0x54: {  	[sflag:s6] =	ssyncadd.s32 $0xFFFFF800  }
0x55: {  	[spmem:s2] =	stream.indirect.scatter.add.f32 [tilespmem:s20], [sflag:$0x1], $0x10, s19, s11, $0xb8;
	[tilespmem:$0x5300] =	vst v63  }
0x56: {  	_ =	swait.ge [sflag:s6], $0x800  }
0x57: {  	[sflag:s6] =	ssyncset.done $0x0  }
.Ltmp1:
0x58: {  	[sflag:s6] =	ssyncadd.s32 $0xFFFFF800;
	(pc) =	sbr.rel @p0 .LBB2_1-.Ltmp1, $4  }
0x59: {  	[bflag:$0x0] =	sbarrier.arrive $0xFFFF  }
0x5a: {  	[hbm:s21], [sflag:s5] =	dma.local [spmem:s7], $0x400  }
0x5b: {  	_ =	swait.ge [sflag:s6], $0x400  }
0x5c: {  	[sflag:s6] =	ssyncset.done $0x0  }
.LBB2_2:
0x5d: {  	[sflag:s6] =	ssyncadd.s32 $0xFFFFFC00  }
0x5e: {  	_ =	sfence.sel $0x180000  }
0x5f: {  	[bflag:$0x0] =	sbarrier.arrive $0xFFFF  }
0x60: {  	p0 =	sne.s32 s1, $0x0;
	_ =	strace $0x90000047  }
0x61: {  	s0 =	sadd.s32 @!p0 $0x100000, s0;
	[bflag:$0x2] =	sbarrier.arrive $0xFFFF  }
0x62: {  	[sflag:s0] =	ssyncadd.tile.s32 @!p0 $0x1;
	_ =	shalt  }
.Lfunc_end2:
_tile_overlayer_lowered:
.L_overlay_start_2:
0x63: {  	(tag) =	ssettag $0x2  }
0x64: {  	s0 =	rddreg [dreg:$0x0];
	s2 =	stileid.u32  }
0x65: {  	s1 =	rddreg [dreg:$0x1];
	p0 =	sne.s32 s2, $0x0  }
0x66: {  	s3 =	rddreg [dreg:$0x2];
	[bflag:$0x3] =	sbarrier.arrive $0xFFFF;
	s2 =	simm.s32 @!p0 $0x1C01  }
0x67: {  	[timem:s3], [sflag:s2] =	dma.local @!p0 [hbm:s0], s1  }
0x68: {  	s0 =	simm.s32 @!p0 $0x1  }
0x69: {  	_ =	swait.ge @!p0 [sflag:s0], s1  }
0x6a: {  	s1 =	ssub.s32 @!p0 $0x0, s1;
	[sflag:s0] =	ssyncset.done @!p0 $0x0  }
0x6b: {  	[sflag:s0] =	ssyncadd.s32 @!p0 s1  }
0x6c: {  	[bflag:$0x3] =	sbarrier.arrive $0xFFFF  }
0x6d: {  	_ =	shalt  }

// kernel: kernel.14.cloned.1.call-start
scs
__scs_entry_jumppad:
0x0: {  	(pc) =	sbr.rel $0x88, $3  }
0x1: {  	(tag) =	ssettag $0x0;
	lr =	simm.s32 $0x1  }
0x2: {  	[smem:$0x3F9C] =	sst lr;
	_ =	strace $0xD0000000  }
0x3: {  	_ = 	snop  }
0x4: {  	_ = 	snop  }
0x5: {  	_ = 	snop  }
0x6: {  	_ = 	snop  }
0x7: {  	_ = 	snop  }
__scs_overlays_trampoline_lowered:
0x8: {  	[smem:$0x3FAB] =	sst s0  }
0x9: {  	[smem:$0x3FAC] =	sst s1  }
0xa: {  	[smem:$0x3FAD] =	sst s2  }
0xb: {  	[smem:$0x3FAE] =	sst s3  }
0xc: {  	[smem:$0x3FAF] =	sst s4  }
0xd: {  	[smem:$0x3FB0] =	sst s5  }
0xe: {  	[smem:$0x3FB1] =	sst s6  }
0xf: {  	[smem:$0x3FB2] =	sst s7  }
0x10: {  	[smem:$0x3FB3] =	sst s8  }
0x11: {  	[smem:$0x3FB4] =	sst s9;
	s0 =	simm.s32 @!p0 $0x0  }
0x12: {  	s1 =	sld [smem:$0x3F9A];
	s0 =	simm.s32 @p0 $0x1  }
0x13: {  	[smem:$0x3FB5] =	sst s0;
	s0 =	simm.s32 @!p1 $0x0  }
0x14: {  	s2 =	sld [smem:$0x3F99];
	s0 =	simm.s32 @p1 $0x1  }
0x15: {  	[smem:$0x3FB6] =	sst s0;
	s0 =	simm.s32 @!p2 $0x0  }
0x16: {  	s3 =	sld [smem:$0x3FDB];
	s0 =	simm.s32 @p2 $0x1  }
0x17: {  	s4 =	simm.s32 $0x1BF5;
	[smem:$0x3FB8] =	sst s0  }
0x18: {  	s0 =	sld [smem:$0x3F9B];
	_ =	swait.ge [sflag:s4], $0x0  }
0x19: {  	s7 =	sld [smem:$0x3F9C]  }
0x1a: {  	s8 =	sadd.s32 $0xFFFFE003, lr  }
0x1b: {  	s9 =	sadd.s32 $0xFFFFFEF7, lr;
	s5 =	simm.s32 $0xFFFFFFFF;
	p2 =	slt.u32 s8, $0xFFFFF086  }
0x1c: {  	p1 =	slt.u32 s9, $0xF7A;
	s5 =	simm.s32 @!p2 $0x0  }
0x1d: {  	s5 =	simm.s32 @p1 $0x1;
	p0 =	seq.s32 s7, s2  }
0x1e: {  	s7 =	smul.u32 @!p0 $0xF7A, s2;
	p2 =	seq.s32 @!p0 s5, $0x0  }
0x1f: {  	s9 =	smul.u32 $0xF7A, s1;
	s8 =	simm.s32 @!p0 $0x1BF5;
	p2 =	por !p2, p0  }
0x20: {  	[sflag:s8] =	ssyncset.s32 @!p0 $0xFFFFF086;
	s6 =	sadd.s32 @!p0 s3, s7;
	s7 =	simm.s32 @!p0 $0x108  }
0x21: {  	s3 =	sadd.s32 s3, s9;
	s6 =	sadd.s32 @!p0 $0x88, s6;
	s7 =	simm.s32 @p2 $0x1082  }
0x22: {  	[simem:s7], [sflag:s8] =	dma.local @!p0 [hbm:s6], $0xF7A  }
0x23: {  	s9 =	sor.u32 $0xD0000000, s2;
	s6 =	simm.s32 $0x108;
	_ =	swait.ge @!p0 [sflag:s8], $0x0  }
0x24: {  	s3 =	sadd.s32 $0x88, s3;
	s6 =	simm.s32 @!p1 $0x1082;
	[sflag:s4] =	ssyncset.s32 $0xFFFFF086  }
0x25: {  	[simem:s6], [sflag:s4] =	dma.local [hbm:s3], $0xF7A  }
0x26: {  	[smem:$0x3F9C] =	sst s1;
	(tag) =	ssettag s2;
	_ =	strace s9  }
0x27: {  	s1 =	sld [smem:$0x3FAC]  }
0x28: {  	s2 =	sld [smem:$0x3FAD]  }
0x29: {  	s4 =	sld [smem:$0x3FAF]  }
0x2a: {  	p0 =	seq.s32 s5, $0x0;
	s5 =	sld [smem:$0x3FB0]  }
0x2b: {  	s6 =	sld [smem:$0x3FB1]  }
0x2c: {  	s7 =	sld [smem:$0x3FB2]  }
0x2d: {  	s3 =	simm.s32 $0x108;
	s8 =	sld [smem:$0x3FB3]  }
0x2e: {  	s3 =	simm.s32 @!p0 $0x1082;
	s9 =	sld [smem:$0x3FB4]  }
0x2f: {  	lr =	sadd.s32 s0, s3;
	s0 =	sld [smem:$0x3FAB]  }
0x30: {  	s3 =	sld [smem:$0x3FAE]  }
0x31: {  	[smem:$0x3FB7] =	sst s10  }
0x32: {  	s10 =	sld [smem:$0x3FB5];
	_ =	sdelay $0x3  }
0x33: {  	p0 =	seq.s32 s10, $0x1;
	s10 =	sld [smem:$0x3FB7];
	_ =	sdelay $0x3  }
0x34: {  	[smem:$0x3FB7] =	sst s10  }
0x35: {  	s10 =	sld [smem:$0x3FB6];
	_ =	sdelay $0x3  }
0x36: {  	p1 =	seq.s32 s10, $0x1;
	s10 =	sld [smem:$0x3FB7];
	_ =	sdelay $0x3  }
0x37: {  	[smem:$0x3FB7] =	sst s10  }
0x38: {  	s10 =	sld [smem:$0x3FB8]  }
0x39: {  	_ = 	snop;
	(pc) =	sbr.ind lr, $3  }
0x3a: {  	_ = 	snop  }
0x3b: {  	_ = 	snop  }
0x3c: {  	p2 =	seq.s32 s10, $0x1;
	s10 =	sld [smem:$0x3FB7]  }
0x3d: {  	_ =	shalt  }
0x3e: {  	_ =	shalt  }
0x3f: {  	_ =	shalt  }
0x40: {  	_ =	shalt  }
0x41: {  	_ =	shalt  }
0x42: {  	_ =	shalt  }
0x43: {  	_ =	shalt  }
0x44: {  	_ =	shalt  }
0x45: {  	_ =	shalt  }
0x46: {  	_ =	shalt  }
0x47: {  	_ =	shalt  }
0x48: {  	_ =	shalt  }
0x49: {  	_ =	shalt  }
0x4a: {  	_ =	shalt  }
0x4b: {  	_ =	shalt  }
0x4c: {  	_ =	shalt  }
0x4d: {  	_ =	shalt  }
0x4e: {  	_ =	shalt  }
0x4f: {  	_ =	shalt  }
0x50: {  	_ =	shalt  }
0x51: {  	_ =	shalt  }
0x52: {  	_ =	shalt  }
0x53: {  	_ =	shalt  }
0x54: {  	_ =	shalt  }
0x55: {  	_ =	shalt  }
0x56: {  	_ =	shalt  }
0x57: {  	_ =	shalt  }
0x58: {  	_ =	shalt  }
0x59: {  	_ =	shalt  }
0x5a: {  	_ =	shalt  }
0x5b: {  	_ =	shalt  }
0x5c: {  	_ =	shalt  }
0x5d: {  	_ =	shalt  }
0x5e: {  	_ =	shalt  }
0x5f: {  	_ =	shalt  }
0x60: {  	_ =	shalt  }
0x61: {  	_ =	shalt  }
0x62: {  	_ =	shalt  }
0x63: {  	_ =	shalt  }
0x64: {  	_ =	shalt  }
0x65: {  	_ =	shalt  }
0x66: {  	_ =	shalt  }
0x67: {  	_ =	shalt  }
0x68: {  	_ =	shalt  }
0x69: {  	_ =	shalt  }
0x6a: {  	_ =	shalt  }
0x6b: {  	_ =	shalt  }
0x6c: {  	_ =	shalt  }
0x6d: {  	_ =	shalt  }
0x6e: {  	_ =	shalt  }
0x6f: {  	_ =	shalt  }
0x70: {  	_ =	shalt  }
0x71: {  	_ =	shalt  }
0x72: {  	_ =	shalt  }
0x73: {  	_ =	shalt  }
0x74: {  	_ =	shalt  }
0x75: {  	_ =	shalt  }
0x76: {  	_ =	shalt  }
0x77: {  	_ =	shalt  }
0x78: {  	_ =	shalt  }
0x79: {  	_ =	shalt  }
0x7a: {  	_ =	shalt  }
0x7b: {  	_ =	shalt  }
0x7c: {  	_ =	shalt  }
0x7d: {  	_ =	shalt  }
0x7e: {  	_ =	shalt  }
0x7f: {  	_ =	shalt  }
0x80: {  	_ =	shalt  }
0x81: {  	_ =	shalt  }
0x82: {  	_ =	shalt  }
0x83: {  	_ =	shalt  }
0x84: {  	_ =	shalt  }
0x85: {  	_ =	shalt  }
0x86: {  	_ =	shalt  }
0x87: {  	_ =	shalt  }
.Lfunc_end0:
.L_simem_size_0:
called_computation.1_lowered:
.L_overlay_start_0:
0x88: {  	s2 =	sld [smem:$0x3FD9]  }
0x89: {  	s3 =	sld [smem:$0x3FFE];
	_ =	sdelay $0x1  }
0x8a: {  	s1 =	srdreg.scid  }
0x8b: {  	s0 =	sand.u32 $0x1, s1  }
0x8c: {  	s16 =	sshll.u32 s0, $0xA;
	s2 =	sadd.s32 s3, s2  }
0x8d: {  	s2 =	sadd.s32 s2, s16  }
0x8e: {  	[smem:$0x3FC3] =	sst s2  }
0x8f: {  	_ = 	snop  }
0x90: {  	(tm) =	ssettm $0x1  }
0x91: {  	s17 =	sld [smem:$0x3FFB];
	_ =	sdelay $0x3  }
0x92: {  	_ =	strace s17  }
0x93: {  	s2 =	sld [smem:$0x3FFC];
	_ =	sdelay $0x3  }
0x94: {  	_ =	strace s2  }
0x95: {  	s2 =	sld [smem:$0x3FFD];
	_ =	sdelay $0x3  }
0x96: {  	_ =	strace s2  }
0x97: {  	_ =	strace $0x8FFFFFFF  }
0x98: {  	s18 =	sld [smem:$0x3FDB];
	_ =	sdelay $0x1  }
0x99: {  	s19 =	simm.s32 $_scs_section_size  }
0x9a: {  	s4 =	simm.s32 $_size__tile_overlayer_lowered;
	s5 =	simm.s32 $_tile_overlayer_lowered  }
0x9b: {  	s22 =	simm.s32 $0x1BFF;
	s21 =	sshll.u32 s5, $0x1;
	s2 =	sadd.s32 s19, s18  }
0x9c: {  	s6 =	simm.s32 $0x0;
	s20 =	sshll.u32 s4, $0x1;
	s4 =	sadd.s32 s21, s2  }
0x9d: {  	[timem:s6], [sflag:s22] =	dma.local [hbm:s4], s20  }
0x9e: {  	_ =	swait.ge [sflag:s22], s20  }
0x9f: {  	s3 =	ssub.s32 $0x0, s20;
	[sflag:s22] =	ssyncset.done $0x0  }
0xa0: {  	[sflag:s22] =	ssyncadd.s32 s3;
	_ =	sdelay $0x1  }
0xa1: {  	s23 =	simm.s32 $0x1B8B  }
0xa2: {  	_ =	swait.ge [sflag:s23], $0x1  }
0xa3: {  	[sflag:s23] =	ssyncset.done $0x0  }
0xa4: {  	s25 =	simm.s32 $0x1B8E;
	s24 =	sld [smem:$0x3FFE];
	[sflag:s23] =	ssyncadd.s32 $0xFFFFFFFF  }
0xa5: {  	s26 =	simm.s32 $execute0_lowered;
	[smem:$0x3FD2] =	sst s25  }
0xa6: {  	s4 =	sshll.u32 s26, $0x1;
	_ =	strace $0x80000049;
	[dreg:$0x1] =	wrdreg $0xFFFFFFFF  }
0xa7: {  	s28 =	simm.s32 $_size_execute0_lowered;
	s2 =	sadd.s32 s2, s4;
	[dreg:$0x0] =	wrdreg $0x0  }
0xa8: {  	s4 =	sshll.u32 s28, $0x1;
	[dreg:$0x2] =	wrdreg s2  }
0xa9: {  	[dreg:$0x3] =	wrdreg s4  }
0xaa: {  	[dreg:$0x4] =	wrdreg $0xC0  }
0xab: {  	_ =	task [dreg:s6], $0x5FFFF  }
0xac: {  	[dreg:$0x1] =	wrdreg $0xFFFFFFFF  }
0xad: {  	[dreg:$0x0] =	wrdreg $0x60  }
0xae: {  	[dreg:$0x2] =	wrdreg s24  }
0xaf: {  	[dreg:$0x3] =	wrdreg $0x9  }
0xb0: {  	_ =	task.clear_ibuf [dreg:s6], $0x4FFFF;
	_ =	strace $0x90000049  }
0xb1: {  	s29 =	simm.s32 $0x9;
	_ =	strace $0x8000004B  }
0xb2: {  	_ =	swait.ge [sflag:s29], $0x1  }
0xb3: {  	[sflag:s29] =	ssyncadd.s32 $0xFFFFFFFF  }
0xb4: {  	_ =	strace $0x9000004B  }
0xb5: {  	_ =	sfence  }
0xb6: {  	s30 =	sld [smem:$0x0];
	_ =	sdelay $0x2  }
0xb7: {  	s31 =	sshll.u32 s1, $0xD;
	s1 =	sshrl.u32 s1, $0x2  }
0xb8: {  	s3 =	sand.u32 $0x4000, s31;
	s1 =	sadd.s32 s1, s30  }
0xb9: {  	s0 =	sor.u32 s3, s0;
	s1 =	sshll.u32 s1, $0x11  }
0xba: {  	s0 =	sor.u32 s1, s0  }
0xbb: {  	s0 =	sadd.s32 $0x8F2B, s0  }
0xbc: {  	[sflag:s0] =	ssyncadd.remote.s32 $0x1  }
0xbd: {  	_ =	sfence.sel $0xFFFF  }
0xbe: {  	[dreg:$0x0] =	wrdreg $0xFFFFFFFF;
	(pc) =	sbr.abs _section_cstart, $3  }
0xbf: {  	[dreg:$0x1] =	wrdreg $0xFFFFFFFF  }
0xc0: {  	_ =	task.clear_ibuf [dreg:s6], $0x2FFFF;
	_ =	strace $0x9FFFFFFF  }
0xc1: {  	(tm) =	ssettm $0x7FFFFFFF  }
tec
execute0_lowered:
.L_overlay_start_1:
0x0: {  	(tag) =	ssettag $0x1  }
0x1: {  	s1 =	srdreg.scid;
	s0 =	stileid.u32  }
0x2: {  	s18 =	sand.u32 $0x1, s1;
	s29 =	sshll.u32 s0, $0x1  }
0x3: {  	s19 =	sor.u32 s18, s29  }
0x4: {  	s20 =	rddreg [dreg:$0x0];
	s3 =	smul.u32 $0x60, s19  }
0x5: {  	s2 =	simm.s32 $0x0;
	s1 =	rddreg [dreg:$0x1]  }
0x6: {  	[smem:$0x7FF] =	sst s2;
	s3 =	sadd.s32 s3, s20  }
0x7: {  	_ =	strace $0x8000004A;
	s4 =	sadd.s32 $0x1400, s3;
	s3 =	simm.s32 $0x2  }
0x8: {  	[tilespmem:s2], [sflag:$0x2] =	stream.linear.gather [hbm4b:s4+s2], $0x300, $0x38;
	[tilespmem:$0xC300] =	vst v63  }
0x9: {  	_ =	swait.ge [sflag:s3], $0x300  }
0xa: {  	s6 =	simm.s32 $0x80;
	[sflag:s3] =	ssyncset.done $0x0  }
0xb: {  	s7 =	simm.s32 $0x300;
	s5 =	sadd.s32 $0x2000, s20;
	[sflag:s3] =	ssyncadd.s32 $0xFFFFFD00  }
0xc: {  	[tilespmem:s7], [sflag:$0x1] =	stream.indirect.gather [hbm4b:s5+s6], $0x40, s2, s6, $0xb8;
	[tilespmem:$0xC300] =	vst v63  }
0xd: {  	s8 =	simm.s32 $0x2300  }
0xe: {  	[tilespmem:s8], [sflag:$0x1] =	stream.indirect.gather [hbm4b:s5+s6], $0x40, s6, s6, $0xb8;
	[tilespmem:$0xC300] =	vst v63  }
0xf: {  	s9 =	simm.s32 $0x100;
	s10 =	simm.s32 $0x4300  }
0x10: {  	[tilespmem:s10], [sflag:$0x1] =	stream.indirect.gather [hbm4b:s5+s6], $0x40, s9, s6, $0xb8;
	[tilespmem:$0xC300] =	vst v63  }
0x11: {  	s11 =	simm.s32 $0x180;
	s12 =	simm.s32 $0x6300  }
0x12: {  	[tilespmem:s12], [sflag:$0x1] =	stream.indirect.gather [hbm4b:s5+s6], $0x40, s11, s6, $0xb8;
	[tilespmem:$0xC300] =	vst v63  }
0x13: {  	s13 =	simm.s32 $0x200;
	s14 =	simm.s32 $0x8300  }
0x14: {  	[tilespmem:s14], [sflag:$0x1] =	stream.indirect.gather [hbm4b:s5+s6], $0x40, s13, s6, $0xb8;
	[tilespmem:$0xC300] =	vst v63  }
0x15: {  	s15 =	simm.s32 $0x280;
	s16 =	simm.s32 $0xA300;
	s17 =	simm.s32 $0x1  }
0x16: {  	[tilespmem:s16], [sflag:$0x1] =	stream.indirect.gather [hbm4b:s5+s6], $0x40, s15, s6, $0xb8;
	[tilespmem:$0xC300] =	vst v63  }
0x17: {  	_ =	swait.ge [sflag:s17], $0x2000  }
0x18: {  	[sflag:s17] =	ssyncset.done $0x0  }
0x19: {  	[sflag:s17] =	ssyncadd.s32 $0xFFFFE000  }
0x1a: {  	_ =	swait.ge [sflag:s17], $0x2000  }
0x1b: {  	[sflag:s17] =	ssyncset.done $0x0  }
0x1c: {  	[sflag:s17] =	ssyncadd.s32 $0xFFFFE000  }
0x1d: {  	_ =	swait.ge [sflag:s17], $0x2000  }
0x1e: {  	[sflag:s17] =	ssyncset.done $0x0  }
0x1f: {  	[sflag:s17] =	ssyncadd.s32 $0xFFFFE000  }
0x20: {  	_ =	swait.ge [sflag:s17], $0x2000  }
0x21: {  	[sflag:s17] =	ssyncset.done $0x0  }
0x22: {  	s18 =	ssub.s32 $0x2, s18;
	[sflag:s17] =	ssyncadd.s32 $0xFFFFE000  }
0x23: {  	s21 =	sshrl.u32 s18, $0x1;
	_ =	swait.ge [sflag:s17], $0x2000  }
0x24: {  	s30 =	ssub.s32 s18, s21;
	[sflag:s17] =	ssyncset.done $0x0  }
0x25: {  	s19 =	smul.u32 $0x1800, s19;
	s31 =	smax.u32 s30, $0x1;
	[sflag:s17] =	ssyncadd.s32 $0xFFFFE000  }
0x26: {  	p0 =	sne.s32 s31, $0x1;
	_ =	swait.ge [sflag:s17], $0x2000  }
.Ltmp0:
0x27: {  	s19 =	sadd.s32 s19, s20;
	[sflag:s17] =	ssyncset.done $0x0;
	(pc) =	sbr.rel @!p0 .LBB2_2-.Ltmp0, $4  }
0x28: {  	s18 =	sadd.s32 $0x12000, s19;
	[sflag:s17] =	ssyncadd.s32 $0xFFFFE000  }
0x29: {  	[hbm4b:s18+s2] =	stream.linear.scatter [tilespmem:s7], [sflag:$0x2], $0xC000, $0x38;
	[tilespmem:$0xC300] =	vst v63  }
0x2a: {  	_ =	swait.ge [sflag:s3], $0xC000  }
0x2b: {  	s19 =	sadd.s32 $0xFFFFFFFF, s31;
	[sflag:s3] =	ssyncset.done $0x0  }
.LBB2_1:
0x2c: {  	p0 =	sne.s32 s19, $0x1;
	s19 =	sadd.s32 $0xFFFFFFFF, s19;
	[sflag:s3] =	ssyncadd.s32 $0xFFFF4000  }
0x2d: {  	[tilespmem:s2], [sflag:$0x2] =	stream.linear.gather [hbm4b:s4+s2], $0x300, $0x38;
	[tilespmem:$0xC300] =	vst v63  }
0x2e: {  	_ =	swait.ge [sflag:s3], $0x300  }
0x2f: {  	[sflag:s3] =	ssyncset.done $0x0  }
0x30: {  	[sflag:s3] =	ssyncadd.s32 $0xFFFFFD00  }
0x31: {  	[tilespmem:s7], [sflag:$0x1] =	stream.indirect.gather [hbm4b:s5+s6], $0x40, s2, s6, $0xb8;
	[tilespmem:$0xC300] =	vst v63  }
0x32: {  	_ = 	snop  }
0x33: {  	[tilespmem:s8], [sflag:$0x1] =	stream.indirect.gather [hbm4b:s5+s6], $0x40, s6, s6, $0xb8;
	[tilespmem:$0xC300] =	vst v63  }
0x34: {  	_ = 	snop  }
0x35: {  	[tilespmem:s10], [sflag:$0x1] =	stream.indirect.gather [hbm4b:s5+s6], $0x40, s9, s6, $0xb8;
	[tilespmem:$0xC300] =	vst v63  }
0x36: {  	_ = 	snop  }
0x37: {  	[tilespmem:s12], [sflag:$0x1] =	stream.indirect.gather [hbm4b:s5+s6], $0x40, s11, s6, $0xb8;
	[tilespmem:$0xC300] =	vst v63  }
0x38: {  	_ = 	snop  }
0x39: {  	[tilespmem:s14], [sflag:$0x1] =	stream.indirect.gather [hbm4b:s5+s6], $0x40, s13, s6, $0xb8;
	[tilespmem:$0xC300] =	vst v63  }
0x3a: {  	_ = 	snop  }
0x3b: {  	[tilespmem:s16], [sflag:$0x1] =	stream.indirect.gather [hbm4b:s5+s6], $0x40, s15, s6, $0xb8;
	[tilespmem:$0xC300] =	vst v63  }
0x3c: {  	_ =	swait.ge [sflag:s17], $0x2000  }
0x3d: {  	[sflag:s17] =	ssyncset.done $0x0  }
0x3e: {  	[sflag:s17] =	ssyncadd.s32 $0xFFFFE000  }
0x3f: {  	_ =	swait.ge [sflag:s17], $0x2000  }
0x40: {  	[sflag:s17] =	ssyncset.done $0x0  }
0x41: {  	[sflag:s17] =	ssyncadd.s32 $0xFFFFE000  }
0x42: {  	_ =	swait.ge [sflag:s17], $0x2000  }
0x43: {  	[sflag:s17] =	ssyncset.done $0x0  }
0x44: {  	[sflag:s17] =	ssyncadd.s32 $0xFFFFE000  }
0x45: {  	_ =	swait.ge [sflag:s17], $0x2000  }
0x46: {  	[sflag:s17] =	ssyncset.done $0x0  }
0x47: {  	[sflag:s17] =	ssyncadd.s32 $0xFFFFE000  }
0x48: {  	_ =	swait.ge [sflag:s17], $0x2000  }
0x49: {  	[sflag:s17] =	ssyncset.done $0x0  }
0x4a: {  	[sflag:s17] =	ssyncadd.s32 $0xFFFFE000  }
0x4b: {  	_ =	swait.ge [sflag:s17], $0x2000  }
.Ltmp1:
0x4c: {  	[sflag:s17] =	ssyncset.done $0x0;
	(pc) =	sbr.rel @p0 .LBB2_1-.Ltmp1, $4  }
0x4d: {  	[sflag:s17] =	ssyncadd.s32 $0xFFFFE000  }
0x4e: {  	[hbm4b:s18+s2] =	stream.linear.scatter [tilespmem:s7], [sflag:$0x2], $0xC000, $0x38;
	[tilespmem:$0xC300] =	vst v63  }
0x4f: {  	_ =	swait.ge [sflag:s3], $0xC000  }
0x50: {  	[sflag:s3] =	ssyncset.done $0x0  }
.LBB2_2:
0x51: {  	[sflag:s3] =	ssyncadd.s32 $0xFFFF4000  }
0x52: {  	_ =	sfence.sel $0x180000  }
0x53: {  	[bflag:$0x0] =	sbarrier.arrive $0xFFFF  }
0x54: {  	p0 =	sne.s32 s0, $0x0;
	_ =	strace $0x9000004A  }
0x55: {  	s0 =	sadd.s32 @!p0 $0x100000, s1;
	[bflag:$0x2] =	sbarrier.arrive $0xFFFF  }
0x56: {  	[sflag:s0] =	ssyncadd.tile.s32 @!p0 $0x1;
	_ =	shalt  }
.Lfunc_end2:
_tile_overlayer_lowered:
.L_overlay_start_2:
0x57: {  	(tag) =	ssettag $0x2  }
0x58: {  	s0 =	rddreg [dreg:$0x0];
	s2 =	stileid.u32  }
0x59: {  	s1 =	rddreg [dreg:$0x1];
	p0 =	sne.s32 s2, $0x0  }
0x5a: {  	s3 =	rddreg [dreg:$0x2];
	[bflag:$0x3] =	sbarrier.arrive $0xFFFF;
	s2 =	simm.s32 @!p0 $0x1C02  }
0x5b: {  	[timem:s3], [sflag:s2] =	dma.local @!p0 [hbm:s0], s1  }
0x5c: {  	s0 =	simm.s32 @!p0 $0x2  }
0x5d: {  	_ =	swait.ge @!p0 [sflag:s0], s1  }
0x5e: {  	s1 =	ssub.s32 @!p0 $0x0, s1;
	[sflag:s0] =	ssyncset.done @!p0 $0x0  }
0x5f: {  	[sflag:s0] =	ssyncadd.s32 @!p0 s1  }
0x60: {  	[bflag:$0x3] =	sbarrier.arrive $0xFFFF  }
0x61: {  	_ =	shalt  }

// kernel: kernel.17.cloned.1.call-start
scs
__scs_entry_jumppad:
0x0: {  	(pc) =	sbr.rel $0x88, $3  }
0x1: {  	(tag) =	ssettag $0x0;
	lr =	simm.s32 $0x1  }
0x2: {  	[smem:$0x3F9C] =	sst lr;
	_ =	strace $0xD0000000  }
0x3: {  	_ = 	snop  }
0x4: {  	_ = 	snop  }
0x5: {  	_ = 	snop  }
0x6: {  	_ = 	snop  }
0x7: {  	_ = 	snop  }
__scs_overlays_trampoline_lowered:
0x8: {  	[smem:$0x3FAB] =	sst s0  }
0x9: {  	[smem:$0x3FAC] =	sst s1  }
0xa: {  	[smem:$0x3FAD] =	sst s2  }
0xb: {  	[smem:$0x3FAE] =	sst s3  }
0xc: {  	[smem:$0x3FAF] =	sst s4  }
0xd: {  	[smem:$0x3FB0] =	sst s5  }
0xe: {  	[smem:$0x3FB1] =	sst s6  }
0xf: {  	[smem:$0x3FB2] =	sst s7  }
0x10: {  	[smem:$0x3FB3] =	sst s8  }
0x11: {  	[smem:$0x3FB4] =	sst s9;
	s0 =	simm.s32 @!p0 $0x0  }
0x12: {  	s1 =	sld [smem:$0x3F9A];
	s0 =	simm.s32 @p0 $0x1  }
0x13: {  	[smem:$0x3FB5] =	sst s0;
	s0 =	simm.s32 @!p1 $0x0  }
0x14: {  	s2 =	sld [smem:$0x3F99];
	s0 =	simm.s32 @p1 $0x1  }
0x15: {  	[smem:$0x3FB6] =	sst s0;
	s0 =	simm.s32 @!p2 $0x0  }
0x16: {  	s3 =	sld [smem:$0x3FDB];
	s0 =	simm.s32 @p2 $0x1  }
0x17: {  	s4 =	simm.s32 $0x1BF5;
	[smem:$0x3FB8] =	sst s0  }
0x18: {  	s0 =	sld [smem:$0x3F9B];
	_ =	swait.ge [sflag:s4], $0x0  }
0x19: {  	s7 =	sld [smem:$0x3F9C]  }
0x1a: {  	s8 =	sadd.s32 $0xFFFFE003, lr  }
0x1b: {  	s9 =	sadd.s32 $0xFFFFFEF7, lr;
	s5 =	simm.s32 $0xFFFFFFFF;
	p2 =	slt.u32 s8, $0xFFFFF086  }
0x1c: {  	p1 =	slt.u32 s9, $0xF7A;
	s5 =	simm.s32 @!p2 $0x0  }
0x1d: {  	s5 =	simm.s32 @p1 $0x1;
	p0 =	seq.s32 s7, s2  }
0x1e: {  	s7 =	smul.u32 @!p0 $0xF7A, s2;
	p2 =	seq.s32 @!p0 s5, $0x0  }
0x1f: {  	s9 =	smul.u32 $0xF7A, s1;
	s8 =	simm.s32 @!p0 $0x1BF5;
	p2 =	por !p2, p0  }
0x20: {  	[sflag:s8] =	ssyncset.s32 @!p0 $0xFFFFF086;
	s6 =	sadd.s32 @!p0 s3, s7;
	s7 =	simm.s32 @!p0 $0x108  }
0x21: {  	s3 =	sadd.s32 s3, s9;
	s6 =	sadd.s32 @!p0 $0x88, s6;
	s7 =	simm.s32 @p2 $0x1082  }
0x22: {  	[simem:s7], [sflag:s8] =	dma.local @!p0 [hbm:s6], $0xF7A  }
0x23: {  	s9 =	sor.u32 $0xD0000000, s2;
	s6 =	simm.s32 $0x108;
	_ =	swait.ge @!p0 [sflag:s8], $0x0  }
0x24: {  	s3 =	sadd.s32 $0x88, s3;
	s6 =	simm.s32 @!p1 $0x1082;
	[sflag:s4] =	ssyncset.s32 $0xFFFFF086  }
0x25: {  	[simem:s6], [sflag:s4] =	dma.local [hbm:s3], $0xF7A  }
0x26: {  	[smem:$0x3F9C] =	sst s1;
	(tag) =	ssettag s2;
	_ =	strace s9  }
0x27: {  	s1 =	sld [smem:$0x3FAC]  }
0x28: {  	s2 =	sld [smem:$0x3FAD]  }
0x29: {  	s4 =	sld [smem:$0x3FAF]  }
0x2a: {  	p0 =	seq.s32 s5, $0x0;
	s5 =	sld [smem:$0x3FB0]  }
0x2b: {  	s6 =	sld [smem:$0x3FB1]  }
0x2c: {  	s7 =	sld [smem:$0x3FB2]  }
0x2d: {  	s3 =	simm.s32 $0x108;
	s8 =	sld [smem:$0x3FB3]  }
0x2e: {  	s3 =	simm.s32 @!p0 $0x1082;
	s9 =	sld [smem:$0x3FB4]  }
0x2f: {  	lr =	sadd.s32 s0, s3;
	s0 =	sld [smem:$0x3FAB]  }
0x30: {  	s3 =	sld [smem:$0x3FAE]  }
0x31: {  	[smem:$0x3FB7] =	sst s10  }
0x32: {  	s10 =	sld [smem:$0x3FB5];
	_ =	sdelay $0x3  }
0x33: {  	p0 =	seq.s32 s10, $0x1;
	s10 =	sld [smem:$0x3FB7];
	_ =	sdelay $0x3  }
0x34: {  	[smem:$0x3FB7] =	sst s10  }
0x35: {  	s10 =	sld [smem:$0x3FB6];
	_ =	sdelay $0x3  }
0x36: {  	p1 =	seq.s32 s10, $0x1;
	s10 =	sld [smem:$0x3FB7];
	_ =	sdelay $0x3  }
0x37: {  	[smem:$0x3FB7] =	sst s10  }
0x38: {  	s10 =	sld [smem:$0x3FB8]  }
0x39: {  	_ = 	snop;
	(pc) =	sbr.ind lr, $3  }
0x3a: {  	_ = 	snop  }
0x3b: {  	_ = 	snop  }
0x3c: {  	p2 =	seq.s32 s10, $0x1;
	s10 =	sld [smem:$0x3FB7]  }
0x3d: {  	_ =	shalt  }
0x3e: {  	_ =	shalt  }
0x3f: {  	_ =	shalt  }
0x40: {  	_ =	shalt  }
0x41: {  	_ =	shalt  }
0x42: {  	_ =	shalt  }
0x43: {  	_ =	shalt  }
0x44: {  	_ =	shalt  }
0x45: {  	_ =	shalt  }
0x46: {  	_ =	shalt  }
0x47: {  	_ =	shalt  }
0x48: {  	_ =	shalt  }
0x49: {  	_ =	shalt  }
0x4a: {  	_ =	shalt  }
0x4b: {  	_ =	shalt  }
0x4c: {  	_ =	shalt  }
0x4d: {  	_ =	shalt  }
0x4e: {  	_ =	shalt  }
0x4f: {  	_ =	shalt  }
0x50: {  	_ =	shalt  }
0x51: {  	_ =	shalt  }
0x52: {  	_ =	shalt  }
0x53: {  	_ =	shalt  }
0x54: {  	_ =	shalt  }
0x55: {  	_ =	shalt  }
0x56: {  	_ =	shalt  }
0x57: {  	_ =	shalt  }
0x58: {  	_ =	shalt  }
0x59: {  	_ =	shalt  }
0x5a: {  	_ =	shalt  }
0x5b: {  	_ =	shalt  }
0x5c: {  	_ =	shalt  }
0x5d: {  	_ =	shalt  }
0x5e: {  	_ =	shalt  }
0x5f: {  	_ =	shalt  }
0x60: {  	_ =	shalt  }
0x61: {  	_ =	shalt  }
0x62: {  	_ =	shalt  }
0x63: {  	_ =	shalt  }
0x64: {  	_ =	shalt  }
0x65: {  	_ =	shalt  }
0x66: {  	_ =	shalt  }
0x67: {  	_ =	shalt  }
0x68: {  	_ =	shalt  }
0x69: {  	_ =	shalt  }
0x6a: {  	_ =	shalt  }
0x6b: {  	_ =	shalt  }
0x6c: {  	_ =	shalt  }
0x6d: {  	_ =	shalt  }
0x6e: {  	_ =	shalt  }
0x6f: {  	_ =	shalt  }
0x70: {  	_ =	shalt  }
0x71: {  	_ =	shalt  }
0x72: {  	_ =	shalt  }
0x73: {  	_ =	shalt  }
0x74: {  	_ =	shalt  }
0x75: {  	_ =	shalt  }
0x76: {  	_ =	shalt  }
0x77: {  	_ =	shalt  }
0x78: {  	_ =	shalt  }
0x79: {  	_ =	shalt  }
0x7a: {  	_ =	shalt  }
0x7b: {  	_ =	shalt  }
0x7c: {  	_ =	shalt  }
0x7d: {  	_ =	shalt  }
0x7e: {  	_ =	shalt  }
0x7f: {  	_ =	shalt  }
0x80: {  	_ =	shalt  }
0x81: {  	_ =	shalt  }
0x82: {  	_ =	shalt  }
0x83: {  	_ =	shalt  }
0x84: {  	_ =	shalt  }
0x85: {  	_ =	shalt  }
0x86: {  	_ =	shalt  }
0x87: {  	_ =	shalt  }
.Lfunc_end0:
.L_simem_size_0:
called_computation.2_lowered:
.L_overlay_start_0:
0x88: {  	s2 =	sld [smem:$0x3FD9]  }
0x89: {  	s3 =	sld [smem:$0x3FFE];
	_ =	sdelay $0x1  }
0x8a: {  	s1 =	srdreg.scid  }
0x8b: {  	s0 =	sand.u32 $0x1, s1  }
0x8c: {  	s16 =	sshll.u32 s0, $0xA;
	s2 =	sadd.s32 s3, s2  }
0x8d: {  	s2 =	sadd.s32 s2, s16  }
0x8e: {  	[smem:$0x3FC3] =	sst s2  }
0x8f: {  	_ = 	snop  }
0x90: {  	(tm) =	ssettm $0x1  }
0x91: {  	s17 =	sld [smem:$0x3FFB];
	_ =	sdelay $0x3  }
0x92: {  	_ =	strace s17  }
0x93: {  	s2 =	sld [smem:$0x3FFC];
	_ =	sdelay $0x3  }
0x94: {  	_ =	strace s2  }
0x95: {  	s2 =	sld [smem:$0x3FFD];
	_ =	sdelay $0x3  }
0x96: {  	_ =	strace s2  }
0x97: {  	_ =	strace $0x8FFFFFFF  }
0x98: {  	s18 =	sld [smem:$0x3FDB];
	_ =	sdelay $0x1  }
0x99: {  	s19 =	simm.s32 $_scs_section_size  }
0x9a: {  	s4 =	simm.s32 $_size__tile_overlayer_lowered;
	s5 =	simm.s32 $_tile_overlayer_lowered  }
0x9b: {  	s22 =	simm.s32 $0x1BFF;
	s21 =	sshll.u32 s5, $0x1;
	s2 =	sadd.s32 s19, s18  }
0x9c: {  	s6 =	simm.s32 $0x0;
	s20 =	sshll.u32 s4, $0x1;
	s4 =	sadd.s32 s21, s2  }
0x9d: {  	[timem:s6], [sflag:s22] =	dma.local [hbm:s4], s20  }
0x9e: {  	_ =	swait.ge [sflag:s22], s20  }
0x9f: {  	s3 =	ssub.s32 $0x0, s20;
	[sflag:s22] =	ssyncset.done $0x0  }
0xa0: {  	[sflag:s22] =	ssyncadd.s32 s3;
	_ =	sdelay $0x1  }
0xa1: {  	s23 =	simm.s32 $0x1B8B  }
0xa2: {  	_ =	swait.ge [sflag:s23], $0x1  }
0xa3: {  	[sflag:s23] =	ssyncset.done $0x0  }
0xa4: {  	s25 =	simm.s32 $0x1B8E;
	s24 =	sld [smem:$0x3FFE];
	[sflag:s23] =	ssyncadd.s32 $0xFFFFFFFF  }
0xa5: {  	s26 =	simm.s32 $execute0_lowered;
	[smem:$0x3FD2] =	sst s25  }
0xa6: {  	s4 =	sshll.u32 s26, $0x1;
	_ =	strace $0x8000004C;
	[dreg:$0x1] =	wrdreg $0xFFFFFFFF  }
0xa7: {  	s28 =	simm.s32 $_size_execute0_lowered;
	s2 =	sadd.s32 s2, s4;
	[dreg:$0x0] =	wrdreg $0x0  }
0xa8: {  	s4 =	sshll.u32 s28, $0x1;
	[dreg:$0x2] =	wrdreg s2  }
0xa9: {  	[dreg:$0x3] =	wrdreg s4  }
0xaa: {  	[dreg:$0x4] =	wrdreg $0xC0  }
0xab: {  	_ =	task [dreg:s6], $0x5FFFF  }
0xac: {  	[dreg:$0x1] =	wrdreg $0xFFFFFFFF  }
0xad: {  	[dreg:$0x0] =	wrdreg $0x60  }
0xae: {  	[dreg:$0x2] =	wrdreg s24  }
0xaf: {  	[dreg:$0x3] =	wrdreg $0xC3000  }
0xb0: {  	[dreg:$0x4] =	wrdreg $0x9  }
0xb1: {  	_ =	task.clear_ibuf [dreg:s6], $0x5FFFF;
	_ =	strace $0x9000004C  }
0xb2: {  	s29 =	simm.s32 $0x9;
	_ =	strace $0x8000004E  }
0xb3: {  	_ =	swait.ge [sflag:s29], $0x1  }
0xb4: {  	[sflag:s29] =	ssyncadd.s32 $0xFFFFFFFF  }
0xb5: {  	_ =	strace $0x9000004E  }
0xb6: {  	_ =	sfence  }
0xb7: {  	s30 =	sld [smem:$0x0];
	_ =	sdelay $0x2  }
0xb8: {  	s31 =	sshll.u32 s1, $0xD;
	s1 =	sshrl.u32 s1, $0x2  }
0xb9: {  	s3 =	sand.u32 $0x4000, s31;
	s1 =	sadd.s32 s1, s30  }
0xba: {  	s0 =	sor.u32 s3, s0;
	s1 =	sshll.u32 s1, $0x11  }
0xbb: {  	s0 =	sor.u32 s1, s0  }
0xbc: {  	s0 =	sadd.s32 $0x8F2B, s0  }
0xbd: {  	[sflag:s0] =	ssyncadd.remote.s32 $0x1  }
0xbe: {  	_ =	sfence.sel $0xFFFF  }
0xbf: {  	[dreg:$0x0] =	wrdreg $0xFFFFFFFF;
	(pc) =	sbr.abs _section_cstart, $3  }
0xc0: {  	[dreg:$0x1] =	wrdreg $0xFFFFFFFF  }
0xc1: {  	_ =	task.clear_ibuf [dreg:s6], $0x2FFFF;
	_ =	strace $0x9FFFFFFF  }
0xc2: {  	(tm) =	ssettm $0x7FFFFFFF  }
0xc3: {  	_ =	shalt  }
tec
execute0_lowered:
.L_overlay_start_1:
0x0: {  	(tag) =	ssettag $0x1  }
0x1: {  	s21 =	rddreg [dreg:$0x0]  }
0x2: {  	s2 =	rddreg [dreg:$0x1]  }
0x3: {  	s0 =	rddreg [dreg:$0x2]  }
0x4: {  	s3 =	simm.s32 $0x0;
	s4 =	srdreg.scid;
	s1 =	stileid.u32  }
0x5: {  	[smem:$0x7FF] =	sst s3;
	s22 =	sand.u32 $0x1, s4;
	s28 =	sshll.u32 s1, $0x1  }
0x6: {  	s29 =	sshll.u32 s1, $0xC;
	s23 =	sshll.u32 s1, $0xF;
	s5 =	sshll.u32 s1, $0x6  }
0x7: {  	_ =	strace $0x8000004D;
	s8 =	sor.u32 s22, s28;
	s4 =	sadd.s32 s29, s21  }
0x8: {  	s6 =	sadd.s32 s23, s2;
	s5 =	sor.u32 $0x1C01, s5;
	s9 =	smul.u32 $0x60, s8  }
0x9: {  	s4 =	sadd.s32 $0x32000, s4;
	s7 =	sshrl.u32 s6, $0x3;
	s6 =	simm.s32 $0x1  }
0xa: {  	[spmem:s7], [sflag:s5] =	dma.local [hbm:s4], $0x1000  }
0xb: {  	_ =	swait.ge [sflag:s6], $0x1000  }
0xc: {  	s9 =	sadd.s32 s9, s21;
	[sflag:s6] =	ssyncset.done $0x0  }
0xd: {  	s10 =	smul.u32 $0x1800, s8;
	s8 =	sadd.s32 $0x1400, s9;
	[sflag:s6] =	ssyncadd.s32 $0xFFFFF000  }
0xe: {  	[tilespmem:s3], [sflag:$0x1] =	stream.linear.gather [hbm4b:s8+s3], $0x300, $0x38;
	[tilespmem:$0x14300] =	vst v63  }
0xf: {  	_ =	swait.ge [sflag:s6], $0x300  }
0x10: {  	s30 =	sadd.s32 s10, s21;
	[sflag:s6] =	ssyncset.done $0x0  }
0x11: {  	s10 =	simm.s32 $0x300;
	s9 =	sadd.s32 $0x2000, s30;
	[sflag:s6] =	ssyncadd.s32 $0xFFFFFD00  }
0x12: {  	[tilespmem:s10], [sflag:$0x1] =	stream.linear.gather [hbm4b:s9+s3], $0xC000, $0x38;
	[tilespmem:$0x14300] =	vst v63  }
0x13: {  	_ =	swait.ge [sflag:s6], $0xC000  }
0x14: {  	[sflag:s6] =	ssyncset.done $0x0  }
0x15: {  	[sflag:s6] =	ssyncadd.s32 $0xFFFF4000  }
0x16: {  	s11 =	simm.s32 $0x80;
	[bflag:$0x0] =	sbarrier.arrive $0xFFFF  }
0x17: {  	[spmem:s2] =	stream.indirect.scatter.add.f32 [tilespmem:s10], [sflag:$0x1], $0x40, s3, s11, $0xb8;
	[tilespmem:$0x14300] =	vst v63  }
0x18: {  	_ =	swait.ge [sflag:s6], $0x2000  }
0x19: {  	[sflag:s6] =	ssyncset.done $0x0  }
0x1a: {  	s12 =	simm.s32 $0x2300;
	[sflag:s6] =	ssyncadd.s32 $0xFFFFE000  }
0x1b: {  	[spmem:s2] =	stream.indirect.scatter.add.f32 [tilespmem:s12], [sflag:$0x1], $0x40, s11, s11, $0xb8;
	[tilespmem:$0x14300] =	vst v63  }
0x1c: {  	_ =	swait.ge [sflag:s6], $0x2000  }
0x1d: {  	[sflag:s6] =	ssyncset.done $0x0  }
0x1e: {  	s13 =	simm.s32 $0x100;
	s14 =	simm.s32 $0x4300;
	[sflag:s6] =	ssyncadd.s32 $0xFFFFE000  }
0x1f: {  	[spmem:s2] =	stream.indirect.scatter.add.f32 [tilespmem:s14], [sflag:$0x1], $0x40, s13, s11, $0xb8;
	[tilespmem:$0x14300] =	vst v63  }
0x20: {  	_ =	swait.ge [sflag:s6], $0x2000  }
0x21: {  	[sflag:s6] =	ssyncset.done $0x0  }
0x22: {  	s15 =	simm.s32 $0x180;
	s16 =	simm.s32 $0x6300;
	[sflag:s6] =	ssyncadd.s32 $0xFFFFE000  }
0x23: {  	[spmem:s2] =	stream.indirect.scatter.add.f32 [tilespmem:s16], [sflag:$0x1], $0x40, s15, s11, $0xb8;
	[tilespmem:$0x14300] =	vst v63  }
0x24: {  	_ =	swait.ge [sflag:s6], $0x2000  }
0x25: {  	[sflag:s6] =	ssyncset.done $0x0  }
0x26: {  	s17 =	simm.s32 $0x200;
	s18 =	simm.s32 $0x8300;
	[sflag:s6] =	ssyncadd.s32 $0xFFFFE000  }
0x27: {  	[spmem:s2] =	stream.indirect.scatter.add.f32 [tilespmem:s18], [sflag:$0x1], $0x40, s17, s11, $0xb8;
	[tilespmem:$0x14300] =	vst v63  }
0x28: {  	s24 =	sshll.u32 s22, $0x13;
	s22 =	ssub.s32 $0x2, s22;
	_ =	swait.ge [sflag:s6], $0x2000  }
0x29: {  	s19 =	simm.s32 $0x280;
	s31 =	sshrl.u32 s22, $0x1;
	[sflag:s6] =	ssyncset.done $0x0  }
0x2a: {  	s20 =	simm.s32 $0xA300;
	s22 =	ssub.s32 s22, s31;
	[sflag:s6] =	ssyncadd.s32 $0xFFFFE000  }
0x2b: {  	[spmem:s2] =	stream.indirect.scatter.add.f32 [tilespmem:s20], [sflag:$0x1], $0x40, s19, s11, $0xb8;
	[tilespmem:$0x14300] =	vst v63  }
0x2c: {  	s23 =	sor.u32 s23, s24;
	s22 =	smax.u32 s22, $0x1;
	_ =	swait.ge [sflag:s6], $0x2000  }
0x2d: {  	s23 =	sshrl.u32 s23, $0x3;
	p0 =	sne.s32 s22, $0x1;
	[sflag:s6] =	ssyncset.done $0x0  }
.Ltmp0:
0x2e: {  	s21 =	sadd.s32 s23, s21;
	[sflag:s6] =	ssyncadd.s32 $0xFFFFE000;
	(pc) =	sbr.rel @!p0 .LBB2_2-.Ltmp0, $4  }
0x2f: {  	s21 =	sadd.s32 $0x42000, s21;
	[bflag:$0x0] =	sbarrier.arrive $0xFFFF  }
0x30: {  	[hbm:s21], [sflag:s5] =	dma.local [spmem:s7], $0x1000  }
0x31: {  	_ =	swait.ge [sflag:s6], $0x1000  }
0x32: {  	s22 =	sadd.s32 $0xFFFFFFFF, s22;
	[sflag:s6] =	ssyncset.done $0x0  }
.LBB2_1:
0x33: {  	p0 =	sne.s32 s22, $0x1;
	s22 =	sadd.s32 $0xFFFFFFFF, s22;
	[sflag:s6] =	ssyncadd.s32 $0xFFFFF000  }
0x34: {  	[spmem:s7], [sflag:s5] =	dma.local [hbm:s4], $0x1000  }
0x35: {  	_ =	swait.ge [sflag:s6], $0x1000  }
0x36: {  	[sflag:s6] =	ssyncset.done $0x0  }
0x37: {  	[sflag:s6] =	ssyncadd.s32 $0xFFFFF000  }
0x38: {  	[tilespmem:s3], [sflag:$0x1] =	stream.linear.gather [hbm4b:s8+s3], $0x300, $0x38;
	[tilespmem:$0x14300] =	vst v63  }
0x39: {  	_ =	swait.ge [sflag:s6], $0x300  }
0x3a: {  	[sflag:s6] =	ssyncset.done $0x0  }
0x3b: {  	[sflag:s6] =	ssyncadd.s32 $0xFFFFFD00  }
0x3c: {  	[tilespmem:s10], [sflag:$0x1] =	stream.linear.gather [hbm4b:s9+s3], $0xC000, $0x38;
	[tilespmem:$0x14300] =	vst v63  }
0x3d: {  	_ =	swait.ge [sflag:s6], $0xC000  }
0x3e: {  	[sflag:s6] =	ssyncset.done $0x0  }
0x3f: {  	[sflag:s6] =	ssyncadd.s32 $0xFFFF4000  }
0x40: {  	[bflag:$0x0] =	sbarrier.arrive $0xFFFF  }
0x41: {  	[spmem:s2] =	stream.indirect.scatter.add.f32 [tilespmem:s10], [sflag:$0x1], $0x40, s3, s11, $0xb8;
	[tilespmem:$0x14300] =	vst v63  }
0x42: {  	_ =	swait.ge [sflag:s6], $0x2000  }
0x43: {  	[sflag:s6] =	ssyncset.done $0x0  }
0x44: {  	[sflag:s6] =	ssyncadd.s32 $0xFFFFE000  }
0x45: {  	[spmem:s2] =	stream.indirect.scatter.add.f32 [tilespmem:s12], [sflag:$0x1], $0x40, s11, s11, $0xb8;
	[tilespmem:$0x14300] =	vst v63  }
0x46: {  	_ =	swait.ge [sflag:s6], $0x2000  }
0x47: {  	[sflag:s6] =	ssyncset.done $0x0  }
0x48: {  	[sflag:s6] =	ssyncadd.s32 $0xFFFFE000  }
0x49: {  	[spmem:s2] =	stream.indirect.scatter.add.f32 [tilespmem:s14], [sflag:$0x1], $0x40, s13, s11, $0xb8;
	[tilespmem:$0x14300] =	vst v63  }
0x4a: {  	_ =	swait.ge [sflag:s6], $0x2000  }
0x4b: {  	[sflag:s6] =	ssyncset.done $0x0  }
0x4c: {  	[sflag:s6] =	ssyncadd.s32 $0xFFFFE000  }
0x4d: {  	[spmem:s2] =	stream.indirect.scatter.add.f32 [tilespmem:s16], [sflag:$0x1], $0x40, s15, s11, $0xb8;
	[tilespmem:$0x14300] =	vst v63  }
0x4e: {  	_ =	swait.ge [sflag:s6], $0x2000  }
0x4f: {  	[sflag:s6] =	ssyncset.done $0x0  }
0x50: {  	[sflag:s6] =	ssyncadd.s32 $0xFFFFE000  }
0x51: {  	[spmem:s2] =	stream.indirect.scatter.add.f32 [tilespmem:s18], [sflag:$0x1], $0x40, s17, s11, $0xb8;
	[tilespmem:$0x14300] =	vst v63  }
0x52: {  	_ =	swait.ge [sflag:s6], $0x2000  }
0x53: {  	[sflag:s6] =	ssyncset.done $0x0  }
0x54: {  	[sflag:s6] =	ssyncadd.s32 $0xFFFFE000  }
0x55: {  	[spmem:s2] =	stream.indirect.scatter.add.f32 [tilespmem:s20], [sflag:$0x1], $0x40, s19, s11, $0xb8;
	[tilespmem:$0x14300] =	vst v63  }
0x56: {  	_ =	swait.ge [sflag:s6], $0x2000  }
0x57: {  	[sflag:s6] =	ssyncset.done $0x0  }
.Ltmp1:
0x58: {  	[sflag:s6] =	ssyncadd.s32 $0xFFFFE000;
	(pc) =	sbr.rel @p0 .LBB2_1-.Ltmp1, $4  }
0x59: {  	[bflag:$0x0] =	sbarrier.arrive $0xFFFF  }
0x5a: {  	[hbm:s21], [sflag:s5] =	dma.local [spmem:s7], $0x1000  }
0x5b: {  	_ =	swait.ge [sflag:s6], $0x1000  }
0x5c: {  	[sflag:s6] =	ssyncset.done $0x0  }
.LBB2_2:
0x5d: {  	[sflag:s6] =	ssyncadd.s32 $0xFFFFF000  }
0x5e: {  	_ =	sfence.sel $0x180000  }
0x5f: {  	[bflag:$0x0] =	sbarrier.arrive $0xFFFF  }
0x60: {  	p0 =	sne.s32 s1, $0x0;
	_ =	strace $0x9000004D  }
0x61: {  	s0 =	sadd.s32 @!p0 $0x100000, s0;
	[bflag:$0x2] =	sbarrier.arrive $0xFFFF  }
0x62: {  	[sflag:s0] =	ssyncadd.tile.s32 @!p0 $0x1;
	_ =	shalt  }
.Lfunc_end2:
_tile_overlayer_lowered:
.L_overlay_start_2:
0x63: {  	(tag) =	ssettag $0x2  }
0x64: {  	s0 =	rddreg [dreg:$0x0];
	s2 =	stileid.u32  }
0x65: {  	s1 =	rddreg [dreg:$0x1];
	p0 =	sne.s32 s2, $0x0  }
0x66: {  	s3 =	rddreg [dreg:$0x2];
	[bflag:$0x3] =	sbarrier.arrive $0xFFFF;
	s2 =	simm.s32 @!p0 $0x1C01  }
0x67: {  	[timem:s3], [sflag:s2] =	dma.local @!p0 [hbm:s0], s1  }
0x68: {  	s0 =	simm.s32 @!p0 $0x1  }
0x69: {  	_ =	swait.ge @!p0 [sflag:s0], s1  }
0x6a: {  	s1 =	ssub.s32 @!p0 $0x0, s1;
	[sflag:s0] =	ssyncset.done @!p0 $0x0  }
0x6b: {  	[sflag:s0] =	ssyncadd.s32 @!p0 s1  }
0x6c: {  	[bflag:$0x3] =	sbarrier.arrive $0xFFFF  }
0x6d: {  	_ =	shalt  }

// kernel: kernel.20.cloned.1.call-start
scs
__scs_entry_jumppad:
0x0: {  	(pc) =	sbr.rel $0x88, $3  }
0x1: {  	(tag) =	ssettag $0x0;
	lr =	simm.s32 $0x1  }
0x2: {  	[smem:$0x3F9C] =	sst lr;
	_ =	strace $0xD0000000  }
0x3: {  	_ = 	snop  }
0x4: {  	_ = 	snop  }
0x5: {  	_ = 	snop  }
0x6: {  	_ = 	snop  }
0x7: {  	_ = 	snop  }
__scs_overlays_trampoline_lowered:
0x8: {  	[smem:$0x3FAB] =	sst s0  }
0x9: {  	[smem:$0x3FAC] =	sst s1  }
0xa: {  	[smem:$0x3FAD] =	sst s2  }
0xb: {  	[smem:$0x3FAE] =	sst s3  }
0xc: {  	[smem:$0x3FAF] =	sst s4  }
0xd: {  	[smem:$0x3FB0] =	sst s5  }
0xe: {  	[smem:$0x3FB1] =	sst s6  }
0xf: {  	[smem:$0x3FB2] =	sst s7  }
0x10: {  	[smem:$0x3FB3] =	sst s8  }
0x11: {  	[smem:$0x3FB4] =	sst s9;
	s0 =	simm.s32 @!p0 $0x0  }
0x12: {  	s1 =	sld [smem:$0x3F9A];
	s0 =	simm.s32 @p0 $0x1  }
0x13: {  	[smem:$0x3FB5] =	sst s0;
	s0 =	simm.s32 @!p1 $0x0  }
0x14: {  	s2 =	sld [smem:$0x3F99];
	s0 =	simm.s32 @p1 $0x1  }
0x15: {  	[smem:$0x3FB6] =	sst s0;
	s0 =	simm.s32 @!p2 $0x0  }
0x16: {  	s3 =	sld [smem:$0x3FDB];
	s0 =	simm.s32 @p2 $0x1  }
0x17: {  	s4 =	simm.s32 $0x1BF5;
	[smem:$0x3FB8] =	sst s0  }
0x18: {  	s0 =	sld [smem:$0x3F9B];
	_ =	swait.ge [sflag:s4], $0x0  }
0x19: {  	s7 =	sld [smem:$0x3F9C]  }
0x1a: {  	s8 =	sadd.s32 $0xFFFFE003, lr  }
0x1b: {  	s9 =	sadd.s32 $0xFFFFFEF7, lr;
	s5 =	simm.s32 $0xFFFFFFFF;
	p2 =	slt.u32 s8, $0xFFFFF086  }
0x1c: {  	p1 =	slt.u32 s9, $0xF7A;
	s5 =	simm.s32 @!p2 $0x0  }
0x1d: {  	s5 =	simm.s32 @p1 $0x1;
	p0 =	seq.s32 s7, s2  }
0x1e: {  	s7 =	smul.u32 @!p0 $0xF7A, s2;
	p2 =	seq.s32 @!p0 s5, $0x0  }
0x1f: {  	s9 =	smul.u32 $0xF7A, s1;
	s8 =	simm.s32 @!p0 $0x1BF5;
	p2 =	por !p2, p0  }
0x20: {  	[sflag:s8] =	ssyncset.s32 @!p0 $0xFFFFF086;
	s6 =	sadd.s32 @!p0 s3, s7;
	s7 =	simm.s32 @!p0 $0x108  }
0x21: {  	s3 =	sadd.s32 s3, s9;
	s6 =	sadd.s32 @!p0 $0x88, s6;
	s7 =	simm.s32 @p2 $0x1082  }
0x22: {  	[simem:s7], [sflag:s8] =	dma.local @!p0 [hbm:s6], $0xF7A  }
0x23: {  	s9 =	sor.u32 $0xD0000000, s2;
	s6 =	simm.s32 $0x108;
	_ =	swait.ge @!p0 [sflag:s8], $0x0  }
0x24: {  	s3 =	sadd.s32 $0x88, s3;
	s6 =	simm.s32 @!p1 $0x1082;
	[sflag:s4] =	ssyncset.s32 $0xFFFFF086  }
0x25: {  	[simem:s6], [sflag:s4] =	dma.local [hbm:s3], $0xF7A  }
0x26: {  	[smem:$0x3F9C] =	sst s1;
	(tag) =	ssettag s2;
	_ =	strace s9  }
0x27: {  	s1 =	sld [smem:$0x3FAC]  }
0x28: {  	s2 =	sld [smem:$0x3FAD]  }
0x29: {  	s4 =	sld [smem:$0x3FAF]  }
0x2a: {  	p0 =	seq.s32 s5, $0x0;
	s5 =	sld [smem:$0x3FB0]  }
0x2b: {  	s6 =	sld [smem:$0x3FB1]  }
0x2c: {  	s7 =	sld [smem:$0x3FB2]  }
0x2d: {  	s3 =	simm.s32 $0x108;
	s8 =	sld [smem:$0x3FB3]  }
0x2e: {  	s3 =	simm.s32 @!p0 $0x1082;
	s9 =	sld [smem:$0x3FB4]  }
0x2f: {  	lr =	sadd.s32 s0, s3;
	s0 =	sld [smem:$0x3FAB]  }
0x30: {  	s3 =	sld [smem:$0x3FAE]  }
0x31: {  	[smem:$0x3FB7] =	sst s10  }
0x32: {  	s10 =	sld [smem:$0x3FB5];
	_ =	sdelay $0x3  }
0x33: {  	p0 =	seq.s32 s10, $0x1;
	s10 =	sld [smem:$0x3FB7];
	_ =	sdelay $0x3  }
0x34: {  	[smem:$0x3FB7] =	sst s10  }
0x35: {  	s10 =	sld [smem:$0x3FB6];
	_ =	sdelay $0x3  }
0x36: {  	p1 =	seq.s32 s10, $0x1;
	s10 =	sld [smem:$0x3FB7];
	_ =	sdelay $0x3  }
0x37: {  	[smem:$0x3FB7] =	sst s10  }
0x38: {  	s10 =	sld [smem:$0x3FB8]  }
0x39: {  	_ = 	snop;
	(pc) =	sbr.ind lr, $3  }
0x3a: {  	_ = 	snop  }
0x3b: {  	_ = 	snop  }
0x3c: {  	p2 =	seq.s32 s10, $0x1;
	s10 =	sld [smem:$0x3FB7]  }
0x3d: {  	_ =	shalt  }
0x3e: {  	_ =	shalt  }
0x3f: {  	_ =	shalt  }
0x40: {  	_ =	shalt  }
0x41: {  	_ =	shalt  }
0x42: {  	_ =	shalt  }
0x43: {  	_ =	shalt  }
0x44: {  	_ =	shalt  }
0x45: {  	_ =	shalt  }
0x46: {  	_ =	shalt  }
0x47: {  	_ =	shalt  }
0x48: {  	_ =	shalt  }
0x49: {  	_ =	shalt  }
0x4a: {  	_ =	shalt  }
0x4b: {  	_ =	shalt  }
0x4c: {  	_ =	shalt  }
0x4d: {  	_ =	shalt  }
0x4e: {  	_ =	shalt  }
0x4f: {  	_ =	shalt  }
0x50: {  	_ =	shalt  }
0x51: {  	_ =	shalt  }
0x52: {  	_ =	shalt  }
0x53: {  	_ =	shalt  }
0x54: {  	_ =	shalt  }
0x55: {  	_ =	shalt  }
0x56: {  	_ =	shalt  }
0x57: {  	_ =	shalt  }
0x58: {  	_ =	shalt  }
0x59: {  	_ =	shalt  }
0x5a: {  	_ =	shalt  }
0x5b: {  	_ =	shalt  }
0x5c: {  	_ =	shalt  }
0x5d: {  	_ =	shalt  }
0x5e: {  	_ =	shalt  }
0x5f: {  	_ =	shalt  }
0x60: {  	_ =	shalt  }
0x61: {  	_ =	shalt  }
0x62: {  	_ =	shalt  }
0x63: {  	_ =	shalt  }
0x64: {  	_ =	shalt  }
0x65: {  	_ =	shalt  }
0x66: {  	_ =	shalt  }
0x67: {  	_ =	shalt  }
0x68: {  	_ =	shalt  }
0x69: {  	_ =	shalt  }
0x6a: {  	_ =	shalt  }
0x6b: {  	_ =	shalt  }
0x6c: {  	_ =	shalt  }
0x6d: {  	_ =	shalt  }
0x6e: {  	_ =	shalt  }
0x6f: {  	_ =	shalt  }
0x70: {  	_ =	shalt  }
0x71: {  	_ =	shalt  }
0x72: {  	_ =	shalt  }
0x73: {  	_ =	shalt  }
0x74: {  	_ =	shalt  }
0x75: {  	_ =	shalt  }
0x76: {  	_ =	shalt  }
0x77: {  	_ =	shalt  }
0x78: {  	_ =	shalt  }
0x79: {  	_ =	shalt  }
0x7a: {  	_ =	shalt  }
0x7b: {  	_ =	shalt  }
0x7c: {  	_ =	shalt  }
0x7d: {  	_ =	shalt  }
0x7e: {  	_ =	shalt  }
0x7f: {  	_ =	shalt  }
0x80: {  	_ =	shalt  }
0x81: {  	_ =	shalt  }
0x82: {  	_ =	shalt  }
0x83: {  	_ =	shalt  }
0x84: {  	_ =	shalt  }
0x85: {  	_ =	shalt  }
0x86: {  	_ =	shalt  }
0x87: {  	_ =	shalt  }
.Lfunc_end0:
.L_simem_size_0:
called_computation.3_lowered:
.L_overlay_start_0:
0x88: {  	s2 =	sld [smem:$0x3FD9]  }
0x89: {  	s3 =	sld [smem:$0x3FFE];
	_ =	sdelay $0x1  }
0x8a: {  	s1 =	srdreg.scid  }
0x8b: {  	s0 =	sand.u32 $0x1, s1  }
0x8c: {  	s16 =	sshll.u32 s0, $0xA;
	s2 =	sadd.s32 s3, s2  }
0x8d: {  	s2 =	sadd.s32 s2, s16  }
0x8e: {  	[smem:$0x3FC3] =	sst s2  }
0x8f: {  	_ = 	snop  }
0x90: {  	(tm) =	ssettm $0x1  }
0x91: {  	s17 =	sld [smem:$0x3FFB];
	_ =	sdelay $0x3  }
0x92: {  	_ =	strace s17  }
0x93: {  	s2 =	sld [smem:$0x3FFC];
	_ =	sdelay $0x3  }
0x94: {  	_ =	strace s2  }
0x95: {  	s2 =	sld [smem:$0x3FFD];
	_ =	sdelay $0x3  }
0x96: {  	_ =	strace s2  }
0x97: {  	_ =	strace $0x8FFFFFFF  }
0x98: {  	s18 =	sld [smem:$0x3FDB];
	_ =	sdelay $0x1  }
0x99: {  	s19 =	simm.s32 $_scs_section_size  }
0x9a: {  	s4 =	simm.s32 $_size__tile_overlayer_lowered;
	s5 =	simm.s32 $_tile_overlayer_lowered  }
0x9b: {  	s22 =	simm.s32 $0x1BFF;
	s21 =	sshll.u32 s5, $0x1;
	s2 =	sadd.s32 s19, s18  }
0x9c: {  	s6 =	simm.s32 $0x0;
	s20 =	sshll.u32 s4, $0x1;
	s4 =	sadd.s32 s21, s2  }
0x9d: {  	[timem:s6], [sflag:s22] =	dma.local [hbm:s4], s20  }
0x9e: {  	_ =	swait.ge [sflag:s22], s20  }
0x9f: {  	s3 =	ssub.s32 $0x0, s20;
	[sflag:s22] =	ssyncset.done $0x0  }
0xa0: {  	[sflag:s22] =	ssyncadd.s32 s3;
	_ =	sdelay $0x1  }
0xa1: {  	s23 =	simm.s32 $0x1B8B  }
0xa2: {  	_ =	swait.ge [sflag:s23], $0x1  }
0xa3: {  	[sflag:s23] =	ssyncset.done $0x0  }
0xa4: {  	s25 =	simm.s32 $0x1B8E;
	s24 =	sld [smem:$0x3FFE];
	[sflag:s23] =	ssyncadd.s32 $0xFFFFFFFF  }
0xa5: {  	s26 =	simm.s32 $execute0_lowered;
	[smem:$0x3FD2] =	sst s25  }
0xa6: {  	s4 =	sshll.u32 s26, $0x1;
	_ =	strace $0x8000004F;
	[dreg:$0x1] =	wrdreg $0xFFFFFFFF  }
0xa7: {  	s28 =	simm.s32 $_size_execute0_lowered;
	s2 =	sadd.s32 s2, s4;
	[dreg:$0x0] =	wrdreg $0x0  }
0xa8: {  	s4 =	sshll.u32 s28, $0x1;
	[dreg:$0x2] =	wrdreg s2  }
0xa9: {  	[dreg:$0x3] =	wrdreg s4  }
0xaa: {  	[dreg:$0x4] =	wrdreg $0xC0  }
0xab: {  	_ =	task [dreg:s6], $0x5FFFF  }
0xac: {  	[dreg:$0x1] =	wrdreg $0xFFFFFFFF  }
0xad: {  	[dreg:$0x0] =	wrdreg $0x60  }
0xae: {  	[dreg:$0x2] =	wrdreg s24  }
0xaf: {  	[dreg:$0x3] =	wrdreg $0x9  }
0xb0: {  	_ =	task.clear_ibuf [dreg:s6], $0x4FFFF;
	_ =	strace $0x9000004F  }
0xb1: {  	s29 =	simm.s32 $0x9;
	_ =	strace $0x80000051  }
0xb2: {  	_ =	swait.ge [sflag:s29], $0x1  }
0xb3: {  	[sflag:s29] =	ssyncadd.s32 $0xFFFFFFFF  }
0xb4: {  	_ =	strace $0x90000051  }
0xb5: {  	_ =	sfence  }
0xb6: {  	s30 =	sld [smem:$0x0];
	_ =	sdelay $0x2  }
0xb7: {  	s31 =	sshll.u32 s1, $0xD;
	s1 =	sshrl.u32 s1, $0x2  }
0xb8: {  	s3 =	sand.u32 $0x4000, s31;
	s1 =	sadd.s32 s1, s30  }
0xb9: {  	s0 =	sor.u32 s3, s0;
	s1 =	sshll.u32 s1, $0x11  }
0xba: {  	s0 =	sor.u32 s1, s0  }
0xbb: {  	s0 =	sadd.s32 $0x8F2B, s0  }
0xbc: {  	[sflag:s0] =	ssyncadd.remote.s32 $0x1  }
0xbd: {  	_ =	sfence.sel $0xFFFF  }
0xbe: {  	[dreg:$0x0] =	wrdreg $0xFFFFFFFF;
	(pc) =	sbr.abs _section_cstart, $3  }
0xbf: {  	[dreg:$0x1] =	wrdreg $0xFFFFFFFF  }
0xc0: {  	_ =	task.clear_ibuf [dreg:s6], $0x2FFFF;
	_ =	strace $0x9FFFFFFF  }
0xc1: {  	(tm) =	ssettm $0x7FFFFFFF  }
tec
execute0_lowered:
.L_overlay_start_1:
0x0: {  	(tag) =	ssettag $0x1  }
0x1: {  	s1 =	srdreg.scid;
	s0 =	stileid.u32  }
0x2: {  	s18 =	sand.u32 $0x1, s1;
	s29 =	sshll.u32 s0, $0x1  }
0x3: {  	s19 =	sor.u32 s18, s29  }
0x4: {  	s20 =	rddreg [dreg:$0x0];
	s3 =	smul.u32 $0x60, s19  }
0x5: {  	s2 =	simm.s32 $0x0;
	s1 =	rddreg [dreg:$0x1]  }
0x6: {  	[smem:$0x7FF] =	sst s2;
	s3 =	sadd.s32 s3, s20  }
0x7: {  	_ =	strace $0x80000050;
	s4 =	sadd.s32 $0x1400, s3;
	s3 =	simm.s32 $0x2  }
0x8: {  	[tilespmem:s2], [sflag:$0x2] =	stream.linear.gather [hbm4b:s4+s2], $0x300, $0x38;
	[tilespmem:$0xC300] =	vst v63  }
0x9: {  	_ =	swait.ge [sflag:s3], $0x300  }
0xa: {  	s6 =	simm.s32 $0x80;
	[sflag:s3] =	ssyncset.done $0x0  }
0xb: {  	s7 =	simm.s32 $0x300;
	s5 =	sadd.s32 $0x2000, s20;
	[sflag:s3] =	ssyncadd.s32 $0xFFFFFD00  }
0xc: {  	[tilespmem:s7], [sflag:$0x1] =	stream.indirect.gather [hbm4b:s5+s6], $0x40, s2, s6, $0xb8;
	[tilespmem:$0xC300] =	vst v63  }
0xd: {  	s8 =	simm.s32 $0x2300  }
0xe: {  	[tilespmem:s8], [sflag:$0x1] =	stream.indirect.gather [hbm4b:s5+s6], $0x40, s6, s6, $0xb8;
	[tilespmem:$0xC300] =	vst v63  }
0xf: {  	s9 =	simm.s32 $0x100;
	s10 =	simm.s32 $0x4300  }
0x10: {  	[tilespmem:s10], [sflag:$0x1] =	stream.indirect.gather [hbm4b:s5+s6], $0x40, s9, s6, $0xb8;
	[tilespmem:$0xC300] =	vst v63  }
0x11: {  	s11 =	simm.s32 $0x180;
	s12 =	simm.s32 $0x6300  }
0x12: {  	[tilespmem:s12], [sflag:$0x1] =	stream.indirect.gather [hbm4b:s5+s6], $0x40, s11, s6, $0xb8;
	[tilespmem:$0xC300] =	vst v63  }
0x13: {  	s13 =	simm.s32 $0x200;
	s14 =	simm.s32 $0x8300  }
0x14: {  	[tilespmem:s14], [sflag:$0x1] =	stream.indirect.gather [hbm4b:s5+s6], $0x40, s13, s6, $0xb8;
	[tilespmem:$0xC300] =	vst v63  }
0x15: {  	s15 =	simm.s32 $0x280;
	s16 =	simm.s32 $0xA300;
	s17 =	simm.s32 $0x1  }
0x16: {  	[tilespmem:s16], [sflag:$0x1] =	stream.indirect.gather [hbm4b:s5+s6], $0x40, s15, s6, $0xb8;
	[tilespmem:$0xC300] =	vst v63  }
0x17: {  	_ =	swait.ge [sflag:s17], $0x2000  }
0x18: {  	[sflag:s17] =	ssyncset.done $0x0  }
0x19: {  	[sflag:s17] =	ssyncadd.s32 $0xFFFFE000  }
0x1a: {  	_ =	swait.ge [sflag:s17], $0x2000  }
0x1b: {  	[sflag:s17] =	ssyncset.done $0x0  }
0x1c: {  	[sflag:s17] =	ssyncadd.s32 $0xFFFFE000  }
0x1d: {  	_ =	swait.ge [sflag:s17], $0x2000  }
0x1e: {  	[sflag:s17] =	ssyncset.done $0x0  }
0x1f: {  	[sflag:s17] =	ssyncadd.s32 $0xFFFFE000  }
0x20: {  	_ =	swait.ge [sflag:s17], $0x2000  }
0x21: {  	[sflag:s17] =	ssyncset.done $0x0  }
0x22: {  	s18 =	ssub.s32 $0x2, s18;
	[sflag:s17] =	ssyncadd.s32 $0xFFFFE000  }
0x23: {  	s21 =	sshrl.u32 s18, $0x1;
	_ =	swait.ge [sflag:s17], $0x2000  }
0x24: {  	s30 =	ssub.s32 s18, s21;
	[sflag:s17] =	ssyncset.done $0x0  }
0x25: {  	s19 =	smul.u32 $0x1800, s19;
	s31 =	smax.u32 s30, $0x1;
	[sflag:s17] =	ssyncadd.s32 $0xFFFFE000  }
0x26: {  	p0 =	sne.s32 s31, $0x1;
	_ =	swait.ge [sflag:s17], $0x2000  }
.Ltmp0:
0x27: {  	s19 =	sadd.s32 s19, s20;
	[sflag:s17] =	ssyncset.done $0x0;
	(pc) =	sbr.rel @!p0 .LBB2_2-.Ltmp0, $4  }
0x28: {  	s18 =	sadd.s32 $0x42000, s19;
	[sflag:s17] =	ssyncadd.s32 $0xFFFFE000  }
0x29: {  	[hbm4b:s18+s2] =	stream.linear.scatter [tilespmem:s7], [sflag:$0x2], $0xC000, $0x38;
	[tilespmem:$0xC300] =	vst v63  }
0x2a: {  	_ =	swait.ge [sflag:s3], $0xC000  }
0x2b: {  	s19 =	sadd.s32 $0xFFFFFFFF, s31;
	[sflag:s3] =	ssyncset.done $0x0  }
.LBB2_1:
0x2c: {  	p0 =	sne.s32 s19, $0x1;
	s19 =	sadd.s32 $0xFFFFFFFF, s19;
	[sflag:s3] =	ssyncadd.s32 $0xFFFF4000  }
0x2d: {  	[tilespmem:s2], [sflag:$0x2] =	stream.linear.gather [hbm4b:s4+s2], $0x300, $0x38;
	[tilespmem:$0xC300] =	vst v63  }
0x2e: {  	_ =	swait.ge [sflag:s3], $0x300  }
0x2f: {  	[sflag:s3] =	ssyncset.done $0x0  }
0x30: {  	[sflag:s3] =	ssyncadd.s32 $0xFFFFFD00  }
0x31: {  	[tilespmem:s7], [sflag:$0x1] =	stream.indirect.gather [hbm4b:s5+s6], $0x40, s2, s6, $0xb8;
	[tilespmem:$0xC300] =	vst v63  }
0x32: {  	_ = 	snop  }
0x33: {  	[tilespmem:s8], [sflag:$0x1] =	stream.indirect.gather [hbm4b:s5+s6], $0x40, s6, s6, $0xb8;
	[tilespmem:$0xC300] =	vst v63  }
0x34: {  	_ = 	snop  }
0x35: {  	[tilespmem:s10], [sflag:$0x1] =	stream.indirect.gather [hbm4b:s5+s6], $0x40, s9, s6, $0xb8;
	[tilespmem:$0xC300] =	vst v63  }
0x36: {  	_ = 	snop  }
0x37: {  	[tilespmem:s12], [sflag:$0x1] =	stream.indirect.gather [hbm4b:s5+s6], $0x40, s11, s6, $0xb8;
	[tilespmem:$0xC300] =	vst v63  }
0x38: {  	_ = 	snop  }
0x39: {  	[tilespmem:s14], [sflag:$0x1] =	stream.indirect.gather [hbm4b:s5+s6], $0x40, s13, s6, $0xb8;
	[tilespmem:$0xC300] =	vst v63  }
0x3a: {  	_ = 	snop  }
0x3b: {  	[tilespmem:s16], [sflag:$0x1] =	stream.indirect.gather [hbm4b:s5+s6], $0x40, s15, s6, $0xb8;
	[tilespmem:$0xC300] =	vst v63  }
0x3c: {  	_ =	swait.ge [sflag:s17], $0x2000  }
0x3d: {  	[sflag:s17] =	ssyncset.done $0x0  }
0x3e: {  	[sflag:s17] =	ssyncadd.s32 $0xFFFFE000  }
0x3f: {  	_ =	swait.ge [sflag:s17], $0x2000  }
0x40: {  	[sflag:s17] =	ssyncset.done $0x0  }
0x41: {  	[sflag:s17] =	ssyncadd.s32 $0xFFFFE000  }
0x42: {  	_ =	swait.ge [sflag:s17], $0x2000  }
0x43: {  	[sflag:s17] =	ssyncset.done $0x0  }
0x44: {  	[sflag:s17] =	ssyncadd.s32 $0xFFFFE000  }
0x45: {  	_ =	swait.ge [sflag:s17], $0x2000  }
0x46: {  	[sflag:s17] =	ssyncset.done $0x0  }
0x47: {  	[sflag:s17] =	ssyncadd.s32 $0xFFFFE000  }
0x48: {  	_ =	swait.ge [sflag:s17], $0x2000  }
0x49: {  	[sflag:s17] =	ssyncset.done $0x0  }
0x4a: {  	[sflag:s17] =	ssyncadd.s32 $0xFFFFE000  }
0x4b: {  	_ =	swait.ge [sflag:s17], $0x2000  }
.Ltmp1:
0x4c: {  	[sflag:s17] =	ssyncset.done $0x0;
	(pc) =	sbr.rel @p0 .LBB2_1-.Ltmp1, $4  }
0x4d: {  	[sflag:s17] =	ssyncadd.s32 $0xFFFFE000  }
0x4e: {  	[hbm4b:s18+s2] =	stream.linear.scatter [tilespmem:s7], [sflag:$0x2], $0xC000, $0x38;
	[tilespmem:$0xC300] =	vst v63  }
0x4f: {  	_ =	swait.ge [sflag:s3], $0xC000  }
0x50: {  	[sflag:s3] =	ssyncset.done $0x0  }
.LBB2_2:
0x51: {  	[sflag:s3] =	ssyncadd.s32 $0xFFFF4000  }
0x52: {  	_ =	sfence.sel $0x180000  }
0x53: {  	[bflag:$0x0] =	sbarrier.arrive $0xFFFF  }
0x54: {  	p0 =	sne.s32 s0, $0x0;
	_ =	strace $0x90000050  }
0x55: {  	s0 =	sadd.s32 @!p0 $0x100000, s1;
	[bflag:$0x2] =	sbarrier.arrive $0xFFFF  }
0x56: {  	[sflag:s0] =	ssyncadd.tile.s32 @!p0 $0x1;
	_ =	shalt  }
.Lfunc_end2:
_tile_overlayer_lowered:
.L_overlay_start_2:
0x57: {  	(tag) =	ssettag $0x2  }
0x58: {  	s0 =	rddreg [dreg:$0x0];
	s2 =	stileid.u32  }
0x59: {  	s1 =	rddreg [dreg:$0x1];
	p0 =	sne.s32 s2, $0x0  }
0x5a: {  	s3 =	rddreg [dreg:$0x2];
	[bflag:$0x3] =	sbarrier.arrive $0xFFFF;
	s2 =	simm.s32 @!p0 $0x1C02  }
0x5b: {  	[timem:s3], [sflag:s2] =	dma.local @!p0 [hbm:s0], s1  }
0x5c: {  	s0 =	simm.s32 @!p0 $0x2  }
0x5d: {  	_ =	swait.ge @!p0 [sflag:s0], s1  }
0x5e: {  	s1 =	ssub.s32 @!p0 $0x0, s1;
	[sflag:s0] =	ssyncset.done @!p0 $0x0  }
0x5f: {  	[sflag:s0] =	ssyncadd.s32 @!p0 s1  }
0x60: {  	[bflag:$0x3] =	sbarrier.arrive $0xFFFF  }
0x61: {  	_ =	shalt  }

// kernel: kernel.23.cloned.1.call-start
scs
__scs_entry_jumppad:
0x0: {  	(pc) =	sbr.rel $0x88, $3  }
0x1: {  	(tag) =	ssettag $0x0;
	lr =	simm.s32 $0x1  }
0x2: {  	[smem:$0x3F9C] =	sst lr;
	_ =	strace $0xD0000000  }
0x3: {  	_ = 	snop  }
0x4: {  	_ = 	snop  }
0x5: {  	_ = 	snop  }
0x6: {  	_ = 	snop  }
0x7: {  	_ = 	snop  }
__scs_overlays_trampoline_lowered:
0x8: {  	[smem:$0x3FAB] =	sst s0  }
0x9: {  	[smem:$0x3FAC] =	sst s1  }
0xa: {  	[smem:$0x3FAD] =	sst s2  }
0xb: {  	[smem:$0x3FAE] =	sst s3  }
0xc: {  	[smem:$0x3FAF] =	sst s4  }
0xd: {  	[smem:$0x3FB0] =	sst s5  }
0xe: {  	[smem:$0x3FB1] =	sst s6  }
0xf: {  	[smem:$0x3FB2] =	sst s7  }
0x10: {  	[smem:$0x3FB3] =	sst s8  }
0x11: {  	[smem:$0x3FB4] =	sst s9;
	s0 =	simm.s32 @!p0 $0x0  }
0x12: {  	s1 =	sld [smem:$0x3F9A];
	s0 =	simm.s32 @p0 $0x1  }
0x13: {  	[smem:$0x3FB5] =	sst s0;
	s0 =	simm.s32 @!p1 $0x0  }
0x14: {  	s2 =	sld [smem:$0x3F99];
	s0 =	simm.s32 @p1 $0x1  }
0x15: {  	[smem:$0x3FB6] =	sst s0;
	s0 =	simm.s32 @!p2 $0x0  }
0x16: {  	s3 =	sld [smem:$0x3FDB];
	s0 =	simm.s32 @p2 $0x1  }
0x17: {  	s4 =	simm.s32 $0x1BF5;
	[smem:$0x3FB8] =	sst s0  }
0x18: {  	s0 =	sld [smem:$0x3F9B];
	_ =	swait.ge [sflag:s4], $0x0  }
0x19: {  	s7 =	sld [smem:$0x3F9C]  }
0x1a: {  	s8 =	sadd.s32 $0xFFFFE003, lr  }
0x1b: {  	s9 =	sadd.s32 $0xFFFFFEF7, lr;
	s5 =	simm.s32 $0xFFFFFFFF;
	p2 =	slt.u32 s8, $0xFFFFF086  }
0x1c: {  	p1 =	slt.u32 s9, $0xF7A;
	s5 =	simm.s32 @!p2 $0x0  }
0x1d: {  	s5 =	simm.s32 @p1 $0x1;
	p0 =	seq.s32 s7, s2  }
0x1e: {  	s7 =	smul.u32 @!p0 $0xF7A, s2;
	p2 =	seq.s32 @!p0 s5, $0x0  }
0x1f: {  	s9 =	smul.u32 $0xF7A, s1;
	s8 =	simm.s32 @!p0 $0x1BF5;
	p2 =	por !p2, p0  }
0x20: {  	[sflag:s8] =	ssyncset.s32 @!p0 $0xFFFFF086;
	s6 =	sadd.s32 @!p0 s3, s7;
	s7 =	simm.s32 @!p0 $0x108  }
0x21: {  	s3 =	sadd.s32 s3, s9;
	s6 =	sadd.s32 @!p0 $0x88, s6;
	s7 =	simm.s32 @p2 $0x1082  }
0x22: {  	[simem:s7], [sflag:s8] =	dma.local @!p0 [hbm:s6], $0xF7A  }
0x23: {  	s9 =	sor.u32 $0xD0000000, s2;
	s6 =	simm.s32 $0x108;
	_ =	swait.ge @!p0 [sflag:s8], $0x0  }
0x24: {  	s3 =	sadd.s32 $0x88, s3;
	s6 =	simm.s32 @!p1 $0x1082;
	[sflag:s4] =	ssyncset.s32 $0xFFFFF086  }
0x25: {  	[simem:s6], [sflag:s4] =	dma.local [hbm:s3], $0xF7A  }
0x26: {  	[smem:$0x3F9C] =	sst s1;
	(tag) =	ssettag s2;
	_ =	strace s9  }
0x27: {  	s1 =	sld [smem:$0x3FAC]  }
0x28: {  	s2 =	sld [smem:$0x3FAD]  }
0x29: {  	s4 =	sld [smem:$0x3FAF]  }
0x2a: {  	p0 =	seq.s32 s5, $0x0;
	s5 =	sld [smem:$0x3FB0]  }
0x2b: {  	s6 =	sld [smem:$0x3FB1]  }
0x2c: {  	s7 =	sld [smem:$0x3FB2]  }
0x2d: {  	s3 =	simm.s32 $0x108;
	s8 =	sld [smem:$0x3FB3]  }
0x2e: {  	s3 =	simm.s32 @!p0 $0x1082;
	s9 =	sld [smem:$0x3FB4]  }
0x2f: {  	lr =	sadd.s32 s0, s3;
	s0 =	sld [smem:$0x3FAB]  }
0x30: {  	s3 =	sld [smem:$0x3FAE]  }
0x31: {  	[smem:$0x3FB7] =	sst s10  }
0x32: {  	s10 =	sld [smem:$0x3FB5];
	_ =	sdelay $0x3  }
0x33: {  	p0 =	seq.s32 s10, $0x1;
	s10 =	sld [smem:$0x3FB7];
	_ =	sdelay $0x3  }
0x34: {  	[smem:$0x3FB7] =	sst s10  }
0x35: {  	s10 =	sld [smem:$0x3FB6];
	_ =	sdelay $0x3  }
0x36: {  	p1 =	seq.s32 s10, $0x1;
	s10 =	sld [smem:$0x3FB7];
	_ =	sdelay $0x3  }
0x37: {  	[smem:$0x3FB7] =	sst s10  }
0x38: {  	s10 =	sld [smem:$0x3FB8]  }
0x39: {  	_ = 	snop;
	(pc) =	sbr.ind lr, $3  }
0x3a: {  	_ = 	snop  }
0x3b: {  	_ = 	snop  }
0x3c: {  	p2 =	seq.s32 s10, $0x1;
	s10 =	sld [smem:$0x3FB7]  }
0x3d: {  	_ =	shalt  }
0x3e: {  	_ =	shalt  }
0x3f: {  	_ =	shalt  }
0x40: {  	_ =	shalt  }
0x41: {  	_ =	shalt  }
0x42: {  	_ =	shalt  }
0x43: {  	_ =	shalt  }
0x44: {  	_ =	shalt  }
0x45: {  	_ =	shalt  }
0x46: {  	_ =	shalt  }
0x47: {  	_ =	shalt  }
0x48: {  	_ =	shalt  }
0x49: {  	_ =	shalt  }
0x4a: {  	_ =	shalt  }
0x4b: {  	_ =	shalt  }
0x4c: {  	_ =	shalt  }
0x4d: {  	_ =	shalt  }
0x4e: {  	_ =	shalt  }
0x4f: {  	_ =	shalt  }
0x50: {  	_ =	shalt  }
0x51: {  	_ =	shalt  }
0x52: {  	_ =	shalt  }
0x53: {  	_ =	shalt  }
0x54: {  	_ =	shalt  }
0x55: {  	_ =	shalt  }
0x56: {  	_ =	shalt  }
0x57: {  	_ =	shalt  }
0x58: {  	_ =	shalt  }
0x59: {  	_ =	shalt  }
0x5a: {  	_ =	shalt  }
0x5b: {  	_ =	shalt  }
0x5c: {  	_ =	shalt  }
0x5d: {  	_ =	shalt  }
0x5e: {  	_ =	shalt  }
0x5f: {  	_ =	shalt  }
0x60: {  	_ =	shalt  }
0x61: {  	_ =	shalt  }
0x62: {  	_ =	shalt  }
0x63: {  	_ =	shalt  }
0x64: {  	_ =	shalt  }
0x65: {  	_ =	shalt  }
0x66: {  	_ =	shalt  }
0x67: {  	_ =	shalt  }
0x68: {  	_ =	shalt  }
0x69: {  	_ =	shalt  }
0x6a: {  	_ =	shalt  }
0x6b: {  	_ =	shalt  }
0x6c: {  	_ =	shalt  }
0x6d: {  	_ =	shalt  }
0x6e: {  	_ =	shalt  }
0x6f: {  	_ =	shalt  }
0x70: {  	_ =	shalt  }
0x71: {  	_ =	shalt  }
0x72: {  	_ =	shalt  }
0x73: {  	_ =	shalt  }
0x74: {  	_ =	shalt  }
0x75: {  	_ =	shalt  }
0x76: {  	_ =	shalt  }
0x77: {  	_ =	shalt  }
0x78: {  	_ =	shalt  }
0x79: {  	_ =	shalt  }
0x7a: {  	_ =	shalt  }
0x7b: {  	_ =	shalt  }
0x7c: {  	_ =	shalt  }
0x7d: {  	_ =	shalt  }
0x7e: {  	_ =	shalt  }
0x7f: {  	_ =	shalt  }
0x80: {  	_ =	shalt  }
0x81: {  	_ =	shalt  }
0x82: {  	_ =	shalt  }
0x83: {  	_ =	shalt  }
0x84: {  	_ =	shalt  }
0x85: {  	_ =	shalt  }
0x86: {  	_ =	shalt  }
0x87: {  	_ =	shalt  }
.Lfunc_end0:
.L_simem_size_0:
called_computation.4_lowered:
.L_overlay_start_0:
0x88: {  	s2 =	sld [smem:$0x3FD9]  }
0x89: {  	s3 =	sld [smem:$0x3FFE];
	_ =	sdelay $0x1  }
0x8a: {  	s1 =	srdreg.scid  }
0x8b: {  	s0 =	sand.u32 $0x1, s1  }
0x8c: {  	s16 =	sshll.u32 s0, $0xA;
	s2 =	sadd.s32 s3, s2  }
0x8d: {  	s2 =	sadd.s32 s2, s16  }
0x8e: {  	[smem:$0x3FC3] =	sst s2  }
0x8f: {  	_ = 	snop  }
0x90: {  	(tm) =	ssettm $0x1  }
0x91: {  	s17 =	sld [smem:$0x3FFB];
	_ =	sdelay $0x3  }
0x92: {  	_ =	strace s17  }
0x93: {  	s2 =	sld [smem:$0x3FFC];
	_ =	sdelay $0x3  }
0x94: {  	_ =	strace s2  }
0x95: {  	s2 =	sld [smem:$0x3FFD];
	_ =	sdelay $0x3  }
0x96: {  	_ =	strace s2  }
0x97: {  	_ =	strace $0x8FFFFFFF  }
0x98: {  	s18 =	sld [smem:$0x3FDB];
	_ =	sdelay $0x1  }
0x99: {  	s19 =	simm.s32 $_scs_section_size  }
0x9a: {  	s4 =	simm.s32 $_size__tile_overlayer_lowered;
	s5 =	simm.s32 $_tile_overlayer_lowered  }
0x9b: {  	s22 =	simm.s32 $0x1BFF;
	s21 =	sshll.u32 s5, $0x1;
	s2 =	sadd.s32 s19, s18  }
0x9c: {  	s6 =	simm.s32 $0x0;
	s20 =	sshll.u32 s4, $0x1;
	s4 =	sadd.s32 s21, s2  }
0x9d: {  	[timem:s6], [sflag:s22] =	dma.local [hbm:s4], s20  }
0x9e: {  	_ =	swait.ge [sflag:s22], s20  }
0x9f: {  	s3 =	ssub.s32 $0x0, s20;
	[sflag:s22] =	ssyncset.done $0x0  }
0xa0: {  	[sflag:s22] =	ssyncadd.s32 s3;
	_ =	sdelay $0x1  }
0xa1: {  	s23 =	simm.s32 $0x1B8B  }
0xa2: {  	_ =	swait.ge [sflag:s23], $0x1  }
0xa3: {  	[sflag:s23] =	ssyncset.done $0x0  }
0xa4: {  	s25 =	simm.s32 $0x1B8E;
	s24 =	sld [smem:$0x3FFE];
	[sflag:s23] =	ssyncadd.s32 $0xFFFFFFFF  }
0xa5: {  	s26 =	simm.s32 $execute0_lowered;
	[smem:$0x3FD2] =	sst s25  }
0xa6: {  	s4 =	sshll.u32 s26, $0x1;
	_ =	strace $0x80000052;
	[dreg:$0x1] =	wrdreg $0xFFFFFFFF  }
0xa7: {  	s28 =	simm.s32 $_size_execute0_lowered;
	s2 =	sadd.s32 s2, s4;
	[dreg:$0x0] =	wrdreg $0x0  }
0xa8: {  	s4 =	sshll.u32 s28, $0x1;
	[dreg:$0x2] =	wrdreg s2  }
0xa9: {  	[dreg:$0x3] =	wrdreg s4  }
0xaa: {  	[dreg:$0x4] =	wrdreg $0xC0  }
0xab: {  	_ =	task [dreg:s6], $0x5FFFF  }
0xac: {  	[dreg:$0x1] =	wrdreg $0xFFFFFFFF  }
0xad: {  	[dreg:$0x0] =	wrdreg $0x60  }
0xae: {  	[dreg:$0x2] =	wrdreg s24  }
0xaf: {  	[dreg:$0x3] =	wrdreg $0xC3000  }
0xb0: {  	[dreg:$0x4] =	wrdreg $0x9  }
0xb1: {  	_ =	task.clear_ibuf [dreg:s6], $0x5FFFF;
	_ =	strace $0x90000052  }
0xb2: {  	s29 =	simm.s32 $0x9;
	_ =	strace $0x80000054  }
0xb3: {  	_ =	swait.ge [sflag:s29], $0x1  }
0xb4: {  	[sflag:s29] =	ssyncadd.s32 $0xFFFFFFFF  }
0xb5: {  	_ =	strace $0x90000054  }
0xb6: {  	_ =	sfence  }
0xb7: {  	s30 =	sld [smem:$0x0];
	_ =	sdelay $0x2  }
0xb8: {  	s31 =	sshll.u32 s1, $0xD;
	s1 =	sshrl.u32 s1, $0x2  }
0xb9: {  	s3 =	sand.u32 $0x4000, s31;
	s1 =	sadd.s32 s1, s30  }
0xba: {  	s0 =	sor.u32 s3, s0;
	s1 =	sshll.u32 s1, $0x11  }
0xbb: {  	s0 =	sor.u32 s1, s0  }
0xbc: {  	s0 =	sadd.s32 $0x8F2B, s0  }
0xbd: {  	[sflag:s0] =	ssyncadd.remote.s32 $0x1  }
0xbe: {  	_ =	sfence.sel $0xFFFF  }
0xbf: {  	[dreg:$0x0] =	wrdreg $0xFFFFFFFF;
	(pc) =	sbr.abs _section_cstart, $3  }
0xc0: {  	[dreg:$0x1] =	wrdreg $0xFFFFFFFF  }
0xc1: {  	_ =	task.clear_ibuf [dreg:s6], $0x2FFFF;
	_ =	strace $0x9FFFFFFF  }
0xc2: {  	(tm) =	ssettm $0x7FFFFFFF  }
0xc3: {  	_ =	shalt  }
tec
execute0_lowered:
.L_overlay_start_1:
0x0: {  	(tag) =	ssettag $0x1  }
0x1: {  	s21 =	rddreg [dreg:$0x0]  }
0x2: {  	s2 =	rddreg [dreg:$0x1]  }
0x3: {  	s0 =	rddreg [dreg:$0x2]  }
0x4: {  	s3 =	simm.s32 $0x0;
	s4 =	srdreg.scid;
	s1 =	stileid.u32  }
0x5: {  	[smem:$0x7FF] =	sst s3;
	s22 =	sand.u32 $0x1, s4;
	s28 =	sshll.u32 s1, $0x1  }
0x6: {  	s29 =	sshll.u32 s1, $0xC;
	s23 =	sshll.u32 s1, $0xF;
	s5 =	sshll.u32 s1, $0x6  }
0x7: {  	_ =	strace $0x80000053;
	s8 =	sor.u32 s22, s28;
	s4 =	sadd.s32 s29, s21  }
0x8: {  	s6 =	sadd.s32 s23, s2;
	s5 =	sor.u32 $0x1C01, s5;
	s9 =	smul.u32 $0x60, s8  }
0x9: {  	s4 =	sadd.s32 $0x32000, s4;
	s7 =	sshrl.u32 s6, $0x3;
	s6 =	simm.s32 $0x1  }
0xa: {  	[spmem:s7], [sflag:s5] =	dma.local [hbm:s4], $0x1000  }
0xb: {  	_ =	swait.ge [sflag:s6], $0x1000  }
0xc: {  	s9 =	sadd.s32 s9, s21;
	[sflag:s6] =	ssyncset.done $0x0  }
0xd: {  	s10 =	smul.u32 $0x1800, s8;
	s8 =	sadd.s32 $0x1400, s9;
	[sflag:s6] =	ssyncadd.s32 $0xFFFFF000  }
0xe: {  	[tilespmem:s3], [sflag:$0x1] =	stream.linear.gather [hbm4b:s8+s3], $0x300, $0x38;
	[tilespmem:$0x14300] =	vst v63  }
0xf: {  	_ =	swait.ge [sflag:s6], $0x300  }
0x10: {  	s30 =	sadd.s32 s10, s21;
	[sflag:s6] =	ssyncset.done $0x0  }
0x11: {  	s10 =	simm.s32 $0x300;
	s9 =	sadd.s32 $0x2000, s30;
	[sflag:s6] =	ssyncadd.s32 $0xFFFFFD00  }
0x12: {  	[tilespmem:s10], [sflag:$0x1] =	stream.linear.gather [hbm4b:s9+s3], $0xC000, $0x38;
	[tilespmem:$0x14300] =	vst v63  }
0x13: {  	_ =	swait.ge [sflag:s6], $0xC000  }
0x14: {  	[sflag:s6] =	ssyncset.done $0x0  }
0x15: {  	[sflag:s6] =	ssyncadd.s32 $0xFFFF4000  }
0x16: {  	s11 =	simm.s32 $0x80;
	[bflag:$0x0] =	sbarrier.arrive $0xFFFF  }
0x17: {  	[spmem:s2] =	stream.indirect.scatter.add.f32 [tilespmem:s10], [sflag:$0x1], $0x40, s3, s11, $0xb8;
	[tilespmem:$0x14300] =	vst v63  }
0x18: {  	_ =	swait.ge [sflag:s6], $0x2000  }
0x19: {  	[sflag:s6] =	ssyncset.done $0x0  }
0x1a: {  	s12 =	simm.s32 $0x2300;
	[sflag:s6] =	ssyncadd.s32 $0xFFFFE000  }
0x1b: {  	[spmem:s2] =	stream.indirect.scatter.add.f32 [tilespmem:s12], [sflag:$0x1], $0x40, s11, s11, $0xb8;
	[tilespmem:$0x14300] =	vst v63  }
0x1c: {  	_ =	swait.ge [sflag:s6], $0x2000  }
0x1d: {  	[sflag:s6] =	ssyncset.done $0x0  }
0x1e: {  	s13 =	simm.s32 $0x100;
	s14 =	simm.s32 $0x4300;
	[sflag:s6] =	ssyncadd.s32 $0xFFFFE000  }
0x1f: {  	[spmem:s2] =	stream.indirect.scatter.add.f32 [tilespmem:s14], [sflag:$0x1], $0x40, s13, s11, $0xb8;
	[tilespmem:$0x14300] =	vst v63  }
0x20: {  	_ =	swait.ge [sflag:s6], $0x2000  }
0x21: {  	[sflag:s6] =	ssyncset.done $0x0  }
0x22: {  	s15 =	simm.s32 $0x180;
	s16 =	simm.s32 $0x6300;
	[sflag:s6] =	ssyncadd.s32 $0xFFFFE000  }
0x23: {  	[spmem:s2] =	stream.indirect.scatter.add.f32 [tilespmem:s16], [sflag:$0x1], $0x40, s15, s11, $0xb8;
	[tilespmem:$0x14300] =	vst v63  }
0x24: {  	_ =	swait.ge [sflag:s6], $0x2000  }
0x25: {  	[sflag:s6] =	ssyncset.done $0x0  }
0x26: {  	s17 =	simm.s32 $0x200;
	s18 =	simm.s32 $0x8300;
	[sflag:s6] =	ssyncadd.s32 $0xFFFFE000  }
0x27: {  	[spmem:s2] =	stream.indirect.scatter.add.f32 [tilespmem:s18], [sflag:$0x1], $0x40, s17, s11, $0xb8;
	[tilespmem:$0x14300] =	vst v63  }
0x28: {  	s24 =	sshll.u32 s22, $0x13;
	s22 =	ssub.s32 $0x2, s22;
	_ =	swait.ge [sflag:s6], $0x2000  }
0x29: {  	s19 =	simm.s32 $0x280;
	s31 =	sshrl.u32 s22, $0x1;
	[sflag:s6] =	ssyncset.done $0x0  }
0x2a: {  	s20 =	simm.s32 $0xA300;
	s22 =	ssub.s32 s22, s31;
	[sflag:s6] =	ssyncadd.s32 $0xFFFFE000  }
0x2b: {  	[spmem:s2] =	stream.indirect.scatter.add.f32 [tilespmem:s20], [sflag:$0x1], $0x40, s19, s11, $0xb8;
	[tilespmem:$0x14300] =	vst v63  }
0x2c: {  	s23 =	sor.u32 s23, s24;
	s22 =	smax.u32 s22, $0x1;
	_ =	swait.ge [sflag:s6], $0x2000  }
0x2d: {  	s23 =	sshrl.u32 s23, $0x3;
	p0 =	sne.s32 s22, $0x1;
	[sflag:s6] =	ssyncset.done $0x0  }
.Ltmp0:
0x2e: {  	s21 =	sadd.s32 s23, s21;
	[sflag:s6] =	ssyncadd.s32 $0xFFFFE000;
	(pc) =	sbr.rel @!p0 .LBB2_2-.Ltmp0, $4  }
0x2f: {  	s21 =	sadd.s32 $0x42000, s21;
	[bflag:$0x0] =	sbarrier.arrive $0xFFFF  }
0x30: {  	[hbm:s21], [sflag:s5] =	dma.local [spmem:s7], $0x1000  }
0x31: {  	_ =	swait.ge [sflag:s6], $0x1000  }
0x32: {  	s22 =	sadd.s32 $0xFFFFFFFF, s22;
	[sflag:s6] =	ssyncset.done $0x0  }
.LBB2_1:
0x33: {  	p0 =	sne.s32 s22, $0x1;
	s22 =	sadd.s32 $0xFFFFFFFF, s22;
	[sflag:s6] =	ssyncadd.s32 $0xFFFFF000  }
0x34: {  	[spmem:s7], [sflag:s5] =	dma.local [hbm:s4], $0x1000  }
0x35: {  	_ =	swait.ge [sflag:s6], $0x1000  }
0x36: {  	[sflag:s6] =	ssyncset.done $0x0  }
0x37: {  	[sflag:s6] =	ssyncadd.s32 $0xFFFFF000  }
0x38: {  	[tilespmem:s3], [sflag:$0x1] =	stream.linear.gather [hbm4b:s8+s3], $0x300, $0x38;
	[tilespmem:$0x14300] =	vst v63  }
0x39: {  	_ =	swait.ge [sflag:s6], $0x300  }
0x3a: {  	[sflag:s6] =	ssyncset.done $0x0  }
0x3b: {  	[sflag:s6] =	ssyncadd.s32 $0xFFFFFD00  }
0x3c: {  	[tilespmem:s10], [sflag:$0x1] =	stream.linear.gather [hbm4b:s9+s3], $0xC000, $0x38;
	[tilespmem:$0x14300] =	vst v63  }
0x3d: {  	_ =	swait.ge [sflag:s6], $0xC000  }
0x3e: {  	[sflag:s6] =	ssyncset.done $0x0  }
0x3f: {  	[sflag:s6] =	ssyncadd.s32 $0xFFFF4000  }
0x40: {  	[bflag:$0x0] =	sbarrier.arrive $0xFFFF  }
0x41: {  	[spmem:s2] =	stream.indirect.scatter.add.f32 [tilespmem:s10], [sflag:$0x1], $0x40, s3, s11, $0xb8;
	[tilespmem:$0x14300] =	vst v63  }
0x42: {  	_ =	swait.ge [sflag:s6], $0x2000  }
0x43: {  	[sflag:s6] =	ssyncset.done $0x0  }
0x44: {  	[sflag:s6] =	ssyncadd.s32 $0xFFFFE000  }
0x45: {  	[spmem:s2] =	stream.indirect.scatter.add.f32 [tilespmem:s12], [sflag:$0x1], $0x40, s11, s11, $0xb8;
	[tilespmem:$0x14300] =	vst v63  }
0x46: {  	_ =	swait.ge [sflag:s6], $0x2000  }
0x47: {  	[sflag:s6] =	ssyncset.done $0x0  }
0x48: {  	[sflag:s6] =	ssyncadd.s32 $0xFFFFE000  }
0x49: {  	[spmem:s2] =	stream.indirect.scatter.add.f32 [tilespmem:s14], [sflag:$0x1], $0x40, s13, s11, $0xb8;
	[tilespmem:$0x14300] =	vst v63  }
0x4a: {  	_ =	swait.ge [sflag:s6], $0x2000  }
0x4b: {  	[sflag:s6] =	ssyncset.done $0x0  }
0x4c: {  	[sflag:s6] =	ssyncadd.s32 $0xFFFFE000  }
0x4d: {  	[spmem:s2] =	stream.indirect.scatter.add.f32 [tilespmem:s16], [sflag:$0x1], $0x40, s15, s11, $0xb8;
	[tilespmem:$0x14300] =	vst v63  }
0x4e: {  	_ =	swait.ge [sflag:s6], $0x2000  }
0x4f: {  	[sflag:s6] =	ssyncset.done $0x0  }
0x50: {  	[sflag:s6] =	ssyncadd.s32 $0xFFFFE000  }
0x51: {  	[spmem:s2] =	stream.indirect.scatter.add.f32 [tilespmem:s18], [sflag:$0x1], $0x40, s17, s11, $0xb8;
	[tilespmem:$0x14300] =	vst v63  }
0x52: {  	_ =	swait.ge [sflag:s6], $0x2000  }
0x53: {  	[sflag:s6] =	ssyncset.done $0x0  }
0x54: {  	[sflag:s6] =	ssyncadd.s32 $0xFFFFE000  }
0x55: {  	[spmem:s2] =	stream.indirect.scatter.add.f32 [tilespmem:s20], [sflag:$0x1], $0x40, s19, s11, $0xb8;
	[tilespmem:$0x14300] =	vst v63  }
0x56: {  	_ =	swait.ge [sflag:s6], $0x2000  }
0x57: {  	[sflag:s6] =	ssyncset.done $0x0  }
.Ltmp1:
0x58: {  	[sflag:s6] =	ssyncadd.s32 $0xFFFFE000;
	(pc) =	sbr.rel @p0 .LBB2_1-.Ltmp1, $4  }
0x59: {  	[bflag:$0x0] =	sbarrier.arrive $0xFFFF  }
0x5a: {  	[hbm:s21], [sflag:s5] =	dma.local [spmem:s7], $0x1000  }
0x5b: {  	_ =	swait.ge [sflag:s6], $0x1000  }
0x5c: {  	[sflag:s6] =	ssyncset.done $0x0  }
.LBB2_2:
0x5d: {  	[sflag:s6] =	ssyncadd.s32 $0xFFFFF000  }
0x5e: {  	_ =	sfence.sel $0x180000  }
0x5f: {  	[bflag:$0x0] =	sbarrier.arrive $0xFFFF  }
0x60: {  	p0 =	sne.s32 s1, $0x0;
	_ =	strace $0x90000053  }
0x61: {  	s0 =	sadd.s32 @!p0 $0x100000, s0;
	[bflag:$0x2] =	sbarrier.arrive $0xFFFF  }
0x62: {  	[sflag:s0] =	ssyncadd.tile.s32 @!p0 $0x1;
	_ =	shalt  }
.Lfunc_end2:
_tile_overlayer_lowered:
.L_overlay_start_2:
0x63: {  	(tag) =	ssettag $0x2  }
0x64: {  	s0 =	rddreg [dreg:$0x0];
	s2 =	stileid.u32  }
0x65: {  	s1 =	rddreg [dreg:$0x1];
	p0 =	sne.s32 s2, $0x0  }
0x66: {  	s3 =	rddreg [dreg:$0x2];
	[bflag:$0x3] =	sbarrier.arrive $0xFFFF;
	s2 =	simm.s32 @!p0 $0x1C01  }
0x67: {  	[timem:s3], [sflag:s2] =	dma.local @!p0 [hbm:s0], s1  }
0x68: {  	s0 =	simm.s32 @!p0 $0x1  }
0x69: {  	_ =	swait.ge @!p0 [sflag:s0], s1  }
0x6a: {  	s1 =	ssub.s32 @!p0 $0x0, s1;
	[sflag:s0] =	ssyncset.done @!p0 $0x0  }
0x6b: {  	[sflag:s0] =	ssyncadd.s32 @!p0 s1  }
0x6c: {  	[bflag:$0x3] =	sbarrier.arrive $0xFFFF  }
0x6d: {  	_ =	shalt  }

</sc_bundles>
